<compile_context>
chip_gen: v7x
topology: tpu7x:2x2x1
jax: 0.10.2.dev20260603
libtpu: 0.0.44.dev20260713+nightly
codegen_flags: <defaults>
</compile_context>

<pallas_src>
import functools

import jax
import jax.numpy as jnp
import numpy as np
from jax import lax
from jax.experimental import pallas as pl
from jax.experimental.pallas import tpu as pltpu
from jax.experimental.pallas import tpu_sc as plsc

B = 128
V = 100000
TOP_P = 0.9
R = 8
GRID = B // R

G = 128
NGR = 782
VPAD = NGR * G
NGR_PAD = 896
CAP = 64
GIDBUF = 96
CAPE = 256
EBUF = 272
NTILES = 32
ROWS_PER_TILE = B // NTILES

_U32 = np.uint32
_TINY = np.float32(1.1754943508222875e-38)
_K0 = _U32(0)
_K1 = _U32(42)
_K2 = _U32(0x1BD11BDA ^ 42)


def _rowsum(x):
    n = x.shape[1]
    ones = jnp.ones((n, 1), jnp.float32)
    return jax.lax.dot_general(x, ones, (((1,), (0,)), ((), ())),
                               preferred_element_type=jnp.float32)


def _monotone_key(x):
    u = lax.bitcast_convert_type(x, jnp.uint32)
    neg = (u >> _U32(31)) == _U32(1)
    return jnp.where(neg, ~u, u | _U32(0x80000000))


def _key_to_float(key):
    hi = key >= _U32(0x80000000)
    bits = jnp.where(hi, key ^ _U32(0x80000000), ~key)
    return lax.bitcast_convert_type(bits, jnp.float32)


def _rotl(x, r):
    return (x << _U32(r)) | (x >> _U32(32 - r))


def _threefry_rounds(x0, x1, rots):
    for r in rots:
        x0 = x0 + x1
        x1 = _rotl(x1, r) ^ x0
    return x0, x1


def _gumbel(flat_idx_u32):
    x0 = jnp.zeros_like(flat_idx_u32) + _K0
    x1 = flat_idx_u32 + _K1
    x0, x1 = _threefry_rounds(x0, x1, (13, 15, 26, 6))
    x0, x1 = _threefry_rounds(x0 + _K1, x1 + _K2 + _U32(1), (17, 29, 16, 24))
    x0, x1 = _threefry_rounds(x0 + _K2, x1 + _K0 + _U32(2), (13, 15, 26, 6))
    x0, x1 = _threefry_rounds(x0 + _K0, x1 + _K1 + _U32(3), (17, 29, 16, 24))
    x0, x1 = _threefry_rounds(x0 + _K1, x1 + _K2 + _U32(4), (13, 15, 26, 6))
    bits = (x0 + _K2) ^ (x1 + _K0 + _U32(5))
    fb = (bits >> _U32(9)) | _U32(0x3F800000)
    floats = lax.bitcast_convert_type(fb, jnp.float32) - jnp.float32(1.0)
    u = jnp.maximum(_TINY, floats + _TINY)
    return -jnp.log(-jnp.log(u))


def _k1_body(k_ref, x3_ref, gmax_ref, t0_ref, mx_ref):
    kf = jnp.float32(k_ref[0])
    x3 = x3_ref[...]
    g = jnp.max(x3, axis=2)
    mx_ref[...] = jnp.max(g, axis=1, keepdims=True)
    gmax_ref[:, :NGR] = g
    gmax_ref[:, NGR:] = jnp.full((R, NGR_PAD - NGR), -jnp.inf, jnp.float32)

    km = _monotone_key(g)

    def bs(_, lohi):
        lo, hi = lohi
        mid = lo + ((hi - lo) >> _U32(1))
        cnt = _rowsum((km >= mid).astype(jnp.float32))
        ge_k = cnt >= kf
        return jnp.where(ge_k, mid, lo), jnp.where(ge_k, hi, mid)

    lo0 = jnp.zeros((R, 1), jnp.uint32)
    hi0 = jnp.full((R, 1), _U32(0xFFFFFFFF))
    t0_key, _ = lax.fori_loop(0, 16, bs, (lo0, hi0))
    t0_ref[...] = jnp.broadcast_to(_key_to_float(t0_key), (R, 16))


def _k2_body(gmax_hbm, t0_hbm, rowbase_hbm, logits_hbm,
             evals_hbm, epos_hbm, gids_hbm, cnts_hbm,
             row_buf, t0_buf, base_buf, gid_buf, gidx_buf, rows_v, cnt_buf,
             off_buf, ids_buf, evals_buf, epos_buf, sem):
    wid = lax.axis_index("s") * 2 + lax.axis_index("c")
    zeros16 = jnp.zeros((16,), jnp.int32)
    zf16 = jnp.zeros((16,), jnp.float32)
    for j in range(ROWS_PER_TILE):
        r = wid * ROWS_PER_TILE + j
        pltpu.sync_copy(gmax_hbm.at[pl.ds(r * NGR_PAD, NGR_PAD)], row_buf)
        pltpu.sync_copy(t0_hbm.at[pl.ds(r * 16, 16)], t0_buf)
        pltpu.sync_copy(rowbase_hbm.at[pl.ds(r * 16, 16)], base_buf)
        for z in range(GIDBUF // 16):
            gid_buf[pl.ds(z * 16, 16)] = zeros16
        off_buf[...] = zeros16
        ids_buf[...] = lax.iota(jnp.int32, 16)

        def step(s, carry):
            m = row_buf[pl.ds(s * 16, 16)]
            msk = m >= t0_buf[...]
            off_v = off_buf[...]
            ids_v = ids_buf[...]
            cum = jnp.cumsum(msk.astype(jnp.int32))
            pos = jnp.minimum(off_v + cum - 1, GIDBUF - 1)
            plsc.store_scatter(gid_buf, [pos], ids_v, mask=msk)
            off_buf[...] = off_v + plsc.all_reduce_population_count(msk)
            ids_buf[...] = ids_v + 16
            return carry

        lax.fori_loop(0, NGR_PAD // 16, step, jnp.int32(0))
        cnt_buf[...] = jnp.minimum(off_buf[...], CAP)
        base_v = base_buf[...]
        for z in range(CAP // 16):
            gidx_buf[pl.ds(z * 16, 16)] = gid_buf[pl.ds(z * 16, 16)] + base_v
        pltpu.async_copy(logits_hbm.at[gidx_buf], rows_v, sem).wait()

        for z in range(EBUF // 16):
            evals_buf[pl.ds(z * 16, 16)] = zf16
            epos_buf[pl.ds(z * 16, 16)] = zeros16
        off_buf[...] = zeros16
        ids_buf[...] = lax.iota(jnp.int32, 16)
        cntv = cnt_buf[...]

        def estep(s, carry):
            fp_v = ids_buf[...]
            m = rows_v[s >> 3, pl.ds((s & 7) * 16, 16)]
            msk = (m >= t0_buf[...]) & ((fp_v >> 7) < cntv)
            off_v = off_buf[...]
            cum = jnp.cumsum(msk.astype(jnp.int32))
            pos = jnp.minimum(off_v + cum - 1, EBUF - 1)
            plsc.store_scatter(evals_buf, [pos], m, mask=msk)
            plsc.store_scatter(epos_buf, [pos], fp_v, mask=msk)
            off_buf[...] = off_v + plsc.all_reduce_population_count(msk)
            ids_buf[...] = fp_v + 16
            return carry

        lax.fori_loop(0, CAP * G // 16, estep, jnp.int32(0))
        cnt_buf[...] = jnp.minimum(off_buf[...], CAPE)
        pltpu.sync_copy(evals_buf.at[pl.ds(0, CAPE)],
                        evals_hbm.at[pl.ds(r * CAPE, CAPE)])
        pltpu.sync_copy(epos_buf.at[pl.ds(0, CAPE)],
                        epos_hbm.at[pl.ds(r * CAPE, CAPE)])
        pltpu.sync_copy(gid_buf.at[pl.ds(0, CAP)],
                        gids_hbm.at[pl.ds(r * CAP, CAP)])
        pltpu.sync_copy(cnt_buf, cnts_hbm.at[pl.ds(r * 16, 16)])


def _k3_body(k_ref, x_ref, ev_ref, ep_ref, gid_ref, cnt_ref, mx_ref, tok_ref,
             probs_ref):
    i = pl.program_id(0)
    k = k_ref[0]

    cx = ev_ref[...]
    fp = ep_ref[...]
    gids = gid_ref[...]
    cnt = cnt_ref[:, 0:1]
    mx = mx_ref[...]

    slot = fp >> 7
    onehot = (slot[:, :, None] == lax.broadcasted_iota(
        jnp.int32, (R, CAPE, CAP), 2)).astype(jnp.int32)
    colseg = jnp.sum(onehot * gids[:, None, :], axis=2)
    col = colseg * G + (fp & (G - 1))

    valid = lax.broadcasted_iota(jnp.int32, (R, CAPE), 1) < cnt
    ckm = jnp.where(valid, _monotone_key(cx), _U32(0))

    kf = jnp.float32(k)

    def bs1(_, lohi):
        lo, hi = lohi
        mid = lo + ((hi - lo) >> _U32(1))
        cn = _rowsum((ckm >= mid).astype(jnp.float32))
        ge_k = cn >= kf
        return jnp.where(ge_k, mid, lo), jnp.where(ge_k, hi, mid)

    lo0 = jnp.zeros((R, 1), jnp.uint32)
    hi0 = jnp.full((R, 1), _U32(0xFFFFFFFF))
    kth_key, _ = lax.fori_loop(0, 32, bs1, (lo0, hi0))

    e = jnp.where(ckm >= kth_key, jnp.exp(cx - mx), jnp.float32(0.0))
    s_total = jnp.sum(e, axis=1, keepdims=True)
    q = e / s_total

    def bs2(_, lohi):
        lo, hi = lohi
        mid = lo + ((hi - lo) >> _U32(1))
        mass_gt = jnp.sum(jnp.where(ckm > mid, q, 0.0), axis=1, keepdims=True)
        keep = mass_gt <= jnp.float32(TOP_P)
        return jnp.where(keep, lo, mid), jnp.where(keep, mid, hi)

    _, cut_key = lax.fori_loop(0, 32, bs2, (lo0, hi0))

    strict = ckm > cut_key
    tie = ckm == cut_key
    mass_gt = jnp.sum(jnp.where(strict, q, 0.0), axis=1, keepdims=True)
    e_tie = jnp.max(jnp.where(tie, e, 0.0), axis=1, keepdims=True)
    q_tie = e_tie / s_total
    tie_cnt = _rowsum(tie.astype(jnp.float32)).astype(jnp.int32)

    def tie_loop(_, carry):
        c, rk = carry
        take = (c <= jnp.float32(TOP_P)) & (rk < tie_cnt)
        return c + q_tie, rk + take.astype(jnp.int32)

    _, r_keep = lax.fori_loop(
        0, 64, tie_loop, (mass_gt, jnp.zeros((R, 1), jnp.int32)))

    rkf = r_keep.astype(jnp.float32)

    def bs3(_, lohi):
        lo, hi = lohi
        mid = lo + ((hi - lo) >> 1)
        cn = _rowsum((tie & (col <= mid)).astype(jnp.float32))
        ok = cn >= rkf
        return jnp.where(ok, lo, mid), jnp.where(ok, mid, hi)

    lo3 = jnp.full((R, 1), jnp.int32(-1))
    hi3 = jnp.full((R, 1), jnp.int32(V - 1))
    _, m_cut = lax.fori_loop(0, 18, bs3, (lo3, hi3))

    kept_c = strict | (tie & (col <= m_cut))
    denom = jnp.sum(jnp.where(kept_c, e, 0.0), axis=1, keepdims=True)

    row2 = lax.broadcasted_iota(jnp.int32, (R, CAPE), 0)
    flat = ((i * R + row2) * V + col).astype(jnp.uint32)
    g = _gumbel(flat)
    score = jnp.where(kept_c, cx + g, jnp.float32(-jnp.inf))
    smax = jnp.max(score, axis=1, keepdims=True)
    tok = jnp.min(jnp.where(score == smax, col, jnp.int32(V)), axis=1,
                  keepdims=True)
    tok_ref[...] = tok

    x = x_ref[...]
    km = _monotone_key(x)
    colf = lax.broadcasted_iota(jnp.int32, (R, V), 1)
    kept = (km > cut_key) | ((km == cut_key) & (colf <= m_cut))
    probs_ref[...] = jnp.where(kept, jnp.exp(x - mx) / denom,
                               jnp.float32(0.0))


@jax.jit
def kernel(logits, top_k):
    kvec = jnp.reshape(top_k, (1,)).astype(jnp.int32)

    lpad = jnp.pad(logits, ((0, 0), (0, VPAD - V)),
                   constant_values=-jnp.inf)
    lpad3 = lpad.reshape(B, NGR, G)
    lpadN = lpad.reshape(B * NGR, G)
    rowbase = jnp.broadcast_to((jnp.arange(B, dtype=jnp.int32) * NGR)[:, None],
                               (B, 16))

    gmax, t0, mx = pl.pallas_call(
        _k1_body,
        grid_spec=pltpu.PrefetchScalarGridSpec(
            num_scalar_prefetch=1,
            grid=(GRID,),
            in_specs=[pl.BlockSpec((R, NGR, G), lambda i, kref: (i, 0, 0))],
            out_specs=[
                pl.BlockSpec((R, NGR_PAD), lambda i, kref: (i, 0)),
                pl.BlockSpec((R, 16), lambda i, kref: (i, 0)),
                pl.BlockSpec((R, 1), lambda i, kref: (i, 0)),
            ],
        ),
        out_shape=[
            jax.ShapeDtypeStruct((B, NGR_PAD), jnp.float32),
            jax.ShapeDtypeStruct((B, 16), jnp.float32),
            jax.ShapeDtypeStruct((B, 1), jnp.float32),
        ],
    )(kvec, lpad3)

    sc_mesh = plsc.VectorSubcoreMesh(core_axis_name="c", subcore_axis_name="s",
                                     num_cores=2, num_subcores=16)
    evals1, epos1, gids1, cnts1 = pl.kernel(
        _k2_body,
        out_type=[
            jax.ShapeDtypeStruct((B * CAPE,), jnp.float32),
            jax.ShapeDtypeStruct((B * CAPE,), jnp.int32),
            jax.ShapeDtypeStruct((B * CAP,), jnp.int32),
            jax.ShapeDtypeStruct((B * 16,), jnp.int32),
        ],
        mesh=sc_mesh,
        compiler_params=pltpu.CompilerParams(needs_layout_passes=False),
        scratch_types=[
            pltpu.VMEM((NGR_PAD,), jnp.float32),
            pltpu.VMEM((16,), jnp.float32),
            pltpu.VMEM((16,), jnp.int32),
            pltpu.VMEM((GIDBUF,), jnp.int32),
            pltpu.VMEM((CAP,), jnp.int32),
            pltpu.VMEM((CAP, G), jnp.float32),
            pltpu.VMEM((16,), jnp.int32),
            pltpu.VMEM((16,), jnp.int32),
            pltpu.VMEM((16,), jnp.int32),
            pltpu.VMEM((EBUF,), jnp.float32),
            pltpu.VMEM((EBUF,), jnp.int32),
            pltpu.SemaphoreType.DMA,
        ],
    )(gmax.reshape(B * NGR_PAD), t0.reshape(B * 16),
      rowbase.reshape(B * 16), lpadN)
    evals = evals1.reshape(B, CAPE)
    epos = epos1.reshape(B, CAPE)
    gids = gids1.reshape(B, CAP)
    cnts = cnts1.reshape(B, 16)

    tok2d, probs = pl.pallas_call(
        _k3_body,
        grid_spec=pltpu.PrefetchScalarGridSpec(
            num_scalar_prefetch=1,
            grid=(GRID,),
            in_specs=[
                pl.BlockSpec((R, V), lambda i, kref: (i, 0)),
                pl.BlockSpec((R, CAPE), lambda i, kref: (i, 0)),
                pl.BlockSpec((R, CAPE), lambda i, kref: (i, 0)),
                pl.BlockSpec((R, CAP), lambda i, kref: (i, 0)),
                pl.BlockSpec((R, 16), lambda i, kref: (i, 0)),
                pl.BlockSpec((R, 1), lambda i, kref: (i, 0)),
            ],
            out_specs=[
                pl.BlockSpec((R, 1), lambda i, kref: (i, 0)),
                pl.BlockSpec((R, V), lambda i, kref: (i, 0)),
            ],
        ),
        out_shape=[
            jax.ShapeDtypeStruct((B, 1), jnp.int32),
            jax.ShapeDtypeStruct((B, V), jnp.float32),
        ],
    )(kvec, logits, evals, epos, gids, cnts, mx)
    return tok2d[:, 0], probs

# --- scband reference (transcript-rebuilt; emitter-appended) ---
"""Pipeline reference for scband-self-evolving-text-generator-71906342469957 (READ-ONLY COPY).

The authoritative reference and input builder live on the scoring server;
editing this copy changes nothing except your own understanding.
"""

import jax, jax.numpy as jnp
import numpy as np

B = 128
VOCAB = 100000
TEMPERATURE = 1.0
TOP_P = 0.9


def setup_inputs(seed: int = 0) -> dict:
    key = jax.random.key(seed)
    logits = jax.random.normal(key, (B, VOCAB), dtype=jnp.float32) * 4.0
    return {"logits": logits, "top_k": 50}


def reference(logits, top_k):
    # Faithful translation of the sampling step in DynamicCausalTransformer.generate:
    # temperature scale -> top-k filter -> nucleus (top-p) filter -> softmax -> categorical sample
    scaled = logits / TEMPERATURE

    # top-k filtering: remove logits below the k-th largest value per row
    sorted_desc = -jnp.sort(-scaled, axis=-1)
    kth_idx = jnp.full((scaled.shape[0], 1), top_k - 1)
    kth = jnp.take_along_axis(sorted_desc, kth_idx, axis=-1)
    scaled = jnp.where(scaled < kth, jnp.float32(-1e9), scaled)

    # top-p (nucleus) filtering
    order = jnp.argsort(-scaled, axis=-1)  # descending sort indices
    sorted_logits = jnp.take_along_axis(scaled, order, axis=-1)
    cumulative_probs = jnp.cumsum(jax.nn.softmax(sorted_logits, axis=-1), axis=-1)
    sorted_remove = cumulative_probs > TOP_P
    # shift right so the first token above threshold is kept
    sorted_remove = jnp.concatenate(
        [jnp.zeros_like(sorted_remove[:, :1]), sorted_remove[:, :-1]], axis=-1
    )
    # scatter the removal mask back to original vocab order
    inv = jnp.argsort(order, axis=-1)
    remove = jnp.take_along_axis(sorted_remove, inv, axis=-1)
    filtered = jnp.where(remove, jnp.float32(-1e9), scaled)

    probs = jax.nn.softmax(filtered, axis=-1)
    next_token = jax.random.categorical(jax.random.key(42), filtered, axis=-1)
    return (next_token, probs)

if __name__ == "__main__":
    import jax
    _d = setup_inputs()
    print(jax.jit(kernel)(*tuple(_d.values())))

</pallas_src>

<mosaic_0001>
#map = affine_map<(d0, d1) -> (0)>
#map1 = affine_map<(d0, d1) -> (0, 0)>
module attributes {stable_mosaic.version = 14 : i64} {
  func.func @_k2_body(%arg0: i32, %arg1: i32, %arg2: memref<114688xf32, #tpu.memory_space<hbm>>, %arg3: memref<2048xf32, #tpu.memory_space<hbm>>, %arg4: memref<2048xi32, #tpu.memory_space<hbm>>, %arg5: memref<100096x128xf32, #tpu.memory_space<hbm>>, %arg6: memref<32768xf32, #tpu.memory_space<hbm>>, %arg7: memref<32768xi32, #tpu.memory_space<hbm>>, %arg8: memref<8192xi32, #tpu.memory_space<hbm>>, %arg9: memref<2048xi32, #tpu.memory_space<hbm>>, %arg10: memref<896xf32, #tpu.memory_space<vmem>>, %arg11: memref<16xf32, #tpu.memory_space<vmem>>, %arg12: memref<16xi32, #tpu.memory_space<vmem>>, %arg13: memref<96xi32, #tpu.memory_space<vmem>>, %arg14: memref<64xi32, #tpu.memory_space<vmem>>, %arg15: memref<64x128xf32, #tpu.memory_space<vmem>>, %arg16: memref<16xi32, #tpu.memory_space<vmem>>, %arg17: memref<16xi32, #tpu.memory_space<vmem>>, %arg18: memref<16xi32, #tpu.memory_space<vmem>>, %arg19: memref<272xf32, #tpu.memory_space<vmem>>, %arg20: memref<272xi32, #tpu.memory_space<vmem>>, %arg21: memref<!tpu.dma_semaphore, #tpu.memory_space<semaphore_mem>>) attributes {dimension_semantics = [#tpu.dimension_semantics<core_parallel>, #tpu.dimension_semantics<subcore_parallel>], iteration_bounds = array<i64: 2, 16>, scalar_prefetch = 0 : i64, scratch_operands = 12 : i64, tpu.core_type = #tpu.core_type<sc_vector_subcore>, window_params = [{transform_indices = #map}, {transform_indices = #map}, {transform_indices = #map}, {transform_indices = #map1}, {transform_indices = #map}, {transform_indices = #map}, {transform_indices = #map}, {transform_indices = #map}]} {
    %mul3A = arith.constant 2 : i32
    %mul3A_0 = arith.muli %arg1, %mul3A : i32
    %add3A = arith.addi %mul3A_0, %arg0 : i32
    %broadcast_in_dim3A = arith.constant 0 : i32
    %broadcast_in_dim3A_1 = vector.broadcast %broadcast_in_dim3A : i32 to vector<16xi32>
    %broadcast_in_dim3A_2 = arith.constant 0.000000e+00 : f32
    %broadcast_in_dim3A_3 = vector.broadcast %broadcast_in_dim3A_2 : f32 to vector<16xf32>
    %mul3A_4 = arith.constant 4 : i32
    %mul3A_5 = arith.muli %add3A, %mul3A_4 : i32
    %add3A_6 = arith.constant 0 : i32
    %add3A_7 = arith.addi %mul3A_5, %add3A_6 : i32
    %mul3A_8 = arith.constant 896 : i32
    %mul3A_9 = arith.muli %add3A_7, %mul3A_8 : i32
    "tpu.region"() ({
      %run_scoped3A = tpu.sem_alloc : memref<!tpu.dma_semaphore, #tpu.memory_space<semaphore_mem>>
      %dma_start3A_653 = tpu.memref_slice %arg2[%mul3A_9] : memref<114688xf32, #tpu.memory_space<hbm>> -> memref<896xf32, #tpu.memory_space<hbm>>
      %dma_start3A_654 = tpu.memref_slice %arg2[%mul3A_9] : memref<114688xf32, #tpu.memory_space<hbm>> -> memref<896xf32, #tpu.memory_space<hbm>>
      tpu.enqueue_dma source(%dma_start3A_654 : memref<896xf32, #tpu.memory_space<hbm>>) target(%arg10 : memref<896xf32, #tpu.memory_space<vmem>>) target_semaphore(%run_scoped3A : memref<!tpu.dma_semaphore, #tpu.memory_space<semaphore_mem>>)
      %dma_wait3A_655 = tpu.memref_slice %arg2[%mul3A_9] : memref<114688xf32, #tpu.memory_space<hbm>> -> memref<896xf32, #tpu.memory_space<hbm>>
      %dma_wait3A_656 = tpu.memref_slice %arg2[%mul3A_9] : memref<114688xf32, #tpu.memory_space<hbm>> -> memref<896xf32, #tpu.memory_space<hbm>>
      tpu.wait_dma2 semaphore(%run_scoped3A : memref<!tpu.dma_semaphore, #tpu.memory_space<semaphore_mem>>) src(%dma_wait3A_656 : memref<896xf32, #tpu.memory_space<hbm>>) dst(%arg10 : memref<896xf32, #tpu.memory_space<vmem>>)
      tpu.yield
    }) : () -> ()
    %mul3A_10 = arith.constant 16 : i32
    %mul3A_11 = arith.muli %add3A_7, %mul3A_10 : i32
    "tpu.region"() ({
      %run_scoped3A = tpu.sem_alloc : memref<!tpu.dma_semaphore, #tpu.memory_space<semaphore_mem>>
      %dma_start3A_653 = tpu.memref_slice %arg3[%mul3A_11] : memref<2048xf32, #tpu.memory_space<hbm>> -> memref<16xf32, #tpu.memory_space<hbm>>
      %dma_start3A_654 = tpu.memref_slice %arg3[%mul3A_11] : memref<2048xf32, #tpu.memory_space<hbm>> -> memref<16xf32, #tpu.memory_space<hbm>>
      tpu.enqueue_dma source(%dma_start3A_654 : memref<16xf32, #tpu.memory_space<hbm>>) target(%arg11 : memref<16xf32, #tpu.memory_space<vmem>>) target_semaphore(%run_scoped3A : memref<!tpu.dma_semaphore, #tpu.memory_space<semaphore_mem>>)
      %dma_wait3A_655 = tpu.memref_slice %arg3[%mul3A_11] : memref<2048xf32, #tpu.memory_space<hbm>> -> memref<16xf32, #tpu.memory_space<hbm>>
      %dma_wait3A_656 = tpu.memref_slice %arg3[%mul3A_11] : memref<2048xf32, #tpu.memory_space<hbm>> -> memref<16xf32, #tpu.memory_space<hbm>>
      tpu.wait_dma2 semaphore(%run_scoped3A : memref<!tpu.dma_semaphore, #tpu.memory_space<semaphore_mem>>) src(%dma_wait3A_656 : memref<16xf32, #tpu.memory_space<hbm>>) dst(%arg11 : memref<16xf32, #tpu.memory_space<vmem>>)
      tpu.yield
    }) : () -> ()
    %mul3A_12 = arith.constant 16 : i32
    %mul3A_13 = arith.muli %add3A_7, %mul3A_12 : i32
    "tpu.region"() ({
      %run_scoped3A = tpu.sem_alloc : memref<!tpu.dma_semaphore, #tpu.memory_space<semaphore_mem>>
      %dma_start3A_653 = tpu.memref_slice %arg4[%mul3A_13] : memref<2048xi32, #tpu.memory_space<hbm>> -> memref<16xi32, #tpu.memory_space<hbm>>
      %dma_start3A_654 = tpu.memref_slice %arg4[%mul3A_13] : memref<2048xi32, #tpu.memory_space<hbm>> -> memref<16xi32, #tpu.memory_space<hbm>>
      tpu.enqueue_dma source(%dma_start3A_654 : memref<16xi32, #tpu.memory_space<hbm>>) target(%arg12 : memref<16xi32, #tpu.memory_space<vmem>>) target_semaphore(%run_scoped3A : memref<!tpu.dma_semaphore, #tpu.memory_space<semaphore_mem>>)
      %dma_wait3A_655 = tpu.memref_slice %arg4[%mul3A_13] : memref<2048xi32, #tpu.memory_space<hbm>> -> memref<16xi32, #tpu.memory_space<hbm>>
      %dma_wait3A_656 = tpu.memref_slice %arg4[%mul3A_13] : memref<2048xi32, #tpu.memory_space<hbm>> -> memref<16xi32, #tpu.memory_space<hbm>>
      tpu.wait_dma2 semaphore(%run_scoped3A : memref<!tpu.dma_semaphore, #tpu.memory_space<semaphore_mem>>) src(%dma_wait3A_656 : memref<16xi32, #tpu.memory_space<hbm>>) dst(%arg12 : memref<16xi32, #tpu.memory_space<vmem>>)
      tpu.yield
    }) : () -> ()
    %swap3A = arith.constant 0 : index
    %swap3A_14 = tpu.vector_load %arg13[%swap3A] {strides = array<i32>} : memref<96xi32, #tpu.memory_space<vmem>>, vector<16xi32>,
    tpu.vector_store %arg13[%swap3A], %broadcast_in_dim3A_1 {strides = array<i32>} : memref<96xi32, #tpu.memory_space<vmem>>, vector<16xi32>,
    %swap3A_15 = arith.constant 16 : index
    %swap3A_16 = tpu.vector_load %arg13[%swap3A_15] {strides = array<i32>} : memref<96xi32, #tpu.memory_space<vmem>>, vector<16xi32>,
    tpu.vector_store %arg13[%swap3A_15], %broadcast_in_dim3A_1 {strides = array<i32>} : memref<96xi32, #tpu.memory_space<vmem>>, vector<16xi32>,
    %swap3A_17 = arith.constant 32 : index
    %swap3A_18 = tpu.vector_load %arg13[%swap3A_17] {strides = array<i32>} : memref<96xi32, #tpu.memory_space<vmem>>, vector<16xi32>,
    tpu.vector_store %arg13[%swap3A_17], %broadcast_in_dim3A_1 {strides = array<i32>} : memref<96xi32, #tpu.memory_space<vmem>>, vector<16xi32>,
    %swap3A_19 = arith.constant 48 : index
    %swap3A_20 = tpu.vector_load %arg13[%swap3A_19] {strides = array<i32>} : memref<96xi32, #tpu.memory_space<vmem>>, vector<16xi32>,
    tpu.vector_store %arg13[%swap3A_19], %broadcast_in_dim3A_1 {strides = array<i32>} : memref<96xi32, #tpu.memory_space<vmem>>, vector<16xi32>,
    %swap3A_21 = arith.constant 64 : index
    %swap3A_22 = tpu.vector_load %arg13[%swap3A_21] {strides = array<i32>} : memref<96xi32, #tpu.memory_space<vmem>>, vector<16xi32>,
    tpu.vector_store %arg13[%swap3A_21], %broadcast_in_dim3A_1 {strides = array<i32>} : memref<96xi32, #tpu.memory_space<vmem>>, vector<16xi32>,
    %swap3A_23 = arith.constant 80 : index
    %swap3A_24 = tpu.vector_load %arg13[%swap3A_23] {strides = array<i32>} : memref<96xi32, #tpu.memory_space<vmem>>, vector<16xi32>,
    tpu.vector_store %arg13[%swap3A_23], %broadcast_in_dim3A_1 {strides = array<i32>} : memref<96xi32, #tpu.memory_space<vmem>>, vector<16xi32>,
    %swap3A_25 = arith.constant 0 : index
    %swap3A_26 = tpu.vector_load %arg17[%swap3A_25] {strides = array<i32>} : memref<16xi32, #tpu.memory_space<vmem>>, vector<16xi32>,
    tpu.vector_store %arg17[%swap3A_25], %broadcast_in_dim3A_1 {strides = array<i32>} : memref<16xi32, #tpu.memory_space<vmem>>, vector<16xi32>,
    %iota3A = tpu.iota {dimensions = array<i32: 0>} : vector<16xi32>
    %swap3A_27 = arith.constant 0 : index
    %swap3A_28 = tpu.vector_load %arg18[%swap3A_27] {strides = array<i32>} : memref<16xi32, #tpu.memory_space<vmem>>, vector<16xi32>,
    tpu.vector_store %arg18[%swap3A_27], %iota3A {strides = array<i32>} : memref<16xi32, #tpu.memory_space<vmem>>, vector<16xi32>,
    %scan3A = arith.constant 0 : i32
    %scan3A_29 = arith.constant 0 : i32
    %scan3A_30 = arith.constant 56 : i32
    %scan3A_31 = arith.addi %scan3A_29, %scan3A_30 : i32
    %scan3A_32 = arith.constant 1 : i32
    scf.for %scan3A_653 = %scan3A_29 to %scan3A_31 step %scan3A_32  : i32 {
      %mul3A_654 = arith.constant 16 : i32
      %mul3A_655 = arith.muli %scan3A_653, %mul3A_654 : i32
      %get3A_656 = arith.index_cast %mul3A_655 : i32 to index
      %get3A_657 = tpu.vector_load %arg10[%get3A_656] {strides = array<i32>} : memref<896xf32, #tpu.memory_space<vmem>>, vector<16xf32>,
      %get3A_658 = arith.constant 0 : index
      %get3A_659 = tpu.vector_load %arg11[%get3A_658] {strides = array<i32>} : memref<16xf32, #tpu.memory_space<vmem>>, vector<16xf32>,
      %ge3A = arith.cmpf oge, %get3A_657, %get3A_659 : vector<16xf32>
      %get3A_660 = arith.constant 0 : index
      %get3A_661 = tpu.vector_load %arg17[%get3A_660] {strides = array<i32>} : memref<16xi32, #tpu.memory_space<vmem>>, vector<16xi32>,
      %get3A_662 = arith.constant 0 : index
      %get3A_663 = tpu.vector_load %arg18[%get3A_662] {strides = array<i32>} : memref<16xi32, #tpu.memory_space<vmem>>, vector<16xi32>,
      %convert_element_type3A = arith.extui %ge3A : vector<16xi1> to vector<16xi32>
      %cumsum3A = arith.constant true
      %cumsum3A_664 = vector.broadcast %cumsum3A : i1 to vector<16xi1>
      %cumsum3A_665 = tpu.scan <sum>, %convert_element_type3A masked %cumsum3A_664 : vector<16xi32>, vector<16xi1> -> vector<16xi32>
      %add3A_666 = arith.addi %get3A_661, %cumsum3A_665 : vector<16xi32>
      %sub3A = arith.constant 1 : i32
      %sub3A_667 = vector.broadcast %sub3A : i32 to vector<16xi32>
      %sub3A_668 = arith.subi %add3A_666, %sub3A_667 : vector<16xi32>
      %min3A_669 = arith.constant 95 : i32
      %min3A_670 = vector.broadcast %min3A_669 : i32 to vector<16xi32>
      %min3A_671 = arith.minsi %sub3A_668, %min3A_670 : vector<16xi32>
      tpu.vector_store_idx %arg13[%min3A_671], %get3A_663 masked %ge3A : memref<96xi32, #tpu.memory_space<vmem>>[vector<16xi32>], vector<16xi32>, vector<16xi1>
      %all_reduce_population_count3A = tpu.all_reduce %ge3A {dim = 0 : i64, kind = #tpu.reduction_kind<sum>} : vector<16xi1> -> vector<16xi32>
      %add3A_672 = arith.addi %get3A_661, %all_reduce_population_count3A : vector<16xi32>
      %swap3A_673 = arith.constant 0 : index
      %swap3A_674 = tpu.vector_load %arg17[%swap3A_673] {strides = array<i32>} : memref<16xi32, #tpu.memory_space<vmem>>, vector<16xi32>,
      tpu.vector_store %arg17[%swap3A_673], %add3A_672 {strides = array<i32>} : memref<16xi32, #tpu.memory_space<vmem>>, vector<16xi32>,
      %add3A_675 = arith.constant 16 : i32
      %add3A_676 = vector.broadcast %add3A_675 : i32 to vector<16xi32>
      %add3A_677 = arith.addi %get3A_663, %add3A_676 : vector<16xi32>
      %swap3A_678 = arith.constant 0 : index
      %swap3A_679 = tpu.vector_load %arg18[%swap3A_678] {strides = array<i32>} : memref<16xi32, #tpu.memory_space<vmem>>, vector<16xi32>,
      tpu.vector_store %arg18[%swap3A_678], %add3A_677 {strides = array<i32>} : memref<16xi32, #tpu.memory_space<vmem>>, vector<16xi32>,
    }
    %scan3A_33 = arith.constant 56 : i32
    %get3A = arith.constant 0 : index
    %get3A_34 = tpu.vector_load %arg17[%get3A] {strides = array<i32>} : memref<16xi32, #tpu.memory_space<vmem>>, vector<16xi32>,
    %min3A = arith.constant 64 : i32
    %min3A_35 = vector.broadcast %min3A : i32 to vector<16xi32>
    %min3A_36 = arith.minsi %get3A_34, %min3A_35 : vector<16xi32>
    %swap3A_37 = arith.constant 0 : index
    %swap3A_38 = tpu.vector_load %arg16[%swap3A_37] {strides = array<i32>} : memref<16xi32, #tpu.memory_space<vmem>>, vector<16xi32>,
    tpu.vector_store %arg16[%swap3A_37], %min3A_36 {strides = array<i32>} : memref<16xi32, #tpu.memory_space<vmem>>, vector<16xi32>,
    %get3A_39 = arith.constant 0 : index
    %get3A_40 = tpu.vector_load %arg12[%get3A_39] {strides = array<i32>} : memref<16xi32, #tpu.memory_space<vmem>>, vector<16xi32>,
    %get3A_41 = arith.constant 0 : index
    %get3A_42 = tpu.vector_load %arg13[%get3A_41] {strides = array<i32>} : memref<96xi32, #tpu.memory_space<vmem>>, vector<16xi32>,
    %add3A_43 = arith.addi %get3A_42, %get3A_40 : vector<16xi32>
    %swap3A_44 = arith.constant 0 : index
    %swap3A_45 = tpu.vector_load %arg14[%swap3A_44] {strides = array<i32>} : memref<64xi32, #tpu.memory_space<vmem>>, vector<16xi32>,
    tpu.vector_store %arg14[%swap3A_44], %add3A_43 {strides = array<i32>} : memref<64xi32, #tpu.memory_space<vmem>>, vector<16xi32>,
    %get3A_46 = arith.constant 16 : index
    %get3A_47 = tpu.vector_load %arg13[%get3A_46] {strides = array<i32>} : memref<96xi32, #tpu.memory_space<vmem>>, vector<16xi32>,
    %add3A_48 = arith.addi %get3A_47, %get3A_40 : vector<16xi32>
    %swap3A_49 = arith.constant 16 : index
    %swap3A_50 = tpu.vector_load %arg14[%swap3A_49] {strides = array<i32>} : memref<64xi32, #tpu.memory_space<vmem>>, vector<16xi32>,
    tpu.vector_store %arg14[%swap3A_49], %add3A_48 {strides = array<i32>} : memref<64xi32, #tpu.memory_space<vmem>>, vector<16xi32>,
    %get3A_51 = arith.constant 32 : index
    %get3A_52 = tpu.vector_load %arg13[%get3A_51] {strides = array<i32>} : memref<96xi32, #tpu.memory_space<vmem>>, vector<16xi32>,
    %add3A_53 = arith.addi %get3A_52, %get3A_40 : vector<16xi32>
    %swap3A_54 = arith.constant 32 : index
    %swap3A_55 = tpu.vector_load %arg14[%swap3A_54] {strides = array<i32>} : memref<64xi32, #tpu.memory_space<vmem>>, vector<16xi32>,
    tpu.vector_store %arg14[%swap3A_54], %add3A_53 {strides = array<i32>} : memref<64xi32, #tpu.memory_space<vmem>>, vector<16xi32>,
    %get3A_56 = arith.constant 48 : index
    %get3A_57 = tpu.vector_load %arg13[%get3A_56] {strides = array<i32>} : memref<96xi32, #tpu.memory_space<vmem>>, vector<16xi32>,
    %add3A_58 = arith.addi %get3A_57, %get3A_40 : vector<16xi32>
    %swap3A_59 = arith.constant 48 : index
    %swap3A_60 = tpu.vector_load %arg14[%swap3A_59] {strides = array<i32>} : memref<64xi32, #tpu.memory_space<vmem>>, vector<16xi32>,
    tpu.vector_store %arg14[%swap3A_59], %add3A_58 {strides = array<i32>} : memref<64xi32, #tpu.memory_space<vmem>>, vector<16xi32>,
    %dma_start3A = arith.constant 0 : i32
    %dma_start3A_61 = arith.constant 0 : i32
    %dma_start3A_62 = tpu.memref_slice %arg5[%dma_start3A, %dma_start3A_61] : memref<100096x128xf32, #tpu.memory_space<hbm>> -> memref<100096x128xf32, #tpu.memory_space<hbm>>
    tpu.enqueue_indirect_dma source(%dma_start3A_62 : memref<100096x128xf32, #tpu.memory_space<hbm>>) target(%arg15 : memref<64x128xf32, #tpu.memory_space<vmem>>) offsets(%arg14 : memref<64xi32, #tpu.memory_space<vmem>>) semaphore(%arg21 : memref<!tpu.dma_semaphore, #tpu.memory_space<semaphore_mem>>)
    %dma_wait3A = arith.constant 0 : i32
    %dma_wait3A_63 = arith.constant 0 : i32
    %dma_wait3A_64 = tpu.memref_slice %arg5[%dma_wait3A, %dma_wait3A_63] : memref<100096x128xf32, #tpu.memory_space<hbm>> -> memref<100096x128xf32, #tpu.memory_space<hbm>>
    tpu.wait_indirect_dma semaphore(%arg21 : memref<!tpu.dma_semaphore, #tpu.memory_space<semaphore_mem>>) src(%dma_wait3A_64 : memref<100096x128xf32, #tpu.memory_space<hbm>>) dst(%arg15 : memref<64x128xf32, #tpu.memory_space<vmem>>)
    %swap3A_65 = arith.constant 0 : index
    %swap3A_66 = tpu.vector_load %arg19[%swap3A_65] {strides = array<i32>} : memref<272xf32, #tpu.memory_space<vmem>>, vector<16xf32>,
    tpu.vector_store %arg19[%swap3A_65], %broadcast_in_dim3A_3 {strides = array<i32>} : memref<272xf32, #tpu.memory_space<vmem>>, vector<16xf32>,
    %swap3A_67 = arith.constant 0 : index
    %swap3A_68 = tpu.vector_load %arg20[%swap3A_67] {strides = array<i32>} : memref<272xi32, #tpu.memory_space<vmem>>, vector<16xi32>,
    tpu.vector_store %arg20[%swap3A_67], %broadcast_in_dim3A_1 {strides = array<i32>} : memref<272xi32, #tpu.memory_space<vmem>>, vector<16xi32>,
    %swap3A_69 = arith.constant 16 : index
    %swap3A_70 = tpu.vector_load %arg19[%swap3A_69] {strides = array<i32>} : memref<272xf32, #tpu.memory_space<vmem>>, vector<16xf32>,
    tpu.vector_store %arg19[%swap3A_69], %broadcast_in_dim3A_3 {strides = array<i32>} : memref<272xf32, #tpu.memory_space<vmem>>, vector<16xf32>,
    %swap3A_71 = arith.constant 16 : index
    %swap3A_72 = tpu.vector_load %arg20[%swap3A_71] {strides = array<i32>} : memref<272xi32, #tpu.memory_space<vmem>>, vector<16xi32>,
    tpu.vector_store %arg20[%swap3A_71], %broadcast_in_dim3A_1 {strides = array<i32>} : memref<272xi32, #tpu.memory_space<vmem>>, vector<16xi32>,
    %swap3A_73 = arith.constant 32 : index
    %swap3A_74 = tpu.vector_load %arg19[%swap3A_73] {strides = array<i32>} : memref<272xf32, #tpu.memory_space<vmem>>, vector<16xf32>,
    tpu.vector_store %arg19[%swap3A_73], %broadcast_in_dim3A_3 {strides = array<i32>} : memref<272xf32, #tpu.memory_space<vmem>>, vector<16xf32>,
    %swap3A_75 = arith.constant 32 : index
    %swap3A_76 = tpu.vector_load %arg20[%swap3A_75] {strides = array<i32>} : memref<272xi32, #tpu.memory_space<vmem>>, vector<16xi32>,
    tpu.vector_store %arg20[%swap3A_75], %broadcast_in_dim3A_1 {strides = array<i32>} : memref<272xi32, #tpu.memory_space<vmem>>, vector<16xi32>,
    %swap3A_77 = arith.constant 48 : index
    %swap3A_78 = tpu.vector_load %arg19[%swap3A_77] {strides = array<i32>} : memref<272xf32, #tpu.memory_space<vmem>>, vector<16xf32>,
    tpu.vector_store %arg19[%swap3A_77], %broadcast_in_dim3A_3 {strides = array<i32>} : memref<272xf32, #tpu.memory_space<vmem>>, vector<16xf32>,
    %swap3A_79 = arith.constant 48 : index
    %swap3A_80 = tpu.vector_load %arg20[%swap3A_79] {strides = array<i32>} : memref<272xi32, #tpu.memory_space<vmem>>, vector<16xi32>,
    tpu.vector_store %arg20[%swap3A_79], %broadcast_in_dim3A_1 {strides = array<i32>} : memref<272xi32, #tpu.memory_space<vmem>>, vector<16xi32>,
    %swap3A_81 = arith.constant 64 : index
    %swap3A_82 = tpu.vector_load %arg19[%swap3A_81] {strides = array<i32>} : memref<272xf32, #tpu.memory_space<vmem>>, vector<16xf32>,
    tpu.vector_store %arg19[%swap3A_81], %broadcast_in_dim3A_3 {strides = array<i32>} : memref<272xf32, #tpu.memory_space<vmem>>, vector<16xf32>,
    %swap3A_83 = arith.constant 64 : index
    %swap3A_84 = tpu.vector_load %arg20[%swap3A_83] {strides = array<i32>} : memref<272xi32, #tpu.memory_space<vmem>>, vector<16xi32>,
    tpu.vector_store %arg20[%swap3A_83], %broadcast_in_dim3A_1 {strides = array<i32>} : memref<272xi32, #tpu.memory_space<vmem>>, vector<16xi32>,
    %swap3A_85 = arith.constant 80 : index
    %swap3A_86 = tpu.vector_load %arg19[%swap3A_85] {strides = array<i32>} : memref<272xf32, #tpu.memory_space<vmem>>, vector<16xf32>,
    tpu.vector_store %arg19[%swap3A_85], %broadcast_in_dim3A_3 {strides = array<i32>} : memref<272xf32, #tpu.memory_space<vmem>>, vector<16xf32>,
    %swap3A_87 = arith.constant 80 : index
    %swap3A_88 = tpu.vector_load %arg20[%swap3A_87] {strides = array<i32>} : memref<272xi32, #tpu.memory_space<vmem>>, vector<16xi32>,
    tpu.vector_store %arg20[%swap3A_87], %broadcast_in_dim3A_1 {strides = array<i32>} : memref<272xi32, #tpu.memory_space<vmem>>, vector<16xi32>,
    %swap3A_89 = arith.constant 96 : index
    %swap3A_90 = tpu.vector_load %arg19[%swap3A_89] {strides = array<i32>} : memref<272xf32, #tpu.memory_space<vmem>>, vector<16xf32>,
    tpu.vector_store %arg19[%swap3A_89], %broadcast_in_dim3A_3 {strides = array<i32>} : memref<272xf32, #tpu.memory_space<vmem>>, vector<16xf32>,
    %swap3A_91 = arith.constant 96 : index
    %swap3A_92 = tpu.vector_load %arg20[%swap3A_91] {strides = array<i32>} : memref<272xi32, #tpu.memory_space<vmem>>, vector<16xi32>,
    tpu.vector_store %arg20[%swap3A_91], %broadcast_in_dim3A_1 {strides = array<i32>} : memref<272xi32, #tpu.memory_space<vmem>>, vector<16xi32>,
    %swap3A_93 = arith.constant 112 : index
    %swap3A_94 = tpu.vector_load %arg19[%swap3A_93] {strides = array<i32>} : memref<272xf32, #tpu.memory_space<vmem>>, vector<16xf32>,
    tpu.vector_store %arg19[%swap3A_93], %broadcast_in_dim3A_3 {strides = array<i32>} : memref<272xf32, #tpu.memory_space<vmem>>, vector<16xf32>,
    %swap3A_95 = arith.constant 112 : index
    %swap3A_96 = tpu.vector_load %arg20[%swap3A_95] {strides = array<i32>} : memref<272xi32, #tpu.memory_space<vmem>>, vector<16xi32>,
    tpu.vector_store %arg20[%swap3A_95], %broadcast_in_dim3A_1 {strides = array<i32>} : memref<272xi32, #tpu.memory_space<vmem>>, vector<16xi32>,
    %swap3A_97 = arith.constant 128 : index
    %swap3A_98 = tpu.vector_load %arg19[%swap3A_97] {strides = array<i32>} : memref<272xf32, #tpu.memory_space<vmem>>, vector<16xf32>,
    tpu.vector_store %arg19[%swap3A_97], %broadcast_in_dim3A_3 {strides = array<i32>} : memref<272xf32, #tpu.memory_space<vmem>>, vector<16xf32>,
    %swap3A_99 = arith.constant 128 : index
    %swap3A_100 = tpu.vector_load %arg20[%swap3A_99] {strides = array<i32>} : memref<272xi32, #tpu.memory_space<vmem>>, vector<16xi32>,
    tpu.vector_store %arg20[%swap3A_99], %broadcast_in_dim3A_1 {strides = array<i32>} : memref<272xi32, #tpu.memory_space<vmem>>, vector<16xi32>,
    %swap3A_101 = arith.constant 144 : index
    %swap3A_102 = tpu.vector_load %arg19[%swap3A_101] {strides = array<i32>} : memref<272xf32, #tpu.memory_space<vmem>>, vector<16xf32>,
    tpu.vector_store %arg19[%swap3A_101], %broadcast_in_dim3A_3 {strides = array<i32>} : memref<272xf32, #tpu.memory_space<vmem>>, vector<16xf32>,
    %swap3A_103 = arith.constant 144 : index
    %swap3A_104 = tpu.vector_load %arg20[%swap3A_103] {strides = array<i32>} : memref<272xi32, #tpu.memory_space<vmem>>, vector<16xi32>,
    tpu.vector_store %arg20[%swap3A_103], %broadcast_in_dim3A_1 {strides = array<i32>} : memref<272xi32, #tpu.memory_space<vmem>>, vector<16xi32>,
    %swap3A_105 = arith.constant 160 : index
    %swap3A_106 = tpu.vector_load %arg19[%swap3A_105] {strides = array<i32>} : memref<272xf32, #tpu.memory_space<vmem>>, vector<16xf32>,
    tpu.vector_store %arg19[%swap3A_105], %broadcast_in_dim3A_3 {strides = array<i32>} : memref<272xf32, #tpu.memory_space<vmem>>, vector<16xf32>,
    %swap3A_107 = arith.constant 160 : index
    %swap3A_108 = tpu.vector_load %arg20[%swap3A_107] {strides = array<i32>} : memref<272xi32, #tpu.memory_space<vmem>>, vector<16xi32>,
    tpu.vector_store %arg20[%swap3A_107], %broadcast_in_dim3A_1 {strides = array<i32>} : memref<272xi32, #tpu.memory_space<vmem>>, vector<16xi32>,
    %swap3A_109 = arith.constant 176 : index
    %swap3A_110 = tpu.vector_load %arg19[%swap3A_109] {strides = array<i32>} : memref<272xf32, #tpu.memory_space<vmem>>, vector<16xf32>,
    tpu.vector_store %arg19[%swap3A_109], %broadcast_in_dim3A_3 {strides = array<i32>} : memref<272xf32, #tpu.memory_space<vmem>>, vector<16xf32>,
    %swap3A_111 = arith.constant 176 : index
    %swap3A_112 = tpu.vector_load %arg20[%swap3A_111] {strides = array<i32>} : memref<272xi32, #tpu.memory_space<vmem>>, vector<16xi32>,
    tpu.vector_store %arg20[%swap3A_111], %broadcast_in_dim3A_1 {strides = array<i32>} : memref<272xi32, #tpu.memory_space<vmem>>, vector<16xi32>,
    %swap3A_113 = arith.constant 192 : index
    %swap3A_114 = tpu.vector_load %arg19[%swap3A_113] {strides = array<i32>} : memref<272xf32, #tpu.memory_space<vmem>>, vector<16xf32>,
    tpu.vector_store %arg19[%swap3A_113], %broadcast_in_dim3A_3 {strides = array<i32>} : memref<272xf32, #tpu.memory_space<vmem>>, vector<16xf32>,
    %swap3A_115 = arith.constant 192 : index
    %swap3A_116 = tpu.vector_load %arg20[%swap3A_115] {strides = array<i32>} : memref<272xi32, #tpu.memory_space<vmem>>, vector<16xi32>,
    tpu.vector_store %arg20[%swap3A_115], %broadcast_in_dim3A_1 {strides = array<i32>} : memref<272xi32, #tpu.memory_space<vmem>>, vector<16xi32>,
    %swap3A_117 = arith.constant 208 : index
    %swap3A_118 = tpu.vector_load %arg19[%swap3A_117] {strides = array<i32>} : memref<272xf32, #tpu.memory_space<vmem>>, vector<16xf32>,
    tpu.vector_store %arg19[%swap3A_117], %broadcast_in_dim3A_3 {strides = array<i32>} : memref<272xf32, #tpu.memory_space<vmem>>, vector<16xf32>,
    %swap3A_119 = arith.constant 208 : index
    %swap3A_120 = tpu.vector_load %arg20[%swap3A_119] {strides = array<i32>} : memref<272xi32, #tpu.memory_space<vmem>>, vector<16xi32>,
    tpu.vector_store %arg20[%swap3A_119], %broadcast_in_dim3A_1 {strides = array<i32>} : memref<272xi32, #tpu.memory_space<vmem>>, vector<16xi32>,
    %swap3A_121 = arith.constant 224 : index
    %swap3A_122 = tpu.vector_load %arg19[%swap3A_121] {strides = array<i32>} : memref<272xf32, #tpu.memory_space<vmem>>, vector<16xf32>,
    tpu.vector_store %arg19[%swap3A_121], %broadcast_in_dim3A_3 {strides = array<i32>} : memref<272xf32, #tpu.memory_space<vmem>>, vector<16xf32>,
    %swap3A_123 = arith.constant 224 : index
    %swap3A_124 = tpu.vector_load %arg20[%swap3A_123] {strides = array<i32>} : memref<272xi32, #tpu.memory_space<vmem>>, vector<16xi32>,
    tpu.vector_store %arg20[%swap3A_123], %broadcast_in_dim3A_1 {strides = array<i32>} : memref<272xi32, #tpu.memory_space<vmem>>, vector<16xi32>,
    %swap3A_125 = arith.constant 240 : index
    %swap3A_126 = tpu.vector_load %arg19[%swap3A_125] {strides = array<i32>} : memref<272xf32, #tpu.memory_space<vmem>>, vector<16xf32>,
    tpu.vector_store %arg19[%swap3A_125], %broadcast_in_dim3A_3 {strides = array<i32>} : memref<272xf32, #tpu.memory_space<vmem>>, vector<16xf32>,
    %swap3A_127 = arith.constant 240 : index
    %swap3A_128 = tpu.vector_load %arg20[%swap3A_127] {strides = array<i32>} : memref<272xi32, #tpu.memory_space<vmem>>, vector<16xi32>,
    tpu.vector_store %arg20[%swap3A_127], %broadcast_in_dim3A_1 {strides = array<i32>} : memref<272xi32, #tpu.memory_space<vmem>>, vector<16xi32>,
    %swap3A_129 = arith.constant 256 : index
    %swap3A_130 = tpu.vector_load %arg19[%swap3A_129] {strides = array<i32>} : memref<272xf32, #tpu.memory_space<vmem>>, vector<16xf32>,
    tpu.vector_store %arg19[%swap3A_129], %broadcast_in_dim3A_3 {strides = array<i32>} : memref<272xf32, #tpu.memory_space<vmem>>, vector<16xf32>,
    %swap3A_131 = arith.constant 256 : index
    %swap3A_132 = tpu.vector_load %arg20[%swap3A_131] {strides = array<i32>} : memref<272xi32, #tpu.memory_space<vmem>>, vector<16xi32>,
    tpu.vector_store %arg20[%swap3A_131], %broadcast_in_dim3A_1 {strides = array<i32>} : memref<272xi32, #tpu.memory_space<vmem>>, vector<16xi32>,
    %swap3A_133 = arith.constant 0 : index
    %swap3A_134 = tpu.vector_load %arg17[%swap3A_133] {strides = array<i32>} : memref<16xi32, #tpu.memory_space<vmem>>, vector<16xi32>,
    tpu.vector_store %arg17[%swap3A_133], %broadcast_in_dim3A_1 {strides = array<i32>} : memref<16xi32, #tpu.memory_space<vmem>>, vector<16xi32>,
    %iota3A_135 = tpu.iota {dimensions = array<i32: 0>} : vector<16xi32>
    %swap3A_136 = arith.constant 0 : index
    %swap3A_137 = tpu.vector_load %arg18[%swap3A_136] {strides = array<i32>} : memref<16xi32, #tpu.memory_space<vmem>>, vector<16xi32>,
    tpu.vector_store %arg18[%swap3A_136], %iota3A_135 {strides = array<i32>} : memref<16xi32, #tpu.memory_space<vmem>>, vector<16xi32>,
    %get3A_138 = arith.constant 0 : index
    %get3A_139 = tpu.vector_load %arg16[%get3A_138] {strides = array<i32>} : memref<16xi32, #tpu.memory_space<vmem>>, vector<16xi32>,
    %scan3A_140 = arith.constant 0 : i32
    %scan3A_141 = arith.constant 0 : i32
    %scan3A_142 = arith.constant 512 : i32
    %scan3A_143 = arith.addi %scan3A_141, %scan3A_142 : i32
    %scan3A_144 = arith.constant 1 : i32
    scf.for %scan3A_653 = %scan3A_141 to %scan3A_143 step %scan3A_144  : i32 {
      %get3A_654 = arith.constant 0 : index
      %get3A_655 = tpu.vector_load %arg18[%get3A_654] {strides = array<i32>} : memref<16xi32, #tpu.memory_space<vmem>>, vector<16xi32>,
      %shift_right_arithmetic3A = arith.constant 3 : i32
      %shift_right_arithmetic3A_656 = arith.shrsi %scan3A_653, %shift_right_arithmetic3A : i32
      %and3A = arith.constant 7 : i32
      %and3A_657 = arith.andi %scan3A_653, %and3A : i32
      %mul3A_658 = arith.constant 16 : i32
      %mul3A_659 = arith.muli %and3A_657, %mul3A_658 : i32
      %get3A_660 = arith.index_cast %shift_right_arithmetic3A_656 : i32 to index
      %get3A_661 = arith.index_cast %mul3A_659 : i32 to index
      %get3A_662 = tpu.vector_load %arg15[%get3A_660, %get3A_661] {strides = array<i32>} : memref<64x128xf32, #tpu.memory_space<vmem>>, vector<16xf32>,
      %get3A_663 = arith.constant 0 : index
      %get3A_664 = tpu.vector_load %arg11[%get3A_663] {strides = array<i32>} : memref<16xf32, #tpu.memory_space<vmem>>, vector<16xf32>,
      %ge3A = arith.cmpf oge, %get3A_662, %get3A_664 : vector<16xf32>
      %shift_right_arithmetic3A_665 = arith.constant 7 : i32
      %shift_right_arithmetic3A_666 = vector.broadcast %shift_right_arithmetic3A_665 : i32 to vector<16xi32>
      %shift_right_arithmetic3A_667 = arith.shrsi %get3A_655, %shift_right_arithmetic3A_666 : vector<16xi32>
      %lt3A = arith.cmpi slt, %shift_right_arithmetic3A_667, %get3A_139 : vector<16xi32>
      %and3A_668 = arith.andi %ge3A, %lt3A : vector<16xi1>
      %get3A_669 = arith.constant 0 : index
      %get3A_670 = tpu.vector_load %arg17[%get3A_669] {strides = array<i32>} : memref<16xi32, #tpu.memory_space<vmem>>, vector<16xi32>,
      %convert_element_type3A = arith.extui %and3A_668 : vector<16xi1> to vector<16xi32>
      %cumsum3A = arith.constant true
      %cumsum3A_671 = vector.broadcast %cumsum3A : i1 to vector<16xi1>
      %cumsum3A_672 = tpu.scan <sum>, %convert_element_type3A masked %cumsum3A_671 : vector<16xi32>, vector<16xi1> -> vector<16xi32>
      %add3A_673 = arith.addi %get3A_670, %cumsum3A_672 : vector<16xi32>
      %sub3A = arith.constant 1 : i32
      %sub3A_674 = vector.broadcast %sub3A : i32 to vector<16xi32>
      %sub3A_675 = arith.subi %add3A_673, %sub3A_674 : vector<16xi32>
      %min3A_676 = arith.constant 271 : i32
      %min3A_677 = vector.broadcast %min3A_676 : i32 to vector<16xi32>
      %min3A_678 = arith.minsi %sub3A_675, %min3A_677 : vector<16xi32>
      tpu.vector_store_idx %arg19[%min3A_678], %get3A_662 masked %and3A_668 : memref<272xf32, #tpu.memory_space<vmem>>[vector<16xi32>], vector<16xf32>, vector<16xi1>
      tpu.vector_store_idx %arg20[%min3A_678], %get3A_655 masked %and3A_668 : memref<272xi32, #tpu.memory_space<vmem>>[vector<16xi32>], vector<16xi32>, vector<16xi1>
      %all_reduce_population_count3A = tpu.all_reduce %and3A_668 {dim = 0 : i64, kind = #tpu.reduction_kind<sum>} : vector<16xi1> -> vector<16xi32>
      %add3A_679 = arith.addi %get3A_670, %all_reduce_population_count3A : vector<16xi32>
      %swap3A_680 = arith.constant 0 : index
      %swap3A_681 = tpu.vector_load %arg17[%swap3A_680] {strides = array<i32>} : memref<16xi32, #tpu.memory_space<vmem>>, vector<16xi32>,
      tpu.vector_store %arg17[%swap3A_680], %add3A_679 {strides = array<i32>} : memref<16xi32, #tpu.memory_space<vmem>>, vector<16xi32>,
      %add3A_682 = arith.constant 16 : i32
      %add3A_683 = vector.broadcast %add3A_682 : i32 to vector<16xi32>
      %add3A_684 = arith.addi %get3A_655, %add3A_683 : vector<16xi32>
      %swap3A_685 = arith.constant 0 : index
      %swap3A_686 = tpu.vector_load %arg18[%swap3A_685] {strides = array<i32>} : memref<16xi32, #tpu.memory_space<vmem>>, vector<16xi32>,
      tpu.vector_store %arg18[%swap3A_685], %add3A_684 {strides = array<i32>} : memref<16xi32, #tpu.memory_space<vmem>>, vector<16xi32>,
    }
    %scan3A_145 = arith.constant 512 : i32
    %get3A_146 = arith.constant 0 : index
    %get3A_147 = tpu.vector_load %arg17[%get3A_146] {strides = array<i32>} : memref<16xi32, #tpu.memory_space<vmem>>, vector<16xi32>,
    %min3A_148 = arith.constant 256 : i32
    %min3A_149 = vector.broadcast %min3A_148 : i32 to vector<16xi32>
    %min3A_150 = arith.minsi %get3A_147, %min3A_149 : vector<16xi32>
    %swap3A_151 = arith.constant 0 : index
    %swap3A_152 = tpu.vector_load %arg16[%swap3A_151] {strides = array<i32>} : memref<16xi32, #tpu.memory_space<vmem>>, vector<16xi32>,
    tpu.vector_store %arg16[%swap3A_151], %min3A_150 {strides = array<i32>} : memref<16xi32, #tpu.memory_space<vmem>>, vector<16xi32>,
    %mul3A_153 = arith.constant 256 : i32
    %mul3A_154 = arith.muli %add3A_7, %mul3A_153 : i32
    "tpu.region"() ({
      %run_scoped3A = tpu.sem_alloc : memref<!tpu.dma_semaphore, #tpu.memory_space<semaphore_mem>>
      %dma_start3A_653 = arith.constant 0 : i32
      %dma_start3A_654 = tpu.memref_slice %arg19[%dma_start3A_653] : memref<272xf32, #tpu.memory_space<vmem>> -> memref<256xf32, #tpu.memory_space<vmem>>
      %dma_start3A_655 = tpu.memref_slice %arg6[%mul3A_154] : memref<32768xf32, #tpu.memory_space<hbm>> -> memref<256xf32, #tpu.memory_space<hbm>>
      %dma_start3A_656 = tpu.memref_slice %arg6[%mul3A_154] : memref<32768xf32, #tpu.memory_space<hbm>> -> memref<256xf32, #tpu.memory_space<hbm>>
      %dma_start3A_657 = arith.constant 0 : i32
      %dma_start3A_658 = tpu.memref_slice %arg19[%dma_start3A_657] : memref<272xf32, #tpu.memory_space<vmem>> -> memref<256xf32, #tpu.memory_space<vmem>>
      tpu.enqueue_dma source(%dma_start3A_658 : memref<256xf32, #tpu.memory_space<vmem>>) target(%dma_start3A_656 : memref<256xf32, #tpu.memory_space<hbm>>) target_semaphore(%run_scoped3A : memref<!tpu.dma_semaphore, #tpu.memory_space<semaphore_mem>>)
      %dma_wait3A_659 = arith.constant 0 : i32
      %dma_wait3A_660 = tpu.memref_slice %arg19[%dma_wait3A_659] : memref<272xf32, #tpu.memory_space<vmem>> -> memref<256xf32, #tpu.memory_space<vmem>>
      %dma_wait3A_661 = tpu.memref_slice %arg6[%mul3A_154] : memref<32768xf32, #tpu.memory_space<hbm>> -> memref<256xf32, #tpu.memory_space<hbm>>
      %dma_wait3A_662 = tpu.memref_slice %arg6[%mul3A_154] : memref<32768xf32, #tpu.memory_space<hbm>> -> memref<256xf32, #tpu.memory_space<hbm>>
      %dma_wait3A_663 = arith.constant 0 : i32
      %dma_wait3A_664 = tpu.memref_slice %arg19[%dma_wait3A_663] : memref<272xf32, #tpu.memory_space<vmem>> -> memref<256xf32, #tpu.memory_space<vmem>>
      tpu.wait_dma2 semaphore(%run_scoped3A : memref<!tpu.dma_semaphore, #tpu.memory_space<semaphore_mem>>) src(%dma_wait3A_664 : memref<256xf32, #tpu.memory_space<vmem>>) dst(%dma_wait3A_662 : memref<256xf32, #tpu.memory_space<hbm>>)
      tpu.yield
    }) : () -> ()
    %mul3A_155 = arith.constant 256 : i32
    %mul3A_156 = arith.muli %add3A_7, %mul3A_155 : i32
    "tpu.region"() ({
      %run_scoped3A = tpu.sem_alloc : memref<!tpu.dma_semaphore, #tpu.memory_space<semaphore_mem>>
      %dma_start3A_653 = arith.constant 0 : i32
      %dma_start3A_654 = tpu.memref_slice %arg20[%dma_start3A_653] : memref<272xi32, #tpu.memory_space<vmem>> -> memref<256xi32, #tpu.memory_space<vmem>>
      %dma_start3A_655 = tpu.memref_slice %arg7[%mul3A_156] : memref<32768xi32, #tpu.memory_space<hbm>> -> memref<256xi32, #tpu.memory_space<hbm>>
      %dma_start3A_656 = tpu.memref_slice %arg7[%mul3A_156] : memref<32768xi32, #tpu.memory_space<hbm>> -> memref<256xi32, #tpu.memory_space<hbm>>
      %dma_start3A_657 = arith.constant 0 : i32
      %dma_start3A_658 = tpu.memref_slice %arg20[%dma_start3A_657] : memref<272xi32, #tpu.memory_space<vmem>> -> memref<256xi32, #tpu.memory_space<vmem>>
      tpu.enqueue_dma source(%dma_start3A_658 : memref<256xi32, #tpu.memory_space<vmem>>) target(%dma_start3A_656 : memref<256xi32, #tpu.memory_space<hbm>>) target_semaphore(%run_scoped3A : memref<!tpu.dma_semaphore, #tpu.memory_space<semaphore_mem>>)
      %dma_wait3A_659 = arith.constant 0 : i32
      %dma_wait3A_660 = tpu.memref_slice %arg20[%dma_wait3A_659] : memref<272xi32, #tpu.memory_space<vmem>> -> memref<256xi32, #tpu.memory_space<vmem>>
      %dma_wait3A_661 = tpu.memref_slice %arg7[%mul3A_156] : memref<32768xi32, #tpu.memory_space<hbm>> -> memref<256xi32, #tpu.memory_space<hbm>>
      %dma_wait3A_662 = tpu.memref_slice %arg7[%mul3A_156] : memref<32768xi32, #tpu.memory_space<hbm>> -> memref<256xi32, #tpu.memory_space<hbm>>
      %dma_wait3A_663 = arith.constant 0 : i32
      %dma_wait3A_664 = tpu.memref_slice %arg20[%dma_wait3A_663] : memref<272xi32, #tpu.memory_space<vmem>> -> memref<256xi32, #tpu.memory_space<vmem>>
      tpu.wait_dma2 semaphore(%run_scoped3A : memref<!tpu.dma_semaphore, #tpu.memory_space<semaphore_mem>>) src(%dma_wait3A_664 : memref<256xi32, #tpu.memory_space<vmem>>) dst(%dma_wait3A_662 : memref<256xi32, #tpu.memory_space<hbm>>)
      tpu.yield
    }) : () -> ()
    %mul3A_157 = arith.constant 64 : i32
    %mul3A_158 = arith.muli %add3A_7, %mul3A_157 : i32
    "tpu.region"() ({
      %run_scoped3A = tpu.sem_alloc : memref<!tpu.dma_semaphore, #tpu.memory_space<semaphore_mem>>
      %dma_start3A_653 = arith.constant 0 : i32
      %dma_start3A_654 = tpu.memref_slice %arg13[%dma_start3A_653] : memref<96xi32, #tpu.memory_space<vmem>> -> memref<64xi32, #tpu.memory_space<vmem>>
      %dma_start3A_655 = tpu.memref_slice %arg8[%mul3A_158] : memref<8192xi32, #tpu.memory_space<hbm>> -> memref<64xi32, #tpu.memory_space<hbm>>
      %dma_start3A_656 = tpu.memref_slice %arg8[%mul3A_158] : memref<8192xi32, #tpu.memory_space<hbm>> -> memref<64xi32, #tpu.memory_space<hbm>>
      %dma_start3A_657 = arith.constant 0 : i32
      %dma_start3A_658 = tpu.memref_slice %arg13[%dma_start3A_657] : memref<96xi32, #tpu.memory_space<vmem>> -> memref<64xi32, #tpu.memory_space<vmem>>
      tpu.enqueue_dma source(%dma_start3A_658 : memref<64xi32, #tpu.memory_space<vmem>>) target(%dma_start3A_656 : memref<64xi32, #tpu.memory_space<hbm>>) target_semaphore(%run_scoped3A : memref<!tpu.dma_semaphore, #tpu.memory_space<semaphore_mem>>)
      %dma_wait3A_659 = arith.constant 0 : i32
      %dma_wait3A_660 = tpu.memref_slice %arg13[%dma_wait3A_659] : memref<96xi32, #tpu.memory_space<vmem>> -> memref<64xi32, #tpu.memory_space<vmem>>
      %dma_wait3A_661 = tpu.memref_slice %arg8[%mul3A_158] : memref<8192xi32, #tpu.memory_space<hbm>> -> memref<64xi32, #tpu.memory_space<hbm>>
      %dma_wait3A_662 = tpu.memref_slice %arg8[%mul3A_158] : memref<8192xi32, #tpu.memory_space<hbm>> -> memref<64xi32, #tpu.memory_space<hbm>>
      %dma_wait3A_663 = arith.constant 0 : i32
      %dma_wait3A_664 = tpu.memref_slice %arg13[%dma_wait3A_663] : memref<96xi32, #tpu.memory_space<vmem>> -> memref<64xi32, #tpu.memory_space<vmem>>
      tpu.wait_dma2 semaphore(%run_scoped3A : memref<!tpu.dma_semaphore, #tpu.memory_space<semaphore_mem>>) src(%dma_wait3A_664 : memref<64xi32, #tpu.memory_space<vmem>>) dst(%dma_wait3A_662 : memref<64xi32, #tpu.memory_space<hbm>>)
      tpu.yield
    }) : () -> ()
    %mul3A_159 = arith.constant 16 : i32
    %mul3A_160 = arith.muli %add3A_7, %mul3A_159 : i32
    "tpu.region"() ({
      %run_scoped3A = tpu.sem_alloc : memref<!tpu.dma_semaphore, #tpu.memory_space<semaphore_mem>>
      %dma_start3A_653 = tpu.memref_slice %arg9[%mul3A_160] : memref<2048xi32, #tpu.memory_space<hbm>> -> memref<16xi32, #tpu.memory_space<hbm>>
      %dma_start3A_654 = tpu.memref_slice %arg9[%mul3A_160] : memref<2048xi32, #tpu.memory_space<hbm>> -> memref<16xi32, #tpu.memory_space<hbm>>
      tpu.enqueue_dma source(%arg16 : memref<16xi32, #tpu.memory_space<vmem>>) target(%dma_start3A_654 : memref<16xi32, #tpu.memory_space<hbm>>) target_semaphore(%run_scoped3A : memref<!tpu.dma_semaphore, #tpu.memory_space<semaphore_mem>>)
      %dma_wait3A_655 = tpu.memref_slice %arg9[%mul3A_160] : memref<2048xi32, #tpu.memory_space<hbm>> -> memref<16xi32, #tpu.memory_space<hbm>>
      %dma_wait3A_656 = tpu.memref_slice %arg9[%mul3A_160] : memref<2048xi32, #tpu.memory_space<hbm>> -> memref<16xi32, #tpu.memory_space<hbm>>
      tpu.wait_dma2 semaphore(%run_scoped3A : memref<!tpu.dma_semaphore, #tpu.memory_space<semaphore_mem>>) src(%arg16 : memref<16xi32, #tpu.memory_space<vmem>>) dst(%dma_wait3A_656 : memref<16xi32, #tpu.memory_space<hbm>>)
      tpu.yield
    }) : () -> ()
    %mul3A_161 = arith.constant 4 : i32
    %mul3A_162 = arith.muli %add3A, %mul3A_161 : i32
    %add3A_163 = arith.constant 1 : i32
    %add3A_164 = arith.addi %mul3A_162, %add3A_163 : i32
    %mul3A_165 = arith.constant 896 : i32
    %mul3A_166 = arith.muli %add3A_164, %mul3A_165 : i32
    "tpu.region"() ({
      %run_scoped3A = tpu.sem_alloc : memref<!tpu.dma_semaphore, #tpu.memory_space<semaphore_mem>>
      %dma_start3A_653 = tpu.memref_slice %arg2[%mul3A_166] : memref<114688xf32, #tpu.memory_space<hbm>> -> memref<896xf32, #tpu.memory_space<hbm>>
      %dma_start3A_654 = tpu.memref_slice %arg2[%mul3A_166] : memref<114688xf32, #tpu.memory_space<hbm>> -> memref<896xf32, #tpu.memory_space<hbm>>
      tpu.enqueue_dma source(%dma_start3A_654 : memref<896xf32, #tpu.memory_space<hbm>>) target(%arg10 : memref<896xf32, #tpu.memory_space<vmem>>) target_semaphore(%run_scoped3A : memref<!tpu.dma_semaphore, #tpu.memory_space<semaphore_mem>>)
      %dma_wait3A_655 = tpu.memref_slice %arg2[%mul3A_166] : memref<114688xf32, #tpu.memory_space<hbm>> -> memref<896xf32, #tpu.memory_space<hbm>>
      %dma_wait3A_656 = tpu.memref_slice %arg2[%mul3A_166] : memref<114688xf32, #tpu.memory_space<hbm>> -> memref<896xf32, #tpu.memory_space<hbm>>
      tpu.wait_dma2 semaphore(%run_scoped3A : memref<!tpu.dma_semaphore, #tpu.memory_space<semaphore_mem>>) src(%dma_wait3A_656 : memref<896xf32, #tpu.memory_space<hbm>>) dst(%arg10 : memref<896xf32, #tpu.memory_space<vmem>>)
      tpu.yield
    }) : () -> ()
    %mul3A_167 = arith.constant 16 : i32
    %mul3A_168 = arith.muli %add3A_164, %mul3A_167 : i32
    "tpu.region"() ({
      %run_scoped3A = tpu.sem_alloc : memref<!tpu.dma_semaphore, #tpu.memory_space<semaphore_mem>>
      %dma_start3A_653 = tpu.memref_slice %arg3[%mul3A_168] : memref<2048xf32, #tpu.memory_space<hbm>> -> memref<16xf32, #tpu.memory_space<hbm>>
      %dma_start3A_654 = tpu.memref_slice %arg3[%mul3A_168] : memref<2048xf32, #tpu.memory_space<hbm>> -> memref<16xf32, #tpu.memory_space<hbm>>
      tpu.enqueue_dma source(%dma_start3A_654 : memref<16xf32, #tpu.memory_space<hbm>>) target(%arg11 : memref<16xf32, #tpu.memory_space<vmem>>) target_semaphore(%run_scoped3A : memref<!tpu.dma_semaphore, #tpu.memory_space<semaphore_mem>>)
      %dma_wait3A_655 = tpu.memref_slice %arg3[%mul3A_168] : memref<2048xf32, #tpu.memory_space<hbm>> -> memref<16xf32, #tpu.memory_space<hbm>>
      %dma_wait3A_656 = tpu.memref_slice %arg3[%mul3A_168] : memref<2048xf32, #tpu.memory_space<hbm>> -> memref<16xf32, #tpu.memory_space<hbm>>
      tpu.wait_dma2 semaphore(%run_scoped3A : memref<!tpu.dma_semaphore, #tpu.memory_space<semaphore_mem>>) src(%dma_wait3A_656 : memref<16xf32, #tpu.memory_space<hbm>>) dst(%arg11 : memref<16xf32, #tpu.memory_space<vmem>>)
      tpu.yield
    }) : () -> ()
    %mul3A_169 = arith.constant 16 : i32
    %mul3A_170 = arith.muli %add3A_164, %mul3A_169 : i32
    "tpu.region"() ({
      %run_scoped3A = tpu.sem_alloc : memref<!tpu.dma_semaphore, #tpu.memory_space<semaphore_mem>>
      %dma_start3A_653 = tpu.memref_slice %arg4[%mul3A_170] : memref<2048xi32, #tpu.memory_space<hbm>> -> memref<16xi32, #tpu.memory_space<hbm>>
      %dma_start3A_654 = tpu.memref_slice %arg4[%mul3A_170] : memref<2048xi32, #tpu.memory_space<hbm>> -> memref<16xi32, #tpu.memory_space<hbm>>
      tpu.enqueue_dma source(%dma_start3A_654 : memref<16xi32, #tpu.memory_space<hbm>>) target(%arg12 : memref<16xi32, #tpu.memory_space<vmem>>) target_semaphore(%run_scoped3A : memref<!tpu.dma_semaphore, #tpu.memory_space<semaphore_mem>>)
      %dma_wait3A_655 = tpu.memref_slice %arg4[%mul3A_170] : memref<2048xi32, #tpu.memory_space<hbm>> -> memref<16xi32, #tpu.memory_space<hbm>>
      %dma_wait3A_656 = tpu.memref_slice %arg4[%mul3A_170] : memref<2048xi32, #tpu.memory_space<hbm>> -> memref<16xi32, #tpu.memory_space<hbm>>
      tpu.wait_dma2 semaphore(%run_scoped3A : memref<!tpu.dma_semaphore, #tpu.memory_space<semaphore_mem>>) src(%dma_wait3A_656 : memref<16xi32, #tpu.memory_space<hbm>>) dst(%arg12 : memref<16xi32, #tpu.memory_space<vmem>>)
      tpu.yield
    }) : () -> ()
    %swap3A_171 = arith.constant 0 : index
    %swap3A_172 = tpu.vector_load %arg13[%swap3A_171] {strides = array<i32>} : memref<96xi32, #tpu.memory_space<vmem>>, vector<16xi32>,
    tpu.vector_store %arg13[%swap3A_171], %broadcast_in_dim3A_1 {strides = array<i32>} : memref<96xi32, #tpu.memory_space<vmem>>, vector<16xi32>,
    %swap3A_173 = arith.constant 16 : index
    %swap3A_174 = tpu.vector_load %arg13[%swap3A_173] {strides = array<i32>} : memref<96xi32, #tpu.memory_space<vmem>>, vector<16xi32>,
    tpu.vector_store %arg13[%swap3A_173], %broadcast_in_dim3A_1 {strides = array<i32>} : memref<96xi32, #tpu.memory_space<vmem>>, vector<16xi32>,
    %swap3A_175 = arith.constant 32 : index
    %swap3A_176 = tpu.vector_load %arg13[%swap3A_175] {strides = array<i32>} : memref<96xi32, #tpu.memory_space<vmem>>, vector<16xi32>,
    tpu.vector_store %arg13[%swap3A_175], %broadcast_in_dim3A_1 {strides = array<i32>} : memref<96xi32, #tpu.memory_space<vmem>>, vector<16xi32>,
    %swap3A_177 = arith.constant 48 : index
    %swap3A_178 = tpu.vector_load %arg13[%swap3A_177] {strides = array<i32>} : memref<96xi32, #tpu.memory_space<vmem>>, vector<16xi32>,
    tpu.vector_store %arg13[%swap3A_177], %broadcast_in_dim3A_1 {strides = array<i32>} : memref<96xi32, #tpu.memory_space<vmem>>, vector<16xi32>,
    %swap3A_179 = arith.constant 64 : index
    %swap3A_180 = tpu.vector_load %arg13[%swap3A_179] {strides = array<i32>} : memref<96xi32, #tpu.memory_space<vmem>>, vector<16xi32>,
    tpu.vector_store %arg13[%swap3A_179], %broadcast_in_dim3A_1 {strides = array<i32>} : memref<96xi32, #tpu.memory_space<vmem>>, vector<16xi32>,
    %swap3A_181 = arith.constant 80 : index
    %swap3A_182 = tpu.vector_load %arg13[%swap3A_181] {strides = array<i32>} : memref<96xi32, #tpu.memory_space<vmem>>, vector<16xi32>,
    tpu.vector_store %arg13[%swap3A_181], %broadcast_in_dim3A_1 {strides = array<i32>} : memref<96xi32, #tpu.memory_space<vmem>>, vector<16xi32>,
    %swap3A_183 = arith.constant 0 : index
    %swap3A_184 = tpu.vector_load %arg17[%swap3A_183] {strides = array<i32>} : memref<16xi32, #tpu.memory_space<vmem>>, vector<16xi32>,
    tpu.vector_store %arg17[%swap3A_183], %broadcast_in_dim3A_1 {strides = array<i32>} : memref<16xi32, #tpu.memory_space<vmem>>, vector<16xi32>,
    %iota3A_185 = tpu.iota {dimensions = array<i32: 0>} : vector<16xi32>
    %swap3A_186 = arith.constant 0 : index
    %swap3A_187 = tpu.vector_load %arg18[%swap3A_186] {strides = array<i32>} : memref<16xi32, #tpu.memory_space<vmem>>, vector<16xi32>,
    tpu.vector_store %arg18[%swap3A_186], %iota3A_185 {strides = array<i32>} : memref<16xi32, #tpu.memory_space<vmem>>, vector<16xi32>,
    %scan3A_188 = arith.constant 0 : i32
    %scan3A_189 = arith.constant 0 : i32
    %scan3A_190 = arith.constant 56 : i32
    %scan3A_191 = arith.addi %scan3A_189, %scan3A_190 : i32
    %scan3A_192 = arith.constant 1 : i32
    scf.for %scan3A_653 = %scan3A_189 to %scan3A_191 step %scan3A_192  : i32 {
      %mul3A_654 = arith.constant 16 : i32
      %mul3A_655 = arith.muli %scan3A_653, %mul3A_654 : i32
      %get3A_656 = arith.index_cast %mul3A_655 : i32 to index
      %get3A_657 = tpu.vector_load %arg10[%get3A_656] {strides = array<i32>} : memref<896xf32, #tpu.memory_space<vmem>>, vector<16xf32>,
      %get3A_658 = arith.constant 0 : index
      %get3A_659 = tpu.vector_load %arg11[%get3A_658] {strides = array<i32>} : memref<16xf32, #tpu.memory_space<vmem>>, vector<16xf32>,
      %ge3A = arith.cmpf oge, %get3A_657, %get3A_659 : vector<16xf32>
      %get3A_660 = arith.constant 0 : index
      %get3A_661 = tpu.vector_load %arg17[%get3A_660] {strides = array<i32>} : memref<16xi32, #tpu.memory_space<vmem>>, vector<16xi32>,
      %get3A_662 = arith.constant 0 : index
      %get3A_663 = tpu.vector_load %arg18[%get3A_662] {strides = array<i32>} : memref<16xi32, #tpu.memory_space<vmem>>, vector<16xi32>,
      %convert_element_type3A = arith.extui %ge3A : vector<16xi1> to vector<16xi32>
      %cumsum3A = arith.constant true
      %cumsum3A_664 = vector.broadcast %cumsum3A : i1 to vector<16xi1>
      %cumsum3A_665 = tpu.scan <sum>, %convert_element_type3A masked %cumsum3A_664 : vector<16xi32>, vector<16xi1> -> vector<16xi32>
      %add3A_666 = arith.addi %get3A_661, %cumsum3A_665 : vector<16xi32>
      %sub3A = arith.constant 1 : i32
      %sub3A_667 = vector.broadcast %sub3A : i32 to vector<16xi32>
      %sub3A_668 = arith.subi %add3A_666, %sub3A_667 : vector<16xi32>
      %min3A_669 = arith.constant 95 : i32
      %min3A_670 = vector.broadcast %min3A_669 : i32 to vector<16xi32>
      %min3A_671 = arith.minsi %sub3A_668, %min3A_670 : vector<16xi32>
      tpu.vector_store_idx %arg13[%min3A_671], %get3A_663 masked %ge3A : memref<96xi32, #tpu.memory_space<vmem>>[vector<16xi32>], vector<16xi32>, vector<16xi1>
      %all_reduce_population_count3A = tpu.all_reduce %ge3A {dim = 0 : i64, kind = #tpu.reduction_kind<sum>} : vector<16xi1> -> vector<16xi32>
      %add3A_672 = arith.addi %get3A_661, %all_reduce_population_count3A : vector<16xi32>
      %swap3A_673 = arith.constant 0 : index
      %swap3A_674 = tpu.vector_load %arg17[%swap3A_673] {strides = array<i32>} : memref<16xi32, #tpu.memory_space<vmem>>, vector<16xi32>,
      tpu.vector_store %arg17[%swap3A_673], %add3A_672 {strides = array<i32>} : memref<16xi32, #tpu.memory_space<vmem>>, vector<16xi32>,
      %add3A_675 = arith.constant 16 : i32
      %add3A_676 = vector.broadcast %add3A_675 : i32 to vector<16xi32>
      %add3A_677 = arith.addi %get3A_663, %add3A_676 : vector<16xi32>
      %swap3A_678 = arith.constant 0 : index
      %swap3A_679 = tpu.vector_load %arg18[%swap3A_678] {strides = array<i32>} : memref<16xi32, #tpu.memory_space<vmem>>, vector<16xi32>,
      tpu.vector_store %arg18[%swap3A_678], %add3A_677 {strides = array<i32>} : memref<16xi32, #tpu.memory_space<vmem>>, vector<16xi32>,
    }
    %scan3A_193 = arith.constant 56 : i32
    %get3A_194 = arith.constant 0 : index
    %get3A_195 = tpu.vector_load %arg17[%get3A_194] {strides = array<i32>} : memref<16xi32, #tpu.memory_space<vmem>>, vector<16xi32>,
    %min3A_196 = arith.constant 64 : i32
    %min3A_197 = vector.broadcast %min3A_196 : i32 to vector<16xi32>
    %min3A_198 = arith.minsi %get3A_195, %min3A_197 : vector<16xi32>
    %swap3A_199 = arith.constant 0 : index
    %swap3A_200 = tpu.vector_load %arg16[%swap3A_199] {strides = array<i32>} : memref<16xi32, #tpu.memory_space<vmem>>, vector<16xi32>,
    tpu.vector_store %arg16[%swap3A_199], %min3A_198 {strides = array<i32>} : memref<16xi32, #tpu.memory_space<vmem>>, vector<16xi32>,
    %get3A_201 = arith.constant 0 : index
    %get3A_202 = tpu.vector_load %arg12[%get3A_201] {strides = array<i32>} : memref<16xi32, #tpu.memory_space<vmem>>, vector<16xi32>,
    %get3A_203 = arith.constant 0 : index
    %get3A_204 = tpu.vector_load %arg13[%get3A_203] {strides = array<i32>} : memref<96xi32, #tpu.memory_space<vmem>>, vector<16xi32>,
    %add3A_205 = arith.addi %get3A_204, %get3A_202 : vector<16xi32>
    %swap3A_206 = arith.constant 0 : index
    %swap3A_207 = tpu.vector_load %arg14[%swap3A_206] {strides = array<i32>} : memref<64xi32, #tpu.memory_space<vmem>>, vector<16xi32>,
    tpu.vector_store %arg14[%swap3A_206], %add3A_205 {strides = array<i32>} : memref<64xi32, #tpu.memory_space<vmem>>, vector<16xi32>,
    %get3A_208 = arith.constant 16 : index
    %get3A_209 = tpu.vector_load %arg13[%get3A_208] {strides = array<i32>} : memref<96xi32, #tpu.memory_space<vmem>>, vector<16xi32>,
    %add3A_210 = arith.addi %get3A_209, %get3A_202 : vector<16xi32>
    %swap3A_211 = arith.constant 16 : index
    %swap3A_212 = tpu.vector_load %arg14[%swap3A_211] {strides = array<i32>} : memref<64xi32, #tpu.memory_space<vmem>>, vector<16xi32>,
    tpu.vector_store %arg14[%swap3A_211], %add3A_210 {strides = array<i32>} : memref<64xi32, #tpu.memory_space<vmem>>, vector<16xi32>,
    %get3A_213 = arith.constant 32 : index
    %get3A_214 = tpu.vector_load %arg13[%get3A_213] {strides = array<i32>} : memref<96xi32, #tpu.memory_space<vmem>>, vector<16xi32>,
    %add3A_215 = arith.addi %get3A_214, %get3A_202 : vector<16xi32>
    %swap3A_216 = arith.constant 32 : index
    %swap3A_217 = tpu.vector_load %arg14[%swap3A_216] {strides = array<i32>} : memref<64xi32, #tpu.memory_space<vmem>>, vector<16xi32>,
    tpu.vector_store %arg14[%swap3A_216], %add3A_215 {strides = array<i32>} : memref<64xi32, #tpu.memory_space<vmem>>, vector<16xi32>,
    %get3A_218 = arith.constant 48 : index
    %get3A_219 = tpu.vector_load %arg13[%get3A_218] {strides = array<i32>} : memref<96xi32, #tpu.memory_space<vmem>>, vector<16xi32>,
    %add3A_220 = arith.addi %get3A_219, %get3A_202 : vector<16xi32>
    %swap3A_221 = arith.constant 48 : index
    %swap3A_222 = tpu.vector_load %arg14[%swap3A_221] {strides = array<i32>} : memref<64xi32, #tpu.memory_space<vmem>>, vector<16xi32>,
    tpu.vector_store %arg14[%swap3A_221], %add3A_220 {strides = array<i32>} : memref<64xi32, #tpu.memory_space<vmem>>, vector<16xi32>,
    %dma_start3A_223 = arith.constant 0 : i32
    %dma_start3A_224 = arith.constant 0 : i32
    %dma_start3A_225 = tpu.memref_slice %arg5[%dma_start3A_223, %dma_start3A_224] : memref<100096x128xf32, #tpu.memory_space<hbm>> -> memref<100096x128xf32, #tpu.memory_space<hbm>>
    tpu.enqueue_indirect_dma source(%dma_start3A_225 : memref<100096x128xf32, #tpu.memory_space<hbm>>) target(%arg15 : memref<64x128xf32, #tpu.memory_space<vmem>>) offsets(%arg14 : memref<64xi32, #tpu.memory_space<vmem>>) semaphore(%arg21 : memref<!tpu.dma_semaphore, #tpu.memory_space<semaphore_mem>>)
    %dma_wait3A_226 = arith.constant 0 : i32
    %dma_wait3A_227 = arith.constant 0 : i32
    %dma_wait3A_228 = tpu.memref_slice %arg5[%dma_wait3A_226, %dma_wait3A_227] : memref<100096x128xf32, #tpu.memory_space<hbm>> -> memref<100096x128xf32, #tpu.memory_space<hbm>>
    tpu.wait_indirect_dma semaphore(%arg21 : memref<!tpu.dma_semaphore, #tpu.memory_space<semaphore_mem>>) src(%dma_wait3A_228 : memref<100096x128xf32, #tpu.memory_space<hbm>>) dst(%arg15 : memref<64x128xf32, #tpu.memory_space<vmem>>)
    %swap3A_229 = arith.constant 0 : index
    %swap3A_230 = tpu.vector_load %arg19[%swap3A_229] {strides = array<i32>} : memref<272xf32, #tpu.memory_space<vmem>>, vector<16xf32>,
    tpu.vector_store %arg19[%swap3A_229], %broadcast_in_dim3A_3 {strides = array<i32>} : memref<272xf32, #tpu.memory_space<vmem>>, vector<16xf32>,
    %swap3A_231 = arith.constant 0 : index
    %swap3A_232 = tpu.vector_load %arg20[%swap3A_231] {strides = array<i32>} : memref<272xi32, #tpu.memory_space<vmem>>, vector<16xi32>,
    tpu.vector_store %arg20[%swap3A_231], %broadcast_in_dim3A_1 {strides = array<i32>} : memref<272xi32, #tpu.memory_space<vmem>>, vector<16xi32>,
    %swap3A_233 = arith.constant 16 : index
    %swap3A_234 = tpu.vector_load %arg19[%swap3A_233] {strides = array<i32>} : memref<272xf32, #tpu.memory_space<vmem>>, vector<16xf32>,
    tpu.vector_store %arg19[%swap3A_233], %broadcast_in_dim3A_3 {strides = array<i32>} : memref<272xf32, #tpu.memory_space<vmem>>, vector<16xf32>,
    %swap3A_235 = arith.constant 16 : index
    %swap3A_236 = tpu.vector_load %arg20[%swap3A_235] {strides = array<i32>} : memref<272xi32, #tpu.memory_space<vmem>>, vector<16xi32>,
    tpu.vector_store %arg20[%swap3A_235], %broadcast_in_dim3A_1 {strides = array<i32>} : memref<272xi32, #tpu.memory_space<vmem>>, vector<16xi32>,
    %swap3A_237 = arith.constant 32 : index
    %swap3A_238 = tpu.vector_load %arg19[%swap3A_237] {strides = array<i32>} : memref<272xf32, #tpu.memory_space<vmem>>, vector<16xf32>,
    tpu.vector_store %arg19[%swap3A_237], %broadcast_in_dim3A_3 {strides = array<i32>} : memref<272xf32, #tpu.memory_space<vmem>>, vector<16xf32>,
    %swap3A_239 = arith.constant 32 : index
    %swap3A_240 = tpu.vector_load %arg20[%swap3A_239] {strides = array<i32>} : memref<272xi32, #tpu.memory_space<vmem>>, vector<16xi32>,
    tpu.vector_store %arg20[%swap3A_239], %broadcast_in_dim3A_1 {strides = array<i32>} : memref<272xi32, #tpu.memory_space<vmem>>, vector<16xi32>,
    %swap3A_241 = arith.constant 48 : index
    %swap3A_242 = tpu.vector_load %arg19[%swap3A_241] {strides = array<i32>} : memref<272xf32, #tpu.memory_space<vmem>>, vector<16xf32>,
    tpu.vector_store %arg19[%swap3A_241], %broadcast_in_dim3A_3 {strides = array<i32>} : memref<272xf32, #tpu.memory_space<vmem>>, vector<16xf32>,
    %swap3A_243 = arith.constant 48 : index
    %swap3A_244 = tpu.vector_load %arg20[%swap3A_243] {strides = array<i32>} : memref<272xi32, #tpu.memory_space<vmem>>, vector<16xi32>,
    tpu.vector_store %arg20[%swap3A_243], %broadcast_in_dim3A_1 {strides = array<i32>} : memref<272xi32, #tpu.memory_space<vmem>>, vector<16xi32>,
    %swap3A_245 = arith.constant 64 : index
    %swap3A_246 = tpu.vector_load %arg19[%swap3A_245] {strides = array<i32>} : memref<272xf32, #tpu.memory_space<vmem>>, vector<16xf32>,
    tpu.vector_store %arg19[%swap3A_245], %broadcast_in_dim3A_3 {strides = array<i32>} : memref<272xf32, #tpu.memory_space<vmem>>, vector<16xf32>,
    %swap3A_247 = arith.constant 64 : index
    %swap3A_248 = tpu.vector_load %arg20[%swap3A_247] {strides = array<i32>} : memref<272xi32, #tpu.memory_space<vmem>>, vector<16xi32>,
    tpu.vector_store %arg20[%swap3A_247], %broadcast_in_dim3A_1 {strides = array<i32>} : memref<272xi32, #tpu.memory_space<vmem>>, vector<16xi32>,
    %swap3A_249 = arith.constant 80 : index
    %swap3A_250 = tpu.vector_load %arg19[%swap3A_249] {strides = array<i32>} : memref<272xf32, #tpu.memory_space<vmem>>, vector<16xf32>,
    tpu.vector_store %arg19[%swap3A_249], %broadcast_in_dim3A_3 {strides = array<i32>} : memref<272xf32, #tpu.memory_space<vmem>>, vector<16xf32>,
    %swap3A_251 = arith.constant 80 : index
    %swap3A_252 = tpu.vector_load %arg20[%swap3A_251] {strides = array<i32>} : memref<272xi32, #tpu.memory_space<vmem>>, vector<16xi32>,
    tpu.vector_store %arg20[%swap3A_251], %broadcast_in_dim3A_1 {strides = array<i32>} : memref<272xi32, #tpu.memory_space<vmem>>, vector<16xi32>,
    %swap3A_253 = arith.constant 96 : index
    %swap3A_254 = tpu.vector_load %arg19[%swap3A_253] {strides = array<i32>} : memref<272xf32, #tpu.memory_space<vmem>>, vector<16xf32>,
    tpu.vector_store %arg19[%swap3A_253], %broadcast_in_dim3A_3 {strides = array<i32>} : memref<272xf32, #tpu.memory_space<vmem>>, vector<16xf32>,
    %swap3A_255 = arith.constant 96 : index
    %swap3A_256 = tpu.vector_load %arg20[%swap3A_255] {strides = array<i32>} : memref<272xi32, #tpu.memory_space<vmem>>, vector<16xi32>,
    tpu.vector_store %arg20[%swap3A_255], %broadcast_in_dim3A_1 {strides = array<i32>} : memref<272xi32, #tpu.memory_space<vmem>>, vector<16xi32>,
    %swap3A_257 = arith.constant 112 : index
    %swap3A_258 = tpu.vector_load %arg19[%swap3A_257] {strides = array<i32>} : memref<272xf32, #tpu.memory_space<vmem>>, vector<16xf32>,
    tpu.vector_store %arg19[%swap3A_257], %broadcast_in_dim3A_3 {strides = array<i32>} : memref<272xf32, #tpu.memory_space<vmem>>, vector<16xf32>,
    %swap3A_259 = arith.constant 112 : index
    %swap3A_260 = tpu.vector_load %arg20[%swap3A_259] {strides = array<i32>} : memref<272xi32, #tpu.memory_space<vmem>>, vector<16xi32>,
    tpu.vector_store %arg20[%swap3A_259], %broadcast_in_dim3A_1 {strides = array<i32>} : memref<272xi32, #tpu.memory_space<vmem>>, vector<16xi32>,
    %swap3A_261 = arith.constant 128 : index
    %swap3A_262 = tpu.vector_load %arg19[%swap3A_261] {strides = array<i32>} : memref<272xf32, #tpu.memory_space<vmem>>, vector<16xf32>,
    tpu.vector_store %arg19[%swap3A_261], %broadcast_in_dim3A_3 {strides = array<i32>} : memref<272xf32, #tpu.memory_space<vmem>>, vector<16xf32>,
    %swap3A_263 = arith.constant 128 : index
    %swap3A_264 = tpu.vector_load %arg20[%swap3A_263] {strides = array<i32>} : memref<272xi32, #tpu.memory_space<vmem>>, vector<16xi32>,
    tpu.vector_store %arg20[%swap3A_263], %broadcast_in_dim3A_1 {strides = array<i32>} : memref<272xi32, #tpu.memory_space<vmem>>, vector<16xi32>,
    %swap3A_265 = arith.constant 144 : index
    %swap3A_266 = tpu.vector_load %arg19[%swap3A_265] {strides = array<i32>} : memref<272xf32, #tpu.memory_space<vmem>>, vector<16xf32>,
    tpu.vector_store %arg19[%swap3A_265], %broadcast_in_dim3A_3 {strides = array<i32>} : memref<272xf32, #tpu.memory_space<vmem>>, vector<16xf32>,
    %swap3A_267 = arith.constant 144 : index
    %swap3A_268 = tpu.vector_load %arg20[%swap3A_267] {strides = array<i32>} : memref<272xi32, #tpu.memory_space<vmem>>, vector<16xi32>,
    tpu.vector_store %arg20[%swap3A_267], %broadcast_in_dim3A_1 {strides = array<i32>} : memref<272xi32, #tpu.memory_space<vmem>>, vector<16xi32>,
    %swap3A_269 = arith.constant 160 : index
    %swap3A_270 = tpu.vector_load %arg19[%swap3A_269] {strides = array<i32>} : memref<272xf32, #tpu.memory_space<vmem>>, vector<16xf32>,
    tpu.vector_store %arg19[%swap3A_269], %broadcast_in_dim3A_3 {strides = array<i32>} : memref<272xf32, #tpu.memory_space<vmem>>, vector<16xf32>,
    %swap3A_271 = arith.constant 160 : index
    %swap3A_272 = tpu.vector_load %arg20[%swap3A_271] {strides = array<i32>} : memref<272xi32, #tpu.memory_space<vmem>>, vector<16xi32>,
    tpu.vector_store %arg20[%swap3A_271], %broadcast_in_dim3A_1 {strides = array<i32>} : memref<272xi32, #tpu.memory_space<vmem>>, vector<16xi32>,
    %swap3A_273 = arith.constant 176 : index
    %swap3A_274 = tpu.vector_load %arg19[%swap3A_273] {strides = array<i32>} : memref<272xf32, #tpu.memory_space<vmem>>, vector<16xf32>,
    tpu.vector_store %arg19[%swap3A_273], %broadcast_in_dim3A_3 {strides = array<i32>} : memref<272xf32, #tpu.memory_space<vmem>>, vector<16xf32>,
    %swap3A_275 = arith.constant 176 : index
    %swap3A_276 = tpu.vector_load %arg20[%swap3A_275] {strides = array<i32>} : memref<272xi32, #tpu.memory_space<vmem>>, vector<16xi32>,
    tpu.vector_store %arg20[%swap3A_275], %broadcast_in_dim3A_1 {strides = array<i32>} : memref<272xi32, #tpu.memory_space<vmem>>, vector<16xi32>,
    %swap3A_277 = arith.constant 192 : index
    %swap3A_278 = tpu.vector_load %arg19[%swap3A_277] {strides = array<i32>} : memref<272xf32, #tpu.memory_space<vmem>>, vector<16xf32>,
    tpu.vector_store %arg19[%swap3A_277], %broadcast_in_dim3A_3 {strides = array<i32>} : memref<272xf32, #tpu.memory_space<vmem>>, vector<16xf32>,
    %swap3A_279 = arith.constant 192 : index
    %swap3A_280 = tpu.vector_load %arg20[%swap3A_279] {strides = array<i32>} : memref<272xi32, #tpu.memory_space<vmem>>, vector<16xi32>,
    tpu.vector_store %arg20[%swap3A_279], %broadcast_in_dim3A_1 {strides = array<i32>} : memref<272xi32, #tpu.memory_space<vmem>>, vector<16xi32>,
    %swap3A_281 = arith.constant 208 : index
    %swap3A_282 = tpu.vector_load %arg19[%swap3A_281] {strides = array<i32>} : memref<272xf32, #tpu.memory_space<vmem>>, vector<16xf32>,
    tpu.vector_store %arg19[%swap3A_281], %broadcast_in_dim3A_3 {strides = array<i32>} : memref<272xf32, #tpu.memory_space<vmem>>, vector<16xf32>,
    %swap3A_283 = arith.constant 208 : index
    %swap3A_284 = tpu.vector_load %arg20[%swap3A_283] {strides = array<i32>} : memref<272xi32, #tpu.memory_space<vmem>>, vector<16xi32>,
    tpu.vector_store %arg20[%swap3A_283], %broadcast_in_dim3A_1 {strides = array<i32>} : memref<272xi32, #tpu.memory_space<vmem>>, vector<16xi32>,
    %swap3A_285 = arith.constant 224 : index
    %swap3A_286 = tpu.vector_load %arg19[%swap3A_285] {strides = array<i32>} : memref<272xf32, #tpu.memory_space<vmem>>, vector<16xf32>,
    tpu.vector_store %arg19[%swap3A_285], %broadcast_in_dim3A_3 {strides = array<i32>} : memref<272xf32, #tpu.memory_space<vmem>>, vector<16xf32>,
    %swap3A_287 = arith.constant 224 : index
    %swap3A_288 = tpu.vector_load %arg20[%swap3A_287] {strides = array<i32>} : memref<272xi32, #tpu.memory_space<vmem>>, vector<16xi32>,
    tpu.vector_store %arg20[%swap3A_287], %broadcast_in_dim3A_1 {strides = array<i32>} : memref<272xi32, #tpu.memory_space<vmem>>, vector<16xi32>,
    %swap3A_289 = arith.constant 240 : index
    %swap3A_290 = tpu.vector_load %arg19[%swap3A_289] {strides = array<i32>} : memref<272xf32, #tpu.memory_space<vmem>>, vector<16xf32>,
    tpu.vector_store %arg19[%swap3A_289], %broadcast_in_dim3A_3 {strides = array<i32>} : memref<272xf32, #tpu.memory_space<vmem>>, vector<16xf32>,
    %swap3A_291 = arith.constant 240 : index
    %swap3A_292 = tpu.vector_load %arg20[%swap3A_291] {strides = array<i32>} : memref<272xi32, #tpu.memory_space<vmem>>, vector<16xi32>,
    tpu.vector_store %arg20[%swap3A_291], %broadcast_in_dim3A_1 {strides = array<i32>} : memref<272xi32, #tpu.memory_space<vmem>>, vector<16xi32>,
    %swap3A_293 = arith.constant 256 : index
    %swap3A_294 = tpu.vector_load %arg19[%swap3A_293] {strides = array<i32>} : memref<272xf32, #tpu.memory_space<vmem>>, vector<16xf32>,
    tpu.vector_store %arg19[%swap3A_293], %broadcast_in_dim3A_3 {strides = array<i32>} : memref<272xf32, #tpu.memory_space<vmem>>, vector<16xf32>,
    %swap3A_295 = arith.constant 256 : index
    %swap3A_296 = tpu.vector_load %arg20[%swap3A_295] {strides = array<i32>} : memref<272xi32, #tpu.memory_space<vmem>>, vector<16xi32>,
    tpu.vector_store %arg20[%swap3A_295], %broadcast_in_dim3A_1 {strides = array<i32>} : memref<272xi32, #tpu.memory_space<vmem>>, vector<16xi32>,
    %swap3A_297 = arith.constant 0 : index
    %swap3A_298 = tpu.vector_load %arg17[%swap3A_297] {strides = array<i32>} : memref<16xi32, #tpu.memory_space<vmem>>, vector<16xi32>,
    tpu.vector_store %arg17[%swap3A_297], %broadcast_in_dim3A_1 {strides = array<i32>} : memref<16xi32, #tpu.memory_space<vmem>>, vector<16xi32>,
    %iota3A_299 = tpu.iota {dimensions = array<i32: 0>} : vector<16xi32>
    %swap3A_300 = arith.constant 0 : index
    %swap3A_301 = tpu.vector_load %arg18[%swap3A_300] {strides = array<i32>} : memref<16xi32, #tpu.memory_space<vmem>>, vector<16xi32>,
    tpu.vector_store %arg18[%swap3A_300], %iota3A_299 {strides = array<i32>} : memref<16xi32, #tpu.memory_space<vmem>>, vector<16xi32>,
    %get3A_302 = arith.constant 0 : index
    %get3A_303 = tpu.vector_load %arg16[%get3A_302] {strides = array<i32>} : memref<16xi32, #tpu.memory_space<vmem>>, vector<16xi32>,
    %scan3A_304 = arith.constant 0 : i32
    %scan3A_305 = arith.constant 0 : i32
    %scan3A_306 = arith.constant 512 : i32
    %scan3A_307 = arith.addi %scan3A_305, %scan3A_306 : i32
    %scan3A_308 = arith.constant 1 : i32
    scf.for %scan3A_653 = %scan3A_305 to %scan3A_307 step %scan3A_308  : i32 {
      %get3A_654 = arith.constant 0 : index
      %get3A_655 = tpu.vector_load %arg18[%get3A_654] {strides = array<i32>} : memref<16xi32, #tpu.memory_space<vmem>>, vector<16xi32>,
      %shift_right_arithmetic3A = arith.constant 3 : i32
      %shift_right_arithmetic3A_656 = arith.shrsi %scan3A_653, %shift_right_arithmetic3A : i32
      %and3A = arith.constant 7 : i32
      %and3A_657 = arith.andi %scan3A_653, %and3A : i32
      %mul3A_658 = arith.constant 16 : i32
      %mul3A_659 = arith.muli %and3A_657, %mul3A_658 : i32
      %get3A_660 = arith.index_cast %shift_right_arithmetic3A_656 : i32 to index
      %get3A_661 = arith.index_cast %mul3A_659 : i32 to index
      %get3A_662 = tpu.vector_load %arg15[%get3A_660, %get3A_661] {strides = array<i32>} : memref<64x128xf32, #tpu.memory_space<vmem>>, vector<16xf32>,
      %get3A_663 = arith.constant 0 : index
      %get3A_664 = tpu.vector_load %arg11[%get3A_663] {strides = array<i32>} : memref<16xf32, #tpu.memory_space<vmem>>, vector<16xf32>,
      %ge3A = arith.cmpf oge, %get3A_662, %get3A_664 : vector<16xf32>
      %shift_right_arithmetic3A_665 = arith.constant 7 : i32
      %shift_right_arithmetic3A_666 = vector.broadcast %shift_right_arithmetic3A_665 : i32 to vector<16xi32>
      %shift_right_arithmetic3A_667 = arith.shrsi %get3A_655, %shift_right_arithmetic3A_666 : vector<16xi32>
      %lt3A = arith.cmpi slt, %shift_right_arithmetic3A_667, %get3A_303 : vector<16xi32>
      %and3A_668 = arith.andi %ge3A, %lt3A : vector<16xi1>
      %get3A_669 = arith.constant 0 : index
      %get3A_670 = tpu.vector_load %arg17[%get3A_669] {strides = array<i32>} : memref<16xi32, #tpu.memory_space<vmem>>, vector<16xi32>,
      %convert_element_type3A = arith.extui %and3A_668 : vector<16xi1> to vector<16xi32>
      %cumsum3A = arith.constant true
      %cumsum3A_671 = vector.broadcast %cumsum3A : i1 to vector<16xi1>
      %cumsum3A_672 = tpu.scan <sum>, %convert_element_type3A masked %cumsum3A_671 : vector<16xi32>, vector<16xi1> -> vector<16xi32>
      %add3A_673 = arith.addi %get3A_670, %cumsum3A_672 : vector<16xi32>
      %sub3A = arith.constant 1 : i32
      %sub3A_674 = vector.broadcast %sub3A : i32 to vector<16xi32>
      %sub3A_675 = arith.subi %add3A_673, %sub3A_674 : vector<16xi32>
      %min3A_676 = arith.constant 271 : i32
      %min3A_677 = vector.broadcast %min3A_676 : i32 to vector<16xi32>
      %min3A_678 = arith.minsi %sub3A_675, %min3A_677 : vector<16xi32>
      tpu.vector_store_idx %arg19[%min3A_678], %get3A_662 masked %and3A_668 : memref<272xf32, #tpu.memory_space<vmem>>[vector<16xi32>], vector<16xf32>, vector<16xi1>
      tpu.vector_store_idx %arg20[%min3A_678], %get3A_655 masked %and3A_668 : memref<272xi32, #tpu.memory_space<vmem>>[vector<16xi32>], vector<16xi32>, vector<16xi1>
      %all_reduce_population_count3A = tpu.all_reduce %and3A_668 {dim = 0 : i64, kind = #tpu.reduction_kind<sum>} : vector<16xi1> -> vector<16xi32>
      %add3A_679 = arith.addi %get3A_670, %all_reduce_population_count3A : vector<16xi32>
      %swap3A_680 = arith.constant 0 : index
      %swap3A_681 = tpu.vector_load %arg17[%swap3A_680] {strides = array<i32>} : memref<16xi32, #tpu.memory_space<vmem>>, vector<16xi32>,
      tpu.vector_store %arg17[%swap3A_680], %add3A_679 {strides = array<i32>} : memref<16xi32, #tpu.memory_space<vmem>>, vector<16xi32>,
      %add3A_682 = arith.constant 16 : i32
      %add3A_683 = vector.broadcast %add3A_682 : i32 to vector<16xi32>
      %add3A_684 = arith.addi %get3A_655, %add3A_683 : vector<16xi32>
      %swap3A_685 = arith.constant 0 : index
      %swap3A_686 = tpu.vector_load %arg18[%swap3A_685] {strides = array<i32>} : memref<16xi32, #tpu.memory_space<vmem>>, vector<16xi32>,
      tpu.vector_store %arg18[%swap3A_685], %add3A_684 {strides = array<i32>} : memref<16xi32, #tpu.memory_space<vmem>>, vector<16xi32>,
    }
    %scan3A_309 = arith.constant 512 : i32
    %get3A_310 = arith.constant 0 : index
    %get3A_311 = tpu.vector_load %arg17[%get3A_310] {strides = array<i32>} : memref<16xi32, #tpu.memory_space<vmem>>, vector<16xi32>,
    %min3A_312 = arith.constant 256 : i32
    %min3A_313 = vector.broadcast %min3A_312 : i32 to vector<16xi32>
    %min3A_314 = arith.minsi %get3A_311, %min3A_313 : vector<16xi32>
    %swap3A_315 = arith.constant 0 : index
    %swap3A_316 = tpu.vector_load %arg16[%swap3A_315] {strides = array<i32>} : memref<16xi32, #tpu.memory_space<vmem>>, vector<16xi32>,
    tpu.vector_store %arg16[%swap3A_315], %min3A_314 {strides = array<i32>} : memref<16xi32, #tpu.memory_space<vmem>>, vector<16xi32>,
    %mul3A_317 = arith.constant 256 : i32
    %mul3A_318 = arith.muli %add3A_164, %mul3A_317 : i32
    "tpu.region"() ({
      %run_scoped3A = tpu.sem_alloc : memref<!tpu.dma_semaphore, #tpu.memory_space<semaphore_mem>>
      %dma_start3A_653 = arith.constant 0 : i32
      %dma_start3A_654 = tpu.memref_slice %arg19[%dma_start3A_653] : memref<272xf32, #tpu.memory_space<vmem>> -> memref<256xf32, #tpu.memory_space<vmem>>
      %dma_start3A_655 = tpu.memref_slice %arg6[%mul3A_318] : memref<32768xf32, #tpu.memory_space<hbm>> -> memref<256xf32, #tpu.memory_space<hbm>>
      %dma_start3A_656 = tpu.memref_slice %arg6[%mul3A_318] : memref<32768xf32, #tpu.memory_space<hbm>> -> memref<256xf32, #tpu.memory_space<hbm>>
      %dma_start3A_657 = arith.constant 0 : i32
      %dma_start3A_658 = tpu.memref_slice %arg19[%dma_start3A_657] : memref<272xf32, #tpu.memory_space<vmem>> -> memref<256xf32, #tpu.memory_space<vmem>>
      tpu.enqueue_dma source(%dma_start3A_658 : memref<256xf32, #tpu.memory_space<vmem>>) target(%dma_start3A_656 : memref<256xf32, #tpu.memory_space<hbm>>) target_semaphore(%run_scoped3A : memref<!tpu.dma_semaphore, #tpu.memory_space<semaphore_mem>>)
      %dma_wait3A_659 = arith.constant 0 : i32
      %dma_wait3A_660 = tpu.memref_slice %arg19[%dma_wait3A_659] : memref<272xf32, #tpu.memory_space<vmem>> -> memref<256xf32, #tpu.memory_space<vmem>>
      %dma_wait3A_661 = tpu.memref_slice %arg6[%mul3A_318] : memref<32768xf32, #tpu.memory_space<hbm>> -> memref<256xf32, #tpu.memory_space<hbm>>
      %dma_wait3A_662 = tpu.memref_slice %arg6[%mul3A_318] : memref<32768xf32, #tpu.memory_space<hbm>> -> memref<256xf32, #tpu.memory_space<hbm>>
      %dma_wait3A_663 = arith.constant 0 : i32
      %dma_wait3A_664 = tpu.memref_slice %arg19[%dma_wait3A_663] : memref<272xf32, #tpu.memory_space<vmem>> -> memref<256xf32, #tpu.memory_space<vmem>>
      tpu.wait_dma2 semaphore(%run_scoped3A : memref<!tpu.dma_semaphore, #tpu.memory_space<semaphore_mem>>) src(%dma_wait3A_664 : memref<256xf32, #tpu.memory_space<vmem>>) dst(%dma_wait3A_662 : memref<256xf32, #tpu.memory_space<hbm>>)
      tpu.yield
    }) : () -> ()
    %mul3A_319 = arith.constant 256 : i32
    %mul3A_320 = arith.muli %add3A_164, %mul3A_319 : i32
    "tpu.region"() ({
      %run_scoped3A = tpu.sem_alloc : memref<!tpu.dma_semaphore, #tpu.memory_space<semaphore_mem>>
      %dma_start3A_653 = arith.constant 0 : i32
      %dma_start3A_654 = tpu.memref_slice %arg20[%dma_start3A_653] : memref<272xi32, #tpu.memory_space<vmem>> -> memref<256xi32, #tpu.memory_space<vmem>>
      %dma_start3A_655 = tpu.memref_slice %arg7[%mul3A_320] : memref<32768xi32, #tpu.memory_space<hbm>> -> memref<256xi32, #tpu.memory_space<hbm>>
      %dma_start3A_656 = tpu.memref_slice %arg7[%mul3A_320] : memref<32768xi32, #tpu.memory_space<hbm>> -> memref<256xi32, #tpu.memory_space<hbm>>
      %dma_start3A_657 = arith.constant 0 : i32
      %dma_start3A_658 = tpu.memref_slice %arg20[%dma_start3A_657] : memref<272xi32, #tpu.memory_space<vmem>> -> memref<256xi32, #tpu.memory_space<vmem>>
      tpu.enqueue_dma source(%dma_start3A_658 : memref<256xi32, #tpu.memory_space<vmem>>) target(%dma_start3A_656 : memref<256xi32, #tpu.memory_space<hbm>>) target_semaphore(%run_scoped3A : memref<!tpu.dma_semaphore, #tpu.memory_space<semaphore_mem>>)
      %dma_wait3A_659 = arith.constant 0 : i32
      %dma_wait3A_660 = tpu.memref_slice %arg20[%dma_wait3A_659] : memref<272xi32, #tpu.memory_space<vmem>> -> memref<256xi32, #tpu.memory_space<vmem>>
      %dma_wait3A_661 = tpu.memref_slice %arg7[%mul3A_320] : memref<32768xi32, #tpu.memory_space<hbm>> -> memref<256xi32, #tpu.memory_space<hbm>>
      %dma_wait3A_662 = tpu.memref_slice %arg7[%mul3A_320] : memref<32768xi32, #tpu.memory_space<hbm>> -> memref<256xi32, #tpu.memory_space<hbm>>
      %dma_wait3A_663 = arith.constant 0 : i32
      %dma_wait3A_664 = tpu.memref_slice %arg20[%dma_wait3A_663] : memref<272xi32, #tpu.memory_space<vmem>> -> memref<256xi32, #tpu.memory_space<vmem>>
      tpu.wait_dma2 semaphore(%run_scoped3A : memref<!tpu.dma_semaphore, #tpu.memory_space<semaphore_mem>>) src(%dma_wait3A_664 : memref<256xi32, #tpu.memory_space<vmem>>) dst(%dma_wait3A_662 : memref<256xi32, #tpu.memory_space<hbm>>)
      tpu.yield
    }) : () -> ()
    %mul3A_321 = arith.constant 64 : i32
    %mul3A_322 = arith.muli %add3A_164, %mul3A_321 : i32
    "tpu.region"() ({
      %run_scoped3A = tpu.sem_alloc : memref<!tpu.dma_semaphore, #tpu.memory_space<semaphore_mem>>
      %dma_start3A_653 = arith.constant 0 : i32
      %dma_start3A_654 = tpu.memref_slice %arg13[%dma_start3A_653] : memref<96xi32, #tpu.memory_space<vmem>> -> memref<64xi32, #tpu.memory_space<vmem>>
      %dma_start3A_655 = tpu.memref_slice %arg8[%mul3A_322] : memref<8192xi32, #tpu.memory_space<hbm>> -> memref<64xi32, #tpu.memory_space<hbm>>
      %dma_start3A_656 = tpu.memref_slice %arg8[%mul3A_322] : memref<8192xi32, #tpu.memory_space<hbm>> -> memref<64xi32, #tpu.memory_space<hbm>>
      %dma_start3A_657 = arith.constant 0 : i32
      %dma_start3A_658 = tpu.memref_slice %arg13[%dma_start3A_657] : memref<96xi32, #tpu.memory_space<vmem>> -> memref<64xi32, #tpu.memory_space<vmem>>
      tpu.enqueue_dma source(%dma_start3A_658 : memref<64xi32, #tpu.memory_space<vmem>>) target(%dma_start3A_656 : memref<64xi32, #tpu.memory_space<hbm>>) target_semaphore(%run_scoped3A : memref<!tpu.dma_semaphore, #tpu.memory_space<semaphore_mem>>)
      %dma_wait3A_659 = arith.constant 0 : i32
      %dma_wait3A_660 = tpu.memref_slice %arg13[%dma_wait3A_659] : memref<96xi32, #tpu.memory_space<vmem>> -> memref<64xi32, #tpu.memory_space<vmem>>
      %dma_wait3A_661 = tpu.memref_slice %arg8[%mul3A_322] : memref<8192xi32, #tpu.memory_space<hbm>> -> memref<64xi32, #tpu.memory_space<hbm>>
      %dma_wait3A_662 = tpu.memref_slice %arg8[%mul3A_322] : memref<8192xi32, #tpu.memory_space<hbm>> -> memref<64xi32, #tpu.memory_space<hbm>>
      %dma_wait3A_663 = arith.constant 0 : i32
      %dma_wait3A_664 = tpu.memref_slice %arg13[%dma_wait3A_663] : memref<96xi32, #tpu.memory_space<vmem>> -> memref<64xi32, #tpu.memory_space<vmem>>
      tpu.wait_dma2 semaphore(%run_scoped3A : memref<!tpu.dma_semaphore, #tpu.memory_space<semaphore_mem>>) src(%dma_wait3A_664 : memref<64xi32, #tpu.memory_space<vmem>>) dst(%dma_wait3A_662 : memref<64xi32, #tpu.memory_space<hbm>>)
      tpu.yield
    }) : () -> ()
    %mul3A_323 = arith.constant 16 : i32
    %mul3A_324 = arith.muli %add3A_164, %mul3A_323 : i32
    "tpu.region"() ({
      %run_scoped3A = tpu.sem_alloc : memref<!tpu.dma_semaphore, #tpu.memory_space<semaphore_mem>>
      %dma_start3A_653 = tpu.memref_slice %arg9[%mul3A_324] : memref<2048xi32, #tpu.memory_space<hbm>> -> memref<16xi32, #tpu.memory_space<hbm>>
      %dma_start3A_654 = tpu.memref_slice %arg9[%mul3A_324] : memref<2048xi32, #tpu.memory_space<hbm>> -> memref<16xi32, #tpu.memory_space<hbm>>
      tpu.enqueue_dma source(%arg16 : memref<16xi32, #tpu.memory_space<vmem>>) target(%dma_start3A_654 : memref<16xi32, #tpu.memory_space<hbm>>) target_semaphore(%run_scoped3A : memref<!tpu.dma_semaphore, #tpu.memory_space<semaphore_mem>>)
      %dma_wait3A_655 = tpu.memref_slice %arg9[%mul3A_324] : memref<2048xi32, #tpu.memory_space<hbm>> -> memref<16xi32, #tpu.memory_space<hbm>>
      %dma_wait3A_656 = tpu.memref_slice %arg9[%mul3A_324] : memref<2048xi32, #tpu.memory_space<hbm>> -> memref<16xi32, #tpu.memory_space<hbm>>
      tpu.wait_dma2 semaphore(%run_scoped3A : memref<!tpu.dma_semaphore, #tpu.memory_space<semaphore_mem>>) src(%arg16 : memref<16xi32, #tpu.memory_space<vmem>>) dst(%dma_wait3A_656 : memref<16xi32, #tpu.memory_space<hbm>>)
      tpu.yield
    }) : () -> ()
    %mul3A_325 = arith.constant 4 : i32
    %mul3A_326 = arith.muli %add3A, %mul3A_325 : i32
    %add3A_327 = arith.constant 2 : i32
    %add3A_328 = arith.addi %mul3A_326, %add3A_327 : i32
    %mul3A_329 = arith.constant 896 : i32
    %mul3A_330 = arith.muli %add3A_328, %mul3A_329 : i32
    "tpu.region"() ({
      %run_scoped3A = tpu.sem_alloc : memref<!tpu.dma_semaphore, #tpu.memory_space<semaphore_mem>>
      %dma_start3A_653 = tpu.memref_slice %arg2[%mul3A_330] : memref<114688xf32, #tpu.memory_space<hbm>> -> memref<896xf32, #tpu.memory_space<hbm>>
      %dma_start3A_654 = tpu.memref_slice %arg2[%mul3A_330] : memref<114688xf32, #tpu.memory_space<hbm>> -> memref<896xf32, #tpu.memory_space<hbm>>
      tpu.enqueue_dma source(%dma_start3A_654 : memref<896xf32, #tpu.memory_space<hbm>>) target(%arg10 : memref<896xf32, #tpu.memory_space<vmem>>) target_semaphore(%run_scoped3A : memref<!tpu.dma_semaphore, #tpu.memory_space<semaphore_mem>>)
      %dma_wait3A_655 = tpu.memref_slice %arg2[%mul3A_330] : memref<114688xf32, #tpu.memory_space<hbm>> -> memref<896xf32, #tpu.memory_space<hbm>>
      %dma_wait3A_656 = tpu.memref_slice %arg2[%mul3A_330] : memref<114688xf32, #tpu.memory_space<hbm>> -> memref<896xf32, #tpu.memory_space<hbm>>
      tpu.wait_dma2 semaphore(%run_scoped3A : memref<!tpu.dma_semaphore, #tpu.memory_space<semaphore_mem>>) src(%dma_wait3A_656 : memref<896xf32, #tpu.memory_space<hbm>>) dst(%arg10 : memref<896xf32, #tpu.memory_space<vmem>>)
      tpu.yield
    }) : () -> ()
    %mul3A_331 = arith.constant 16 : i32
    %mul3A_332 = arith.muli %add3A_328, %mul3A_331 : i32
    "tpu.region"() ({
      %run_scoped3A = tpu.sem_alloc : memref<!tpu.dma_semaphore, #tpu.memory_space<semaphore_mem>>
      %dma_start3A_653 = tpu.memref_slice %arg3[%mul3A_332] : memref<2048xf32, #tpu.memory_space<hbm>> -> memref<16xf32, #tpu.memory_space<hbm>>
      %dma_start3A_654 = tpu.memref_slice %arg3[%mul3A_332] : memref<2048xf32, #tpu.memory_space<hbm>> -> memref<16xf32, #tpu.memory_space<hbm>>
      tpu.enqueue_dma source(%dma_start3A_654 : memref<16xf32, #tpu.memory_space<hbm>>) target(%arg11 : memref<16xf32, #tpu.memory_space<vmem>>) target_semaphore(%run_scoped3A : memref<!tpu.dma_semaphore, #tpu.memory_space<semaphore_mem>>)
      %dma_wait3A_655 = tpu.memref_slice %arg3[%mul3A_332] : memref<2048xf32, #tpu.memory_space<hbm>> -> memref<16xf32, #tpu.memory_space<hbm>>
      %dma_wait3A_656 = tpu.memref_slice %arg3[%mul3A_332] : memref<2048xf32, #tpu.memory_space<hbm>> -> memref<16xf32, #tpu.memory_space<hbm>>
      tpu.wait_dma2 semaphore(%run_scoped3A : memref<!tpu.dma_semaphore, #tpu.memory_space<semaphore_mem>>) src(%dma_wait3A_656 : memref<16xf32, #tpu.memory_space<hbm>>) dst(%arg11 : memref<16xf32, #tpu.memory_space<vmem>>)
      tpu.yield
    }) : () -> ()
    %mul3A_333 = arith.constant 16 : i32
    %mul3A_334 = arith.muli %add3A_328, %mul3A_333 : i32
    "tpu.region"() ({
      %run_scoped3A = tpu.sem_alloc : memref<!tpu.dma_semaphore, #tpu.memory_space<semaphore_mem>>
      %dma_start3A_653 = tpu.memref_slice %arg4[%mul3A_334] : memref<2048xi32, #tpu.memory_space<hbm>> -> memref<16xi32, #tpu.memory_space<hbm>>
      %dma_start3A_654 = tpu.memref_slice %arg4[%mul3A_334] : memref<2048xi32, #tpu.memory_space<hbm>> -> memref<16xi32, #tpu.memory_space<hbm>>
      tpu.enqueue_dma source(%dma_start3A_654 : memref<16xi32, #tpu.memory_space<hbm>>) target(%arg12 : memref<16xi32, #tpu.memory_space<vmem>>) target_semaphore(%run_scoped3A : memref<!tpu.dma_semaphore, #tpu.memory_space<semaphore_mem>>)
      %dma_wait3A_655 = tpu.memref_slice %arg4[%mul3A_334] : memref<2048xi32, #tpu.memory_space<hbm>> -> memref<16xi32, #tpu.memory_space<hbm>>
      %dma_wait3A_656 = tpu.memref_slice %arg4[%mul3A_334] : memref<2048xi32, #tpu.memory_space<hbm>> -> memref<16xi32, #tpu.memory_space<hbm>>
      tpu.wait_dma2 semaphore(%run_scoped3A : memref<!tpu.dma_semaphore, #tpu.memory_space<semaphore_mem>>) src(%dma_wait3A_656 : memref<16xi32, #tpu.memory_space<hbm>>) dst(%arg12 : memref<16xi32, #tpu.memory_space<vmem>>)
      tpu.yield
    }) : () -> ()
    %swap3A_335 = arith.constant 0 : index
    %swap3A_336 = tpu.vector_load %arg13[%swap3A_335] {strides = array<i32>} : memref<96xi32, #tpu.memory_space<vmem>>, vector<16xi32>,
    tpu.vector_store %arg13[%swap3A_335], %broadcast_in_dim3A_1 {strides = array<i32>} : memref<96xi32, #tpu.memory_space<vmem>>, vector<16xi32>,
    %swap3A_337 = arith.constant 16 : index
    %swap3A_338 = tpu.vector_load %arg13[%swap3A_337] {strides = array<i32>} : memref<96xi32, #tpu.memory_space<vmem>>, vector<16xi32>,
    tpu.vector_store %arg13[%swap3A_337], %broadcast_in_dim3A_1 {strides = array<i32>} : memref<96xi32, #tpu.memory_space<vmem>>, vector<16xi32>,
    %swap3A_339 = arith.constant 32 : index
    %swap3A_340 = tpu.vector_load %arg13[%swap3A_339] {strides = array<i32>} : memref<96xi32, #tpu.memory_space<vmem>>, vector<16xi32>,
    tpu.vector_store %arg13[%swap3A_339], %broadcast_in_dim3A_1 {strides = array<i32>} : memref<96xi32, #tpu.memory_space<vmem>>, vector<16xi32>,
    %swap3A_341 = arith.constant 48 : index
    %swap3A_342 = tpu.vector_load %arg13[%swap3A_341] {strides = array<i32>} : memref<96xi32, #tpu.memory_space<vmem>>, vector<16xi32>,
    tpu.vector_store %arg13[%swap3A_341], %broadcast_in_dim3A_1 {strides = array<i32>} : memref<96xi32, #tpu.memory_space<vmem>>, vector<16xi32>,
    %swap3A_343 = arith.constant 64 : index
    %swap3A_344 = tpu.vector_load %arg13[%swap3A_343] {strides = array<i32>} : memref<96xi32, #tpu.memory_space<vmem>>, vector<16xi32>,
    tpu.vector_store %arg13[%swap3A_343], %broadcast_in_dim3A_1 {strides = array<i32>} : memref<96xi32, #tpu.memory_space<vmem>>, vector<16xi32>,
    %swap3A_345 = arith.constant 80 : index
    %swap3A_346 = tpu.vector_load %arg13[%swap3A_345] {strides = array<i32>} : memref<96xi32, #tpu.memory_space<vmem>>, vector<16xi32>,
    tpu.vector_store %arg13[%swap3A_345], %broadcast_in_dim3A_1 {strides = array<i32>} : memref<96xi32, #tpu.memory_space<vmem>>, vector<16xi32>,
    %swap3A_347 = arith.constant 0 : index
    %swap3A_348 = tpu.vector_load %arg17[%swap3A_347] {strides = array<i32>} : memref<16xi32, #tpu.memory_space<vmem>>, vector<16xi32>,
    tpu.vector_store %arg17[%swap3A_347], %broadcast_in_dim3A_1 {strides = array<i32>} : memref<16xi32, #tpu.memory_space<vmem>>, vector<16xi32>,
    %iota3A_349 = tpu.iota {dimensions = array<i32: 0>} : vector<16xi32>
    %swap3A_350 = arith.constant 0 : index
    %swap3A_351 = tpu.vector_load %arg18[%swap3A_350] {strides = array<i32>} : memref<16xi32, #tpu.memory_space<vmem>>, vector<16xi32>,
    tpu.vector_store %arg18[%swap3A_350], %iota3A_349 {strides = array<i32>} : memref<16xi32, #tpu.memory_space<vmem>>, vector<16xi32>,
    %scan3A_352 = arith.constant 0 : i32
    %scan3A_353 = arith.constant 0 : i32
    %scan3A_354 = arith.constant 56 : i32
    %scan3A_355 = arith.addi %scan3A_353, %scan3A_354 : i32
    %scan3A_356 = arith.constant 1 : i32
    scf.for %scan3A_653 = %scan3A_353 to %scan3A_355 step %scan3A_356  : i32 {
      %mul3A_654 = arith.constant 16 : i32
      %mul3A_655 = arith.muli %scan3A_653, %mul3A_654 : i32
      %get3A_656 = arith.index_cast %mul3A_655 : i32 to index
      %get3A_657 = tpu.vector_load %arg10[%get3A_656] {strides = array<i32>} : memref<896xf32, #tpu.memory_space<vmem>>, vector<16xf32>,
      %get3A_658 = arith.constant 0 : index
      %get3A_659 = tpu.vector_load %arg11[%get3A_658] {strides = array<i32>} : memref<16xf32, #tpu.memory_space<vmem>>, vector<16xf32>,
      %ge3A = arith.cmpf oge, %get3A_657, %get3A_659 : vector<16xf32>
      %get3A_660 = arith.constant 0 : index
      %get3A_661 = tpu.vector_load %arg17[%get3A_660] {strides = array<i32>} : memref<16xi32, #tpu.memory_space<vmem>>, vector<16xi32>,
      %get3A_662 = arith.constant 0 : index
      %get3A_663 = tpu.vector_load %arg18[%get3A_662] {strides = array<i32>} : memref<16xi32, #tpu.memory_space<vmem>>, vector<16xi32>,
      %convert_element_type3A = arith.extui %ge3A : vector<16xi1> to vector<16xi32>
      %cumsum3A = arith.constant true
      %cumsum3A_664 = vector.broadcast %cumsum3A : i1 to vector<16xi1>
      %cumsum3A_665 = tpu.scan <sum>, %convert_element_type3A masked %cumsum3A_664 : vector<16xi32>, vector<16xi1> -> vector<16xi32>
      %add3A_666 = arith.addi %get3A_661, %cumsum3A_665 : vector<16xi32>
      %sub3A = arith.constant 1 : i32
      %sub3A_667 = vector.broadcast %sub3A : i32 to vector<16xi32>
      %sub3A_668 = arith.subi %add3A_666, %sub3A_667 : vector<16xi32>
      %min3A_669 = arith.constant 95 : i32
      %min3A_670 = vector.broadcast %min3A_669 : i32 to vector<16xi32>
      %min3A_671 = arith.minsi %sub3A_668, %min3A_670 : vector<16xi32>
      tpu.vector_store_idx %arg13[%min3A_671], %get3A_663 masked %ge3A : memref<96xi32, #tpu.memory_space<vmem>>[vector<16xi32>], vector<16xi32>, vector<16xi1>
      %all_reduce_population_count3A = tpu.all_reduce %ge3A {dim = 0 : i64, kind = #tpu.reduction_kind<sum>} : vector<16xi1> -> vector<16xi32>
      %add3A_672 = arith.addi %get3A_661, %all_reduce_population_count3A : vector<16xi32>
      %swap3A_673 = arith.constant 0 : index
      %swap3A_674 = tpu.vector_load %arg17[%swap3A_673] {strides = array<i32>} : memref<16xi32, #tpu.memory_space<vmem>>, vector<16xi32>,
      tpu.vector_store %arg17[%swap3A_673], %add3A_672 {strides = array<i32>} : memref<16xi32, #tpu.memory_space<vmem>>, vector<16xi32>,
      %add3A_675 = arith.constant 16 : i32
      %add3A_676 = vector.broadcast %add3A_675 : i32 to vector<16xi32>
      %add3A_677 = arith.addi %get3A_663, %add3A_676 : vector<16xi32>
      %swap3A_678 = arith.constant 0 : index
      %swap3A_679 = tpu.vector_load %arg18[%swap3A_678] {strides = array<i32>} : memref<16xi32, #tpu.memory_space<vmem>>, vector<16xi32>,
      tpu.vector_store %arg18[%swap3A_678], %add3A_677 {strides = array<i32>} : memref<16xi32, #tpu.memory_space<vmem>>, vector<16xi32>,
    }
    %scan3A_357 = arith.constant 56 : i32
    %get3A_358 = arith.constant 0 : index
    %get3A_359 = tpu.vector_load %arg17[%get3A_358] {strides = array<i32>} : memref<16xi32, #tpu.memory_space<vmem>>, vector<16xi32>,
    %min3A_360 = arith.constant 64 : i32
    %min3A_361 = vector.broadcast %min3A_360 : i32 to vector<16xi32>
    %min3A_362 = arith.minsi %get3A_359, %min3A_361 : vector<16xi32>
    %swap3A_363 = arith.constant 0 : index
    %swap3A_364 = tpu.vector_load %arg16[%swap3A_363] {strides = array<i32>} : memref<16xi32, #tpu.memory_space<vmem>>, vector<16xi32>,
    tpu.vector_store %arg16[%swap3A_363], %min3A_362 {strides = array<i32>} : memref<16xi32, #tpu.memory_space<vmem>>, vector<16xi32>,
    %get3A_365 = arith.constant 0 : index
    %get3A_366 = tpu.vector_load %arg12[%get3A_365] {strides = array<i32>} : memref<16xi32, #tpu.memory_space<vmem>>, vector<16xi32>,
    %get3A_367 = arith.constant 0 : index
    %get3A_368 = tpu.vector_load %arg13[%get3A_367] {strides = array<i32>} : memref<96xi32, #tpu.memory_space<vmem>>, vector<16xi32>,
    %add3A_369 = arith.addi %get3A_368, %get3A_366 : vector<16xi32>
    %swap3A_370 = arith.constant 0 : index
    %swap3A_371 = tpu.vector_load %arg14[%swap3A_370] {strides = array<i32>} : memref<64xi32, #tpu.memory_space<vmem>>, vector<16xi32>,
    tpu.vector_store %arg14[%swap3A_370], %add3A_369 {strides = array<i32>} : memref<64xi32, #tpu.memory_space<vmem>>, vector<16xi32>,
    %get3A_372 = arith.constant 16 : index
    %get3A_373 = tpu.vector_load %arg13[%get3A_372] {strides = array<i32>} : memref<96xi32, #tpu.memory_space<vmem>>, vector<16xi32>,
    %add3A_374 = arith.addi %get3A_373, %get3A_366 : vector<16xi32>
    %swap3A_375 = arith.constant 16 : index
    %swap3A_376 = tpu.vector_load %arg14[%swap3A_375] {strides = array<i32>} : memref<64xi32, #tpu.memory_space<vmem>>, vector<16xi32>,
    tpu.vector_store %arg14[%swap3A_375], %add3A_374 {strides = array<i32>} : memref<64xi32, #tpu.memory_space<vmem>>, vector<16xi32>,
    %get3A_377 = arith.constant 32 : index
    %get3A_378 = tpu.vector_load %arg13[%get3A_377] {strides = array<i32>} : memref<96xi32, #tpu.memory_space<vmem>>, vector<16xi32>,
    %add3A_379 = arith.addi %get3A_378, %get3A_366 : vector<16xi32>
    %swap3A_380 = arith.constant 32 : index
    %swap3A_381 = tpu.vector_load %arg14[%swap3A_380] {strides = array<i32>} : memref<64xi32, #tpu.memory_space<vmem>>, vector<16xi32>,
    tpu.vector_store %arg14[%swap3A_380], %add3A_379 {strides = array<i32>} : memref<64xi32, #tpu.memory_space<vmem>>, vector<16xi32>,
    %get3A_382 = arith.constant 48 : index
    %get3A_383 = tpu.vector_load %arg13[%get3A_382] {strides = array<i32>} : memref<96xi32, #tpu.memory_space<vmem>>, vector<16xi32>,
    %add3A_384 = arith.addi %get3A_383, %get3A_366 : vector<16xi32>
    %swap3A_385 = arith.constant 48 : index
    %swap3A_386 = tpu.vector_load %arg14[%swap3A_385] {strides = array<i32>} : memref<64xi32, #tpu.memory_space<vmem>>, vector<16xi32>,
    tpu.vector_store %arg14[%swap3A_385], %add3A_384 {strides = array<i32>} : memref<64xi32, #tpu.memory_space<vmem>>, vector<16xi32>,
    %dma_start3A_387 = arith.constant 0 : i32
    %dma_start3A_388 = arith.constant 0 : i32
    %dma_start3A_389 = tpu.memref_slice %arg5[%dma_start3A_387, %dma_start3A_388] : memref<100096x128xf32, #tpu.memory_space<hbm>> -> memref<100096x128xf32, #tpu.memory_space<hbm>>
    tpu.enqueue_indirect_dma source(%dma_start3A_389 : memref<100096x128xf32, #tpu.memory_space<hbm>>) target(%arg15 : memref<64x128xf32, #tpu.memory_space<vmem>>) offsets(%arg14 : memref<64xi32, #tpu.memory_space<vmem>>) semaphore(%arg21 : memref<!tpu.dma_semaphore, #tpu.memory_space<semaphore_mem>>)
    %dma_wait3A_390 = arith.constant 0 : i32
    %dma_wait3A_391 = arith.constant 0 : i32
    %dma_wait3A_392 = tpu.memref_slice %arg5[%dma_wait3A_390, %dma_wait3A_391] : memref<100096x128xf32, #tpu.memory_space<hbm>> -> memref<100096x128xf32, #tpu.memory_space<hbm>>
    tpu.wait_indirect_dma semaphore(%arg21 : memref<!tpu.dma_semaphore, #tpu.memory_space<semaphore_mem>>) src(%dma_wait3A_392 : memref<100096x128xf32, #tpu.memory_space<hbm>>) dst(%arg15 : memref<64x128xf32, #tpu.memory_space<vmem>>)
    %swap3A_393 = arith.constant 0 : index
    %swap3A_394 = tpu.vector_load %arg19[%swap3A_393] {strides = array<i32>} : memref<272xf32, #tpu.memory_space<vmem>>, vector<16xf32>,
    tpu.vector_store %arg19[%swap3A_393], %broadcast_in_dim3A_3 {strides = array<i32>} : memref<272xf32, #tpu.memory_space<vmem>>, vector<16xf32>,
    %swap3A_395 = arith.constant 0 : index
    %swap3A_396 = tpu.vector_load %arg20[%swap3A_395] {strides = array<i32>} : memref<272xi32, #tpu.memory_space<vmem>>, vector<16xi32>,
    tpu.vector_store %arg20[%swap3A_395], %broadcast_in_dim3A_1 {strides = array<i32>} : memref<272xi32, #tpu.memory_space<vmem>>, vector<16xi32>,
    %swap3A_397 = arith.constant 16 : index
    %swap3A_398 = tpu.vector_load %arg19[%swap3A_397] {strides = array<i32>} : memref<272xf32, #tpu.memory_space<vmem>>, vector<16xf32>,
    tpu.vector_store %arg19[%swap3A_397], %broadcast_in_dim3A_3 {strides = array<i32>} : memref<272xf32, #tpu.memory_space<vmem>>, vector<16xf32>,
    %swap3A_399 = arith.constant 16 : index
    %swap3A_400 = tpu.vector_load %arg20[%swap3A_399] {strides = array<i32>} : memref<272xi32, #tpu.memory_space<vmem>>, vector<16xi32>,
    tpu.vector_store %arg20[%swap3A_399], %broadcast_in_dim3A_1 {strides = array<i32>} : memref<272xi32, #tpu.memory_space<vmem>>, vector<16xi32>,
    %swap3A_401 = arith.constant 32 : index
    %swap3A_402 = tpu.vector_load %arg19[%swap3A_401] {strides = array<i32>} : memref<272xf32, #tpu.memory_space<vmem>>, vector<16xf32>,
    tpu.vector_store %arg19[%swap3A_401], %broadcast_in_dim3A_3 {strides = array<i32>} : memref<272xf32, #tpu.memory_space<vmem>>, vector<16xf32>,
    %swap3A_403 = arith.constant 32 : index
    %swap3A_404 = tpu.vector_load %arg20[%swap3A_403] {strides = array<i32>} : memref<272xi32, #tpu.memory_space<vmem>>, vector<16xi32>,
    tpu.vector_store %arg20[%swap3A_403], %broadcast_in_dim3A_1 {strides = array<i32>} : memref<272xi32, #tpu.memory_space<vmem>>, vector<16xi32>,
    %swap3A_405 = arith.constant 48 : index
    %swap3A_406 = tpu.vector_load %arg19[%swap3A_405] {strides = array<i32>} : memref<272xf32, #tpu.memory_space<vmem>>, vector<16xf32>,
    tpu.vector_store %arg19[%swap3A_405], %broadcast_in_dim3A_3 {strides = array<i32>} : memref<272xf32, #tpu.memory_space<vmem>>, vector<16xf32>,
    %swap3A_407 = arith.constant 48 : index
    %swap3A_408 = tpu.vector_load %arg20[%swap3A_407] {strides = array<i32>} : memref<272xi32, #tpu.memory_space<vmem>>, vector<16xi32>,
    tpu.vector_store %arg20[%swap3A_407], %broadcast_in_dim3A_1 {strides = array<i32>} : memref<272xi32, #tpu.memory_space<vmem>>, vector<16xi32>,
    %swap3A_409 = arith.constant 64 : index
    %swap3A_410 = tpu.vector_load %arg19[%swap3A_409] {strides = array<i32>} : memref<272xf32, #tpu.memory_space<vmem>>, vector<16xf32>,
    tpu.vector_store %arg19[%swap3A_409], %broadcast_in_dim3A_3 {strides = array<i32>} : memref<272xf32, #tpu.memory_space<vmem>>, vector<16xf32>,
    %swap3A_411 = arith.constant 64 : index
    %swap3A_412 = tpu.vector_load %arg20[%swap3A_411] {strides = array<i32>} : memref<272xi32, #tpu.memory_space<vmem>>, vector<16xi32>,
    tpu.vector_store %arg20[%swap3A_411], %broadcast_in_dim3A_1 {strides = array<i32>} : memref<272xi32, #tpu.memory_space<vmem>>, vector<16xi32>,
    %swap3A_413 = arith.constant 80 : index
    %swap3A_414 = tpu.vector_load %arg19[%swap3A_413] {strides = array<i32>} : memref<272xf32, #tpu.memory_space<vmem>>, vector<16xf32>,
    tpu.vector_store %arg19[%swap3A_413], %broadcast_in_dim3A_3 {strides = array<i32>} : memref<272xf32, #tpu.memory_space<vmem>>, vector<16xf32>,
    %swap3A_415 = arith.constant 80 : index
    %swap3A_416 = tpu.vector_load %arg20[%swap3A_415] {strides = array<i32>} : memref<272xi32, #tpu.memory_space<vmem>>, vector<16xi32>,
    tpu.vector_store %arg20[%swap3A_415], %broadcast_in_dim3A_1 {strides = array<i32>} : memref<272xi32, #tpu.memory_space<vmem>>, vector<16xi32>,
    %swap3A_417 = arith.constant 96 : index
    %swap3A_418 = tpu.vector_load %arg19[%swap3A_417] {strides = array<i32>} : memref<272xf32, #tpu.memory_space<vmem>>, vector<16xf32>,
    tpu.vector_store %arg19[%swap3A_417], %broadcast_in_dim3A_3 {strides = array<i32>} : memref<272xf32, #tpu.memory_space<vmem>>, vector<16xf32>,
    %swap3A_419 = arith.constant 96 : index
    %swap3A_420 = tpu.vector_load %arg20[%swap3A_419] {strides = array<i32>} : memref<272xi32, #tpu.memory_space<vmem>>, vector<16xi32>,
    tpu.vector_store %arg20[%swap3A_419], %broadcast_in_dim3A_1 {strides = array<i32>} : memref<272xi32, #tpu.memory_space<vmem>>, vector<16xi32>,
    %swap3A_421 = arith.constant 112 : index
    %swap3A_422 = tpu.vector_load %arg19[%swap3A_421] {strides = array<i32>} : memref<272xf32, #tpu.memory_space<vmem>>, vector<16xf32>,
    tpu.vector_store %arg19[%swap3A_421], %broadcast_in_dim3A_3 {strides = array<i32>} : memref<272xf32, #tpu.memory_space<vmem>>, vector<16xf32>,
    %swap3A_423 = arith.constant 112 : index
    %swap3A_424 = tpu.vector_load %arg20[%swap3A_423] {strides = array<i32>} : memref<272xi32, #tpu.memory_space<vmem>>, vector<16xi32>,
    tpu.vector_store %arg20[%swap3A_423], %broadcast_in_dim3A_1 {strides = array<i32>} : memref<272xi32, #tpu.memory_space<vmem>>, vector<16xi32>,
    %swap3A_425 = arith.constant 128 : index
    %swap3A_426 = tpu.vector_load %arg19[%swap3A_425] {strides = array<i32>} : memref<272xf32, #tpu.memory_space<vmem>>, vector<16xf32>,
    tpu.vector_store %arg19[%swap3A_425], %broadcast_in_dim3A_3 {strides = array<i32>} : memref<272xf32, #tpu.memory_space<vmem>>, vector<16xf32>,
    %swap3A_427 = arith.constant 128 : index
    %swap3A_428 = tpu.vector_load %arg20[%swap3A_427] {strides = array<i32>} : memref<272xi32, #tpu.memory_space<vmem>>, vector<16xi32>,
    tpu.vector_store %arg20[%swap3A_427], %broadcast_in_dim3A_1 {strides = array<i32>} : memref<272xi32, #tpu.memory_space<vmem>>, vector<16xi32>,
    %swap3A_429 = arith.constant 144 : index
    %swap3A_430 = tpu.vector_load %arg19[%swap3A_429] {strides = array<i32>} : memref<272xf32, #tpu.memory_space<vmem>>, vector<16xf32>,
    tpu.vector_store %arg19[%swap3A_429], %broadcast_in_dim3A_3 {strides = array<i32>} : memref<272xf32, #tpu.memory_space<vmem>>, vector<16xf32>,
    %swap3A_431 = arith.constant 144 : index
    %swap3A_432 = tpu.vector_load %arg20[%swap3A_431] {strides = array<i32>} : memref<272xi32, #tpu.memory_space<vmem>>, vector<16xi32>,
    tpu.vector_store %arg20[%swap3A_431], %broadcast_in_dim3A_1 {strides = array<i32>} : memref<272xi32, #tpu.memory_space<vmem>>, vector<16xi32>,
    %swap3A_433 = arith.constant 160 : index
    %swap3A_434 = tpu.vector_load %arg19[%swap3A_433] {strides = array<i32>} : memref<272xf32, #tpu.memory_space<vmem>>, vector<16xf32>,
    tpu.vector_store %arg19[%swap3A_433], %broadcast_in_dim3A_3 {strides = array<i32>} : memref<272xf32, #tpu.memory_space<vmem>>, vector<16xf32>,
    %swap3A_435 = arith.constant 160 : index
    %swap3A_436 = tpu.vector_load %arg20[%swap3A_435] {strides = array<i32>} : memref<272xi32, #tpu.memory_space<vmem>>, vector<16xi32>,
    tpu.vector_store %arg20[%swap3A_435], %broadcast_in_dim3A_1 {strides = array<i32>} : memref<272xi32, #tpu.memory_space<vmem>>, vector<16xi32>,
    %swap3A_437 = arith.constant 176 : index
    %swap3A_438 = tpu.vector_load %arg19[%swap3A_437] {strides = array<i32>} : memref<272xf32, #tpu.memory_space<vmem>>, vector<16xf32>,
    tpu.vector_store %arg19[%swap3A_437], %broadcast_in_dim3A_3 {strides = array<i32>} : memref<272xf32, #tpu.memory_space<vmem>>, vector<16xf32>,
    %swap3A_439 = arith.constant 176 : index
    %swap3A_440 = tpu.vector_load %arg20[%swap3A_439] {strides = array<i32>} : memref<272xi32, #tpu.memory_space<vmem>>, vector<16xi32>,
    tpu.vector_store %arg20[%swap3A_439], %broadcast_in_dim3A_1 {strides = array<i32>} : memref<272xi32, #tpu.memory_space<vmem>>, vector<16xi32>,
    %swap3A_441 = arith.constant 192 : index
    %swap3A_442 = tpu.vector_load %arg19[%swap3A_441] {strides = array<i32>} : memref<272xf32, #tpu.memory_space<vmem>>, vector<16xf32>,
    tpu.vector_store %arg19[%swap3A_441], %broadcast_in_dim3A_3 {strides = array<i32>} : memref<272xf32, #tpu.memory_space<vmem>>, vector<16xf32>,
    %swap3A_443 = arith.constant 192 : index
    %swap3A_444 = tpu.vector_load %arg20[%swap3A_443] {strides = array<i32>} : memref<272xi32, #tpu.memory_space<vmem>>, vector<16xi32>,
    tpu.vector_store %arg20[%swap3A_443], %broadcast_in_dim3A_1 {strides = array<i32>} : memref<272xi32, #tpu.memory_space<vmem>>, vector<16xi32>,
    %swap3A_445 = arith.constant 208 : index
    %swap3A_446 = tpu.vector_load %arg19[%swap3A_445] {strides = array<i32>} : memref<272xf32, #tpu.memory_space<vmem>>, vector<16xf32>,
    tpu.vector_store %arg19[%swap3A_445], %broadcast_in_dim3A_3 {strides = array<i32>} : memref<272xf32, #tpu.memory_space<vmem>>, vector<16xf32>,
    %swap3A_447 = arith.constant 208 : index
    %swap3A_448 = tpu.vector_load %arg20[%swap3A_447] {strides = array<i32>} : memref<272xi32, #tpu.memory_space<vmem>>, vector<16xi32>,
    tpu.vector_store %arg20[%swap3A_447], %broadcast_in_dim3A_1 {strides = array<i32>} : memref<272xi32, #tpu.memory_space<vmem>>, vector<16xi32>,
    %swap3A_449 = arith.constant 224 : index
    %swap3A_450 = tpu.vector_load %arg19[%swap3A_449] {strides = array<i32>} : memref<272xf32, #tpu.memory_space<vmem>>, vector<16xf32>,
    tpu.vector_store %arg19[%swap3A_449], %broadcast_in_dim3A_3 {strides = array<i32>} : memref<272xf32, #tpu.memory_space<vmem>>, vector<16xf32>,
    %swap3A_451 = arith.constant 224 : index
    %swap3A_452 = tpu.vector_load %arg20[%swap3A_451] {strides = array<i32>} : memref<272xi32, #tpu.memory_space<vmem>>, vector<16xi32>,
    tpu.vector_store %arg20[%swap3A_451], %broadcast_in_dim3A_1 {strides = array<i32>} : memref<272xi32, #tpu.memory_space<vmem>>, vector<16xi32>,
    %swap3A_453 = arith.constant 240 : index
    %swap3A_454 = tpu.vector_load %arg19[%swap3A_453] {strides = array<i32>} : memref<272xf32, #tpu.memory_space<vmem>>, vector<16xf32>,
    tpu.vector_store %arg19[%swap3A_453], %broadcast_in_dim3A_3 {strides = array<i32>} : memref<272xf32, #tpu.memory_space<vmem>>, vector<16xf32>,
    %swap3A_455 = arith.constant 240 : index
    %swap3A_456 = tpu.vector_load %arg20[%swap3A_455] {strides = array<i32>} : memref<272xi32, #tpu.memory_space<vmem>>, vector<16xi32>,
    tpu.vector_store %arg20[%swap3A_455], %broadcast_in_dim3A_1 {strides = array<i32>} : memref<272xi32, #tpu.memory_space<vmem>>, vector<16xi32>,
    %swap3A_457 = arith.constant 256 : index
    %swap3A_458 = tpu.vector_load %arg19[%swap3A_457] {strides = array<i32>} : memref<272xf32, #tpu.memory_space<vmem>>, vector<16xf32>,
    tpu.vector_store %arg19[%swap3A_457], %broadcast_in_dim3A_3 {strides = array<i32>} : memref<272xf32, #tpu.memory_space<vmem>>, vector<16xf32>,
    %swap3A_459 = arith.constant 256 : index
    %swap3A_460 = tpu.vector_load %arg20[%swap3A_459] {strides = array<i32>} : memref<272xi32, #tpu.memory_space<vmem>>, vector<16xi32>,
    tpu.vector_store %arg20[%swap3A_459], %broadcast_in_dim3A_1 {strides = array<i32>} : memref<272xi32, #tpu.memory_space<vmem>>, vector<16xi32>,
    %swap3A_461 = arith.constant 0 : index
    %swap3A_462 = tpu.vector_load %arg17[%swap3A_461] {strides = array<i32>} : memref<16xi32, #tpu.memory_space<vmem>>, vector<16xi32>,
    tpu.vector_store %arg17[%swap3A_461], %broadcast_in_dim3A_1 {strides = array<i32>} : memref<16xi32, #tpu.memory_space<vmem>>, vector<16xi32>,
    %iota3A_463 = tpu.iota {dimensions = array<i32: 0>} : vector<16xi32>
    %swap3A_464 = arith.constant 0 : index
    %swap3A_465 = tpu.vector_load %arg18[%swap3A_464] {strides = array<i32>} : memref<16xi32, #tpu.memory_space<vmem>>, vector<16xi32>,
    tpu.vector_store %arg18[%swap3A_464], %iota3A_463 {strides = array<i32>} : memref<16xi32, #tpu.memory_space<vmem>>, vector<16xi32>,
    %get3A_466 = arith.constant 0 : index
    %get3A_467 = tpu.vector_load %arg16[%get3A_466] {strides = array<i32>} : memref<16xi32, #tpu.memory_space<vmem>>, vector<16xi32>,
    %scan3A_468 = arith.constant 0 : i32
    %scan3A_469 = arith.constant 0 : i32
    %scan3A_470 = arith.constant 512 : i32
    %scan3A_471 = arith.addi %scan3A_469, %scan3A_470 : i32
    %scan3A_472 = arith.constant 1 : i32
    scf.for %scan3A_653 = %scan3A_469 to %scan3A_471 step %scan3A_472  : i32 {
      %get3A_654 = arith.constant 0 : index
      %get3A_655 = tpu.vector_load %arg18[%get3A_654] {strides = array<i32>} : memref<16xi32, #tpu.memory_space<vmem>>, vector<16xi32>,
      %shift_right_arithmetic3A = arith.constant 3 : i32
      %shift_right_arithmetic3A_656 = arith.shrsi %scan3A_653, %shift_right_arithmetic3A : i32
      %and3A = arith.constant 7 : i32
      %and3A_657 = arith.andi %scan3A_653, %and3A : i32
      %mul3A_658 = arith.constant 16 : i32
      %mul3A_659 = arith.muli %and3A_657, %mul3A_658 : i32
      %get3A_660 = arith.index_cast %shift_right_arithmetic3A_656 : i32 to index
      %get3A_661 = arith.index_cast %mul3A_659 : i32 to index
      %get3A_662 = tpu.vector_load %arg15[%get3A_660, %get3A_661] {strides = array<i32>} : memref<64x128xf32, #tpu.memory_space<vmem>>, vector<16xf32>,
      %get3A_663 = arith.constant 0 : index
      %get3A_664 = tpu.vector_load %arg11[%get3A_663] {strides = array<i32>} : memref<16xf32, #tpu.memory_space<vmem>>, vector<16xf32>,
      %ge3A = arith.cmpf oge, %get3A_662, %get3A_664 : vector<16xf32>
      %shift_right_arithmetic3A_665 = arith.constant 7 : i32
      %shift_right_arithmetic3A_666 = vector.broadcast %shift_right_arithmetic3A_665 : i32 to vector<16xi32>
      %shift_right_arithmetic3A_667 = arith.shrsi %get3A_655, %shift_right_arithmetic3A_666 : vector<16xi32>
      %lt3A = arith.cmpi slt, %shift_right_arithmetic3A_667, %get3A_467 : vector<16xi32>
      %and3A_668 = arith.andi %ge3A, %lt3A : vector<16xi1>
      %get3A_669 = arith.constant 0 : index
      %get3A_670 = tpu.vector_load %arg17[%get3A_669] {strides = array<i32>} : memref<16xi32, #tpu.memory_space<vmem>>, vector<16xi32>,
      %convert_element_type3A = arith.extui %and3A_668 : vector<16xi1> to vector<16xi32>
      %cumsum3A = arith.constant true
      %cumsum3A_671 = vector.broadcast %cumsum3A : i1 to vector<16xi1>
      %cumsum3A_672 = tpu.scan <sum>, %convert_element_type3A masked %cumsum3A_671 : vector<16xi32>, vector<16xi1> -> vector<16xi32>
      %add3A_673 = arith.addi %get3A_670, %cumsum3A_672 : vector<16xi32>
      %sub3A = arith.constant 1 : i32
      %sub3A_674 = vector.broadcast %sub3A : i32 to vector<16xi32>
      %sub3A_675 = arith.subi %add3A_673, %sub3A_674 : vector<16xi32>
      %min3A_676 = arith.constant 271 : i32
      %min3A_677 = vector.broadcast %min3A_676 : i32 to vector<16xi32>
      %min3A_678 = arith.minsi %sub3A_675, %min3A_677 : vector<16xi32>
      tpu.vector_store_idx %arg19[%min3A_678], %get3A_662 masked %and3A_668 : memref<272xf32, #tpu.memory_space<vmem>>[vector<16xi32>], vector<16xf32>, vector<16xi1>
      tpu.vector_store_idx %arg20[%min3A_678], %get3A_655 masked %and3A_668 : memref<272xi32, #tpu.memory_space<vmem>>[vector<16xi32>], vector<16xi32>, vector<16xi1>
      %all_reduce_population_count3A = tpu.all_reduce %and3A_668 {dim = 0 : i64, kind = #tpu.reduction_kind<sum>} : vector<16xi1> -> vector<16xi32>
      %add3A_679 = arith.addi %get3A_670, %all_reduce_population_count3A : vector<16xi32>
      %swap3A_680 = arith.constant 0 : index
      %swap3A_681 = tpu.vector_load %arg17[%swap3A_680] {strides = array<i32>} : memref<16xi32, #tpu.memory_space<vmem>>, vector<16xi32>,
      tpu.vector_store %arg17[%swap3A_680], %add3A_679 {strides = array<i32>} : memref<16xi32, #tpu.memory_space<vmem>>, vector<16xi32>,
      %add3A_682 = arith.constant 16 : i32
      %add3A_683 = vector.broadcast %add3A_682 : i32 to vector<16xi32>
      %add3A_684 = arith.addi %get3A_655, %add3A_683 : vector<16xi32>
      %swap3A_685 = arith.constant 0 : index
      %swap3A_686 = tpu.vector_load %arg18[%swap3A_685] {strides = array<i32>} : memref<16xi32, #tpu.memory_space<vmem>>, vector<16xi32>,
      tpu.vector_store %arg18[%swap3A_685], %add3A_684 {strides = array<i32>} : memref<16xi32, #tpu.memory_space<vmem>>, vector<16xi32>,
    }
    %scan3A_473 = arith.constant 512 : i32
    %get3A_474 = arith.constant 0 : index
    %get3A_475 = tpu.vector_load %arg17[%get3A_474] {strides = array<i32>} : memref<16xi32, #tpu.memory_space<vmem>>, vector<16xi32>,
    %min3A_476 = arith.constant 256 : i32
    %min3A_477 = vector.broadcast %min3A_476 : i32 to vector<16xi32>
    %min3A_478 = arith.minsi %get3A_475, %min3A_477 : vector<16xi32>
    %swap3A_479 = arith.constant 0 : index
    %swap3A_480 = tpu.vector_load %arg16[%swap3A_479] {strides = array<i32>} : memref<16xi32, #tpu.memory_space<vmem>>, vector<16xi32>,
    tpu.vector_store %arg16[%swap3A_479], %min3A_478 {strides = array<i32>} : memref<16xi32, #tpu.memory_space<vmem>>, vector<16xi32>,
    %mul3A_481 = arith.constant 256 : i32
    %mul3A_482 = arith.muli %add3A_328, %mul3A_481 : i32
    "tpu.region"() ({
      %run_scoped3A = tpu.sem_alloc : memref<!tpu.dma_semaphore, #tpu.memory_space<semaphore_mem>>
      %dma_start3A_653 = arith.constant 0 : i32
      %dma_start3A_654 = tpu.memref_slice %arg19[%dma_start3A_653] : memref<272xf32, #tpu.memory_space<vmem>> -> memref<256xf32, #tpu.memory_space<vmem>>
      %dma_start3A_655 = tpu.memref_slice %arg6[%mul3A_482] : memref<32768xf32, #tpu.memory_space<hbm>> -> memref<256xf32, #tpu.memory_space<hbm>>
      %dma_start3A_656 = tpu.memref_slice %arg6[%mul3A_482] : memref<32768xf32, #tpu.memory_space<hbm>> -> memref<256xf32, #tpu.memory_space<hbm>>
      %dma_start3A_657 = arith.constant 0 : i32
      %dma_start3A_658 = tpu.memref_slice %arg19[%dma_start3A_657] : memref<272xf32, #tpu.memory_space<vmem>> -> memref<256xf32, #tpu.memory_space<vmem>>
      tpu.enqueue_dma source(%dma_start3A_658 : memref<256xf32, #tpu.memory_space<vmem>>) target(%dma_start3A_656 : memref<256xf32, #tpu.memory_space<hbm>>) target_semaphore(%run_scoped3A : memref<!tpu.dma_semaphore, #tpu.memory_space<semaphore_mem>>)
      %dma_wait3A_659 = arith.constant 0 : i32
      %dma_wait3A_660 = tpu.memref_slice %arg19[%dma_wait3A_659] : memref<272xf32, #tpu.memory_space<vmem>> -> memref<256xf32, #tpu.memory_space<vmem>>
      %dma_wait3A_661 = tpu.memref_slice %arg6[%mul3A_482] : memref<32768xf32, #tpu.memory_space<hbm>> -> memref<256xf32, #tpu.memory_space<hbm>>
      %dma_wait3A_662 = tpu.memref_slice %arg6[%mul3A_482] : memref<32768xf32, #tpu.memory_space<hbm>> -> memref<256xf32, #tpu.memory_space<hbm>>
      %dma_wait3A_663 = arith.constant 0 : i32
      %dma_wait3A_664 = tpu.memref_slice %arg19[%dma_wait3A_663] : memref<272xf32, #tpu.memory_space<vmem>> -> memref<256xf32, #tpu.memory_space<vmem>>
      tpu.wait_dma2 semaphore(%run_scoped3A : memref<!tpu.dma_semaphore, #tpu.memory_space<semaphore_mem>>) src(%dma_wait3A_664 : memref<256xf32, #tpu.memory_space<vmem>>) dst(%dma_wait3A_662 : memref<256xf32, #tpu.memory_space<hbm>>)
      tpu.yield
    }) : () -> ()
    %mul3A_483 = arith.constant 256 : i32
    %mul3A_484 = arith.muli %add3A_328, %mul3A_483 : i32
    "tpu.region"() ({
      %run_scoped3A = tpu.sem_alloc : memref<!tpu.dma_semaphore, #tpu.memory_space<semaphore_mem>>
      %dma_start3A_653 = arith.constant 0 : i32
      %dma_start3A_654 = tpu.memref_slice %arg20[%dma_start3A_653] : memref<272xi32, #tpu.memory_space<vmem>> -> memref<256xi32, #tpu.memory_space<vmem>>
      %dma_start3A_655 = tpu.memref_slice %arg7[%mul3A_484] : memref<32768xi32, #tpu.memory_space<hbm>> -> memref<256xi32, #tpu.memory_space<hbm>>
      %dma_start3A_656 = tpu.memref_slice %arg7[%mul3A_484] : memref<32768xi32, #tpu.memory_space<hbm>> -> memref<256xi32, #tpu.memory_space<hbm>>
      %dma_start3A_657 = arith.constant 0 : i32
      %dma_start3A_658 = tpu.memref_slice %arg20[%dma_start3A_657] : memref<272xi32, #tpu.memory_space<vmem>> -> memref<256xi32, #tpu.memory_space<vmem>>
      tpu.enqueue_dma source(%dma_start3A_658 : memref<256xi32, #tpu.memory_space<vmem>>) target(%dma_start3A_656 : memref<256xi32, #tpu.memory_space<hbm>>) target_semaphore(%run_scoped3A : memref<!tpu.dma_semaphore, #tpu.memory_space<semaphore_mem>>)
      %dma_wait3A_659 = arith.constant 0 : i32
      %dma_wait3A_660 = tpu.memref_slice %arg20[%dma_wait3A_659] : memref<272xi32, #tpu.memory_space<vmem>> -> memref<256xi32, #tpu.memory_space<vmem>>
      %dma_wait3A_661 = tpu.memref_slice %arg7[%mul3A_484] : memref<32768xi32, #tpu.memory_space<hbm>> -> memref<256xi32, #tpu.memory_space<hbm>>
      %dma_wait3A_662 = tpu.memref_slice %arg7[%mul3A_484] : memref<32768xi32, #tpu.memory_space<hbm>> -> memref<256xi32, #tpu.memory_space<hbm>>
      %dma_wait3A_663 = arith.constant 0 : i32
      %dma_wait3A_664 = tpu.memref_slice %arg20[%dma_wait3A_663] : memref<272xi32, #tpu.memory_space<vmem>> -> memref<256xi32, #tpu.memory_space<vmem>>
      tpu.wait_dma2 semaphore(%run_scoped3A : memref<!tpu.dma_semaphore, #tpu.memory_space<semaphore_mem>>) src(%dma_wait3A_664 : memref<256xi32, #tpu.memory_space<vmem>>) dst(%dma_wait3A_662 : memref<256xi32, #tpu.memory_space<hbm>>)
      tpu.yield
    }) : () -> ()
    %mul3A_485 = arith.constant 64 : i32
    %mul3A_486 = arith.muli %add3A_328, %mul3A_485 : i32
    "tpu.region"() ({
      %run_scoped3A = tpu.sem_alloc : memref<!tpu.dma_semaphore, #tpu.memory_space<semaphore_mem>>
      %dma_start3A_653 = arith.constant 0 : i32
      %dma_start3A_654 = tpu.memref_slice %arg13[%dma_start3A_653] : memref<96xi32, #tpu.memory_space<vmem>> -> memref<64xi32, #tpu.memory_space<vmem>>
      %dma_start3A_655 = tpu.memref_slice %arg8[%mul3A_486] : memref<8192xi32, #tpu.memory_space<hbm>> -> memref<64xi32, #tpu.memory_space<hbm>>
      %dma_start3A_656 = tpu.memref_slice %arg8[%mul3A_486] : memref<8192xi32, #tpu.memory_space<hbm>> -> memref<64xi32, #tpu.memory_space<hbm>>
      %dma_start3A_657 = arith.constant 0 : i32
      %dma_start3A_658 = tpu.memref_slice %arg13[%dma_start3A_657] : memref<96xi32, #tpu.memory_space<vmem>> -> memref<64xi32, #tpu.memory_space<vmem>>
      tpu.enqueue_dma source(%dma_start3A_658 : memref<64xi32, #tpu.memory_space<vmem>>) target(%dma_start3A_656 : memref<64xi32, #tpu.memory_space<hbm>>) target_semaphore(%run_scoped3A : memref<!tpu.dma_semaphore, #tpu.memory_space<semaphore_mem>>)
      %dma_wait3A_659 = arith.constant 0 : i32
      %dma_wait3A_660 = tpu.memref_slice %arg13[%dma_wait3A_659] : memref<96xi32, #tpu.memory_space<vmem>> -> memref<64xi32, #tpu.memory_space<vmem>>
      %dma_wait3A_661 = tpu.memref_slice %arg8[%mul3A_486] : memref<8192xi32, #tpu.memory_space<hbm>> -> memref<64xi32, #tpu.memory_space<hbm>>
      %dma_wait3A_662 = tpu.memref_slice %arg8[%mul3A_486] : memref<8192xi32, #tpu.memory_space<hbm>> -> memref<64xi32, #tpu.memory_space<hbm>>
      %dma_wait3A_663 = arith.constant 0 : i32
      %dma_wait3A_664 = tpu.memref_slice %arg13[%dma_wait3A_663] : memref<96xi32, #tpu.memory_space<vmem>> -> memref<64xi32, #tpu.memory_space<vmem>>
      tpu.wait_dma2 semaphore(%run_scoped3A : memref<!tpu.dma_semaphore, #tpu.memory_space<semaphore_mem>>) src(%dma_wait3A_664 : memref<64xi32, #tpu.memory_space<vmem>>) dst(%dma_wait3A_662 : memref<64xi32, #tpu.memory_space<hbm>>)
      tpu.yield
    }) : () -> ()
    %mul3A_487 = arith.constant 16 : i32
    %mul3A_488 = arith.muli %add3A_328, %mul3A_487 : i32
    "tpu.region"() ({
      %run_scoped3A = tpu.sem_alloc : memref<!tpu.dma_semaphore, #tpu.memory_space<semaphore_mem>>
      %dma_start3A_653 = tpu.memref_slice %arg9[%mul3A_488] : memref<2048xi32, #tpu.memory_space<hbm>> -> memref<16xi32, #tpu.memory_space<hbm>>
      %dma_start3A_654 = tpu.memref_slice %arg9[%mul3A_488] : memref<2048xi32, #tpu.memory_space<hbm>> -> memref<16xi32, #tpu.memory_space<hbm>>
      tpu.enqueue_dma source(%arg16 : memref<16xi32, #tpu.memory_space<vmem>>) target(%dma_start3A_654 : memref<16xi32, #tpu.memory_space<hbm>>) target_semaphore(%run_scoped3A : memref<!tpu.dma_semaphore, #tpu.memory_space<semaphore_mem>>)
      %dma_wait3A_655 = tpu.memref_slice %arg9[%mul3A_488] : memref<2048xi32, #tpu.memory_space<hbm>> -> memref<16xi32, #tpu.memory_space<hbm>>
      %dma_wait3A_656 = tpu.memref_slice %arg9[%mul3A_488] : memref<2048xi32, #tpu.memory_space<hbm>> -> memref<16xi32, #tpu.memory_space<hbm>>
      tpu.wait_dma2 semaphore(%run_scoped3A : memref<!tpu.dma_semaphore, #tpu.memory_space<semaphore_mem>>) src(%arg16 : memref<16xi32, #tpu.memory_space<vmem>>) dst(%dma_wait3A_656 : memref<16xi32, #tpu.memory_space<hbm>>)
      tpu.yield
    }) : () -> ()
    %mul3A_489 = arith.constant 4 : i32
    %mul3A_490 = arith.muli %add3A, %mul3A_489 : i32
    %add3A_491 = arith.constant 3 : i32
    %add3A_492 = arith.addi %mul3A_490, %add3A_491 : i32
    %mul3A_493 = arith.constant 896 : i32
    %mul3A_494 = arith.muli %add3A_492, %mul3A_493 : i32
    "tpu.region"() ({
      %run_scoped3A = tpu.sem_alloc : memref<!tpu.dma_semaphore, #tpu.memory_space<semaphore_mem>>
      %dma_start3A_653 = tpu.memref_slice %arg2[%mul3A_494] : memref<114688xf32, #tpu.memory_space<hbm>> -> memref<896xf32, #tpu.memory_space<hbm>>
      %dma_start3A_654 = tpu.memref_slice %arg2[%mul3A_494] : memref<114688xf32, #tpu.memory_space<hbm>> -> memref<896xf32, #tpu.memory_space<hbm>>
      tpu.enqueue_dma source(%dma_start3A_654 : memref<896xf32, #tpu.memory_space<hbm>>) target(%arg10 : memref<896xf32, #tpu.memory_space<vmem>>) target_semaphore(%run_scoped3A : memref<!tpu.dma_semaphore, #tpu.memory_space<semaphore_mem>>)
      %dma_wait3A_655 = tpu.memref_slice %arg2[%mul3A_494] : memref<114688xf32, #tpu.memory_space<hbm>> -> memref<896xf32, #tpu.memory_space<hbm>>
      %dma_wait3A_656 = tpu.memref_slice %arg2[%mul3A_494] : memref<114688xf32, #tpu.memory_space<hbm>> -> memref<896xf32, #tpu.memory_space<hbm>>
      tpu.wait_dma2 semaphore(%run_scoped3A : memref<!tpu.dma_semaphore, #tpu.memory_space<semaphore_mem>>) src(%dma_wait3A_656 : memref<896xf32, #tpu.memory_space<hbm>>) dst(%arg10 : memref<896xf32, #tpu.memory_space<vmem>>)
      tpu.yield
    }) : () -> ()
    %mul3A_495 = arith.constant 16 : i32
    %mul3A_496 = arith.muli %add3A_492, %mul3A_495 : i32
    "tpu.region"() ({
      %run_scoped3A = tpu.sem_alloc : memref<!tpu.dma_semaphore, #tpu.memory_space<semaphore_mem>>
      %dma_start3A_653 = tpu.memref_slice %arg3[%mul3A_496] : memref<2048xf32, #tpu.memory_space<hbm>> -> memref<16xf32, #tpu.memory_space<hbm>>
      %dma_start3A_654 = tpu.memref_slice %arg3[%mul3A_496] : memref<2048xf32, #tpu.memory_space<hbm>> -> memref<16xf32, #tpu.memory_space<hbm>>
      tpu.enqueue_dma source(%dma_start3A_654 : memref<16xf32, #tpu.memory_space<hbm>>) target(%arg11 : memref<16xf32, #tpu.memory_space<vmem>>) target_semaphore(%run_scoped3A : memref<!tpu.dma_semaphore, #tpu.memory_space<semaphore_mem>>)
      %dma_wait3A_655 = tpu.memref_slice %arg3[%mul3A_496] : memref<2048xf32, #tpu.memory_space<hbm>> -> memref<16xf32, #tpu.memory_space<hbm>>
      %dma_wait3A_656 = tpu.memref_slice %arg3[%mul3A_496] : memref<2048xf32, #tpu.memory_space<hbm>> -> memref<16xf32, #tpu.memory_space<hbm>>
      tpu.wait_dma2 semaphore(%run_scoped3A : memref<!tpu.dma_semaphore, #tpu.memory_space<semaphore_mem>>) src(%dma_wait3A_656 : memref<16xf32, #tpu.memory_space<hbm>>) dst(%arg11 : memref<16xf32, #tpu.memory_space<vmem>>)
      tpu.yield
    }) : () -> ()
    %mul3A_497 = arith.constant 16 : i32
    %mul3A_498 = arith.muli %add3A_492, %mul3A_497 : i32
    "tpu.region"() ({
      %run_scoped3A = tpu.sem_alloc : memref<!tpu.dma_semaphore, #tpu.memory_space<semaphore_mem>>
      %dma_start3A_653 = tpu.memref_slice %arg4[%mul3A_498] : memref<2048xi32, #tpu.memory_space<hbm>> -> memref<16xi32, #tpu.memory_space<hbm>>
      %dma_start3A_654 = tpu.memref_slice %arg4[%mul3A_498] : memref<2048xi32, #tpu.memory_space<hbm>> -> memref<16xi32, #tpu.memory_space<hbm>>
      tpu.enqueue_dma source(%dma_start3A_654 : memref<16xi32, #tpu.memory_space<hbm>>) target(%arg12 : memref<16xi32, #tpu.memory_space<vmem>>) target_semaphore(%run_scoped3A : memref<!tpu.dma_semaphore, #tpu.memory_space<semaphore_mem>>)
      %dma_wait3A_655 = tpu.memref_slice %arg4[%mul3A_498] : memref<2048xi32, #tpu.memory_space<hbm>> -> memref<16xi32, #tpu.memory_space<hbm>>
      %dma_wait3A_656 = tpu.memref_slice %arg4[%mul3A_498] : memref<2048xi32, #tpu.memory_space<hbm>> -> memref<16xi32, #tpu.memory_space<hbm>>
      tpu.wait_dma2 semaphore(%run_scoped3A : memref<!tpu.dma_semaphore, #tpu.memory_space<semaphore_mem>>) src(%dma_wait3A_656 : memref<16xi32, #tpu.memory_space<hbm>>) dst(%arg12 : memref<16xi32, #tpu.memory_space<vmem>>)
      tpu.yield
    }) : () -> ()
    %swap3A_499 = arith.constant 0 : index
    %swap3A_500 = tpu.vector_load %arg13[%swap3A_499] {strides = array<i32>} : memref<96xi32, #tpu.memory_space<vmem>>, vector<16xi32>,
    tpu.vector_store %arg13[%swap3A_499], %broadcast_in_dim3A_1 {strides = array<i32>} : memref<96xi32, #tpu.memory_space<vmem>>, vector<16xi32>,
    %swap3A_501 = arith.constant 16 : index
    %swap3A_502 = tpu.vector_load %arg13[%swap3A_501] {strides = array<i32>} : memref<96xi32, #tpu.memory_space<vmem>>, vector<16xi32>,
    tpu.vector_store %arg13[%swap3A_501], %broadcast_in_dim3A_1 {strides = array<i32>} : memref<96xi32, #tpu.memory_space<vmem>>, vector<16xi32>,
    %swap3A_503 = arith.constant 32 : index
    %swap3A_504 = tpu.vector_load %arg13[%swap3A_503] {strides = array<i32>} : memref<96xi32, #tpu.memory_space<vmem>>, vector<16xi32>,
    tpu.vector_store %arg13[%swap3A_503], %broadcast_in_dim3A_1 {strides = array<i32>} : memref<96xi32, #tpu.memory_space<vmem>>, vector<16xi32>,
    %swap3A_505 = arith.constant 48 : index
    %swap3A_506 = tpu.vector_load %arg13[%swap3A_505] {strides = array<i32>} : memref<96xi32, #tpu.memory_space<vmem>>, vector<16xi32>,
    tpu.vector_store %arg13[%swap3A_505], %broadcast_in_dim3A_1 {strides = array<i32>} : memref<96xi32, #tpu.memory_space<vmem>>, vector<16xi32>,
    %swap3A_507 = arith.constant 64 : index
    %swap3A_508 = tpu.vector_load %arg13[%swap3A_507] {strides = array<i32>} : memref<96xi32, #tpu.memory_space<vmem>>, vector<16xi32>,
    tpu.vector_store %arg13[%swap3A_507], %broadcast_in_dim3A_1 {strides = array<i32>} : memref<96xi32, #tpu.memory_space<vmem>>, vector<16xi32>,
    %swap3A_509 = arith.constant 80 : index
    %swap3A_510 = tpu.vector_load %arg13[%swap3A_509] {strides = array<i32>} : memref<96xi32, #tpu.memory_space<vmem>>, vector<16xi32>,
    tpu.vector_store %arg13[%swap3A_509], %broadcast_in_dim3A_1 {strides = array<i32>} : memref<96xi32, #tpu.memory_space<vmem>>, vector<16xi32>,
    %swap3A_511 = arith.constant 0 : index
    %swap3A_512 = tpu.vector_load %arg17[%swap3A_511] {strides = array<i32>} : memref<16xi32, #tpu.memory_space<vmem>>, vector<16xi32>,
    tpu.vector_store %arg17[%swap3A_511], %broadcast_in_dim3A_1 {strides = array<i32>} : memref<16xi32, #tpu.memory_space<vmem>>, vector<16xi32>,
    %iota3A_513 = tpu.iota {dimensions = array<i32: 0>} : vector<16xi32>
    %swap3A_514 = arith.constant 0 : index
    %swap3A_515 = tpu.vector_load %arg18[%swap3A_514] {strides = array<i32>} : memref<16xi32, #tpu.memory_space<vmem>>, vector<16xi32>,
    tpu.vector_store %arg18[%swap3A_514], %iota3A_513 {strides = array<i32>} : memref<16xi32, #tpu.memory_space<vmem>>, vector<16xi32>,
    %scan3A_516 = arith.constant 0 : i32
    %scan3A_517 = arith.constant 0 : i32
    %scan3A_518 = arith.constant 56 : i32
    %scan3A_519 = arith.addi %scan3A_517, %scan3A_518 : i32
    %scan3A_520 = arith.constant 1 : i32
    scf.for %scan3A_653 = %scan3A_517 to %scan3A_519 step %scan3A_520  : i32 {
      %mul3A_654 = arith.constant 16 : i32
      %mul3A_655 = arith.muli %scan3A_653, %mul3A_654 : i32
      %get3A_656 = arith.index_cast %mul3A_655 : i32 to index
      %get3A_657 = tpu.vector_load %arg10[%get3A_656] {strides = array<i32>} : memref<896xf32, #tpu.memory_space<vmem>>, vector<16xf32>,
      %get3A_658 = arith.constant 0 : index
      %get3A_659 = tpu.vector_load %arg11[%get3A_658] {strides = array<i32>} : memref<16xf32, #tpu.memory_space<vmem>>, vector<16xf32>,
      %ge3A = arith.cmpf oge, %get3A_657, %get3A_659 : vector<16xf32>
      %get3A_660 = arith.constant 0 : index
      %get3A_661 = tpu.vector_load %arg17[%get3A_660] {strides = array<i32>} : memref<16xi32, #tpu.memory_space<vmem>>, vector<16xi32>,
      %get3A_662 = arith.constant 0 : index
      %get3A_663 = tpu.vector_load %arg18[%get3A_662] {strides = array<i32>} : memref<16xi32, #tpu.memory_space<vmem>>, vector<16xi32>,
      %convert_element_type3A = arith.extui %ge3A : vector<16xi1> to vector<16xi32>
      %cumsum3A = arith.constant true
      %cumsum3A_664 = vector.broadcast %cumsum3A : i1 to vector<16xi1>
      %cumsum3A_665 = tpu.scan <sum>, %convert_element_type3A masked %cumsum3A_664 : vector<16xi32>, vector<16xi1> -> vector<16xi32>
      %add3A_666 = arith.addi %get3A_661, %cumsum3A_665 : vector<16xi32>
      %sub3A = arith.constant 1 : i32
      %sub3A_667 = vector.broadcast %sub3A : i32 to vector<16xi32>
      %sub3A_668 = arith.subi %add3A_666, %sub3A_667 : vector<16xi32>
      %min3A_669 = arith.constant 95 : i32
      %min3A_670 = vector.broadcast %min3A_669 : i32 to vector<16xi32>
      %min3A_671 = arith.minsi %sub3A_668, %min3A_670 : vector<16xi32>
      tpu.vector_store_idx %arg13[%min3A_671], %get3A_663 masked %ge3A : memref<96xi32, #tpu.memory_space<vmem>>[vector<16xi32>], vector<16xi32>, vector<16xi1>
      %all_reduce_population_count3A = tpu.all_reduce %ge3A {dim = 0 : i64, kind = #tpu.reduction_kind<sum>} : vector<16xi1> -> vector<16xi32>
      %add3A_672 = arith.addi %get3A_661, %all_reduce_population_count3A : vector<16xi32>
      %swap3A_673 = arith.constant 0 : index
      %swap3A_674 = tpu.vector_load %arg17[%swap3A_673] {strides = array<i32>} : memref<16xi32, #tpu.memory_space<vmem>>, vector<16xi32>,
      tpu.vector_store %arg17[%swap3A_673], %add3A_672 {strides = array<i32>} : memref<16xi32, #tpu.memory_space<vmem>>, vector<16xi32>,
      %add3A_675 = arith.constant 16 : i32
      %add3A_676 = vector.broadcast %add3A_675 : i32 to vector<16xi32>
      %add3A_677 = arith.addi %get3A_663, %add3A_676 : vector<16xi32>
      %swap3A_678 = arith.constant 0 : index
      %swap3A_679 = tpu.vector_load %arg18[%swap3A_678] {strides = array<i32>} : memref<16xi32, #tpu.memory_space<vmem>>, vector<16xi32>,
      tpu.vector_store %arg18[%swap3A_678], %add3A_677 {strides = array<i32>} : memref<16xi32, #tpu.memory_space<vmem>>, vector<16xi32>,
    }
    %scan3A_521 = arith.constant 56 : i32
    %get3A_522 = arith.constant 0 : index
    %get3A_523 = tpu.vector_load %arg17[%get3A_522] {strides = array<i32>} : memref<16xi32, #tpu.memory_space<vmem>>, vector<16xi32>,
    %min3A_524 = arith.constant 64 : i32
    %min3A_525 = vector.broadcast %min3A_524 : i32 to vector<16xi32>
    %min3A_526 = arith.minsi %get3A_523, %min3A_525 : vector<16xi32>
    %swap3A_527 = arith.constant 0 : index
    %swap3A_528 = tpu.vector_load %arg16[%swap3A_527] {strides = array<i32>} : memref<16xi32, #tpu.memory_space<vmem>>, vector<16xi32>,
    tpu.vector_store %arg16[%swap3A_527], %min3A_526 {strides = array<i32>} : memref<16xi32, #tpu.memory_space<vmem>>, vector<16xi32>,
    %get3A_529 = arith.constant 0 : index
    %get3A_530 = tpu.vector_load %arg12[%get3A_529] {strides = array<i32>} : memref<16xi32, #tpu.memory_space<vmem>>, vector<16xi32>,
    %get3A_531 = arith.constant 0 : index
    %get3A_532 = tpu.vector_load %arg13[%get3A_531] {strides = array<i32>} : memref<96xi32, #tpu.memory_space<vmem>>, vector<16xi32>,
    %add3A_533 = arith.addi %get3A_532, %get3A_530 : vector<16xi32>
    %swap3A_534 = arith.constant 0 : index
    %swap3A_535 = tpu.vector_load %arg14[%swap3A_534] {strides = array<i32>} : memref<64xi32, #tpu.memory_space<vmem>>, vector<16xi32>,
    tpu.vector_store %arg14[%swap3A_534], %add3A_533 {strides = array<i32>} : memref<64xi32, #tpu.memory_space<vmem>>, vector<16xi32>,
    %get3A_536 = arith.constant 16 : index
    %get3A_537 = tpu.vector_load %arg13[%get3A_536] {strides = array<i32>} : memref<96xi32, #tpu.memory_space<vmem>>, vector<16xi32>,
    %add3A_538 = arith.addi %get3A_537, %get3A_530 : vector<16xi32>
    %swap3A_539 = arith.constant 16 : index
    %swap3A_540 = tpu.vector_load %arg14[%swap3A_539] {strides = array<i32>} : memref<64xi32, #tpu.memory_space<vmem>>, vector<16xi32>,
    tpu.vector_store %arg14[%swap3A_539], %add3A_538 {strides = array<i32>} : memref<64xi32, #tpu.memory_space<vmem>>, vector<16xi32>,
    %get3A_541 = arith.constant 32 : index
    %get3A_542 = tpu.vector_load %arg13[%get3A_541] {strides = array<i32>} : memref<96xi32, #tpu.memory_space<vmem>>, vector<16xi32>,
    %add3A_543 = arith.addi %get3A_542, %get3A_530 : vector<16xi32>
    %swap3A_544 = arith.constant 32 : index
    %swap3A_545 = tpu.vector_load %arg14[%swap3A_544] {strides = array<i32>} : memref<64xi32, #tpu.memory_space<vmem>>, vector<16xi32>,
    tpu.vector_store %arg14[%swap3A_544], %add3A_543 {strides = array<i32>} : memref<64xi32, #tpu.memory_space<vmem>>, vector<16xi32>,
    %get3A_546 = arith.constant 48 : index
    %get3A_547 = tpu.vector_load %arg13[%get3A_546] {strides = array<i32>} : memref<96xi32, #tpu.memory_space<vmem>>, vector<16xi32>,
    %add3A_548 = arith.addi %get3A_547, %get3A_530 : vector<16xi32>
    %swap3A_549 = arith.constant 48 : index
    %swap3A_550 = tpu.vector_load %arg14[%swap3A_549] {strides = array<i32>} : memref<64xi32, #tpu.memory_space<vmem>>, vector<16xi32>,
    tpu.vector_store %arg14[%swap3A_549], %add3A_548 {strides = array<i32>} : memref<64xi32, #tpu.memory_space<vmem>>, vector<16xi32>,
    %dma_start3A_551 = arith.constant 0 : i32
    %dma_start3A_552 = arith.constant 0 : i32
    %dma_start3A_553 = tpu.memref_slice %arg5[%dma_start3A_551, %dma_start3A_552] : memref<100096x128xf32, #tpu.memory_space<hbm>> -> memref<100096x128xf32, #tpu.memory_space<hbm>>
    tpu.enqueue_indirect_dma source(%dma_start3A_553 : memref<100096x128xf32, #tpu.memory_space<hbm>>) target(%arg15 : memref<64x128xf32, #tpu.memory_space<vmem>>) offsets(%arg14 : memref<64xi32, #tpu.memory_space<vmem>>) semaphore(%arg21 : memref<!tpu.dma_semaphore, #tpu.memory_space<semaphore_mem>>)
    %dma_wait3A_554 = arith.constant 0 : i32
    %dma_wait3A_555 = arith.constant 0 : i32
    %dma_wait3A_556 = tpu.memref_slice %arg5[%dma_wait3A_554, %dma_wait3A_555] : memref<100096x128xf32, #tpu.memory_space<hbm>> -> memref<100096x128xf32, #tpu.memory_space<hbm>>
    tpu.wait_indirect_dma semaphore(%arg21 : memref<!tpu.dma_semaphore, #tpu.memory_space<semaphore_mem>>) src(%dma_wait3A_556 : memref<100096x128xf32, #tpu.memory_space<hbm>>) dst(%arg15 : memref<64x128xf32, #tpu.memory_space<vmem>>)
    %swap3A_557 = arith.constant 0 : index
    %swap3A_558 = tpu.vector_load %arg19[%swap3A_557] {strides = array<i32>} : memref<272xf32, #tpu.memory_space<vmem>>, vector<16xf32>,
    tpu.vector_store %arg19[%swap3A_557], %broadcast_in_dim3A_3 {strides = array<i32>} : memref<272xf32, #tpu.memory_space<vmem>>, vector<16xf32>,
    %swap3A_559 = arith.constant 0 : index
    %swap3A_560 = tpu.vector_load %arg20[%swap3A_559] {strides = array<i32>} : memref<272xi32, #tpu.memory_space<vmem>>, vector<16xi32>,
    tpu.vector_store %arg20[%swap3A_559], %broadcast_in_dim3A_1 {strides = array<i32>} : memref<272xi32, #tpu.memory_space<vmem>>, vector<16xi32>,
    %swap3A_561 = arith.constant 16 : index
    %swap3A_562 = tpu.vector_load %arg19[%swap3A_561] {strides = array<i32>} : memref<272xf32, #tpu.memory_space<vmem>>, vector<16xf32>,
    tpu.vector_store %arg19[%swap3A_561], %broadcast_in_dim3A_3 {strides = array<i32>} : memref<272xf32, #tpu.memory_space<vmem>>, vector<16xf32>,
    %swap3A_563 = arith.constant 16 : index
    %swap3A_564 = tpu.vector_load %arg20[%swap3A_563] {strides = array<i32>} : memref<272xi32, #tpu.memory_space<vmem>>, vector<16xi32>,
    tpu.vector_store %arg20[%swap3A_563], %broadcast_in_dim3A_1 {strides = array<i32>} : memref<272xi32, #tpu.memory_space<vmem>>, vector<16xi32>,
    %swap3A_565 = arith.constant 32 : index
    %swap3A_566 = tpu.vector_load %arg19[%swap3A_565] {strides = array<i32>} : memref<272xf32, #tpu.memory_space<vmem>>, vector<16xf32>,
    tpu.vector_store %arg19[%swap3A_565], %broadcast_in_dim3A_3 {strides = array<i32>} : memref<272xf32, #tpu.memory_space<vmem>>, vector<16xf32>,
    %swap3A_567 = arith.constant 32 : index
    %swap3A_568 = tpu.vector_load %arg20[%swap3A_567] {strides = array<i32>} : memref<272xi32, #tpu.memory_space<vmem>>, vector<16xi32>,
    tpu.vector_store %arg20[%swap3A_567], %broadcast_in_dim3A_1 {strides = array<i32>} : memref<272xi32, #tpu.memory_space<vmem>>, vector<16xi32>,
    %swap3A_569 = arith.constant 48 : index
    %swap3A_570 = tpu.vector_load %arg19[%swap3A_569] {strides = array<i32>} : memref<272xf32, #tpu.memory_space<vmem>>, vector<16xf32>,
    tpu.vector_store %arg19[%swap3A_569], %broadcast_in_dim3A_3 {strides = array<i32>} : memref<272xf32, #tpu.memory_space<vmem>>, vector<16xf32>,
    %swap3A_571 = arith.constant 48 : index
    %swap3A_572 = tpu.vector_load %arg20[%swap3A_571] {strides = array<i32>} : memref<272xi32, #tpu.memory_space<vmem>>, vector<16xi32>,
    tpu.vector_store %arg20[%swap3A_571], %broadcast_in_dim3A_1 {strides = array<i32>} : memref<272xi32, #tpu.memory_space<vmem>>, vector<16xi32>,
    %swap3A_573 = arith.constant 64 : index
    %swap3A_574 = tpu.vector_load %arg19[%swap3A_573] {strides = array<i32>} : memref<272xf32, #tpu.memory_space<vmem>>, vector<16xf32>,
    tpu.vector_store %arg19[%swap3A_573], %broadcast_in_dim3A_3 {strides = array<i32>} : memref<272xf32, #tpu.memory_space<vmem>>, vector<16xf32>,
    %swap3A_575 = arith.constant 64 : index
    %swap3A_576 = tpu.vector_load %arg20[%swap3A_575] {strides = array<i32>} : memref<272xi32, #tpu.memory_space<vmem>>, vector<16xi32>,
    tpu.vector_store %arg20[%swap3A_575], %broadcast_in_dim3A_1 {strides = array<i32>} : memref<272xi32, #tpu.memory_space<vmem>>, vector<16xi32>,
    %swap3A_577 = arith.constant 80 : index
    %swap3A_578 = tpu.vector_load %arg19[%swap3A_577] {strides = array<i32>} : memref<272xf32, #tpu.memory_space<vmem>>, vector<16xf32>,
    tpu.vector_store %arg19[%swap3A_577], %broadcast_in_dim3A_3 {strides = array<i32>} : memref<272xf32, #tpu.memory_space<vmem>>, vector<16xf32>,
    %swap3A_579 = arith.constant 80 : index
    %swap3A_580 = tpu.vector_load %arg20[%swap3A_579] {strides = array<i32>} : memref<272xi32, #tpu.memory_space<vmem>>, vector<16xi32>,
    tpu.vector_store %arg20[%swap3A_579], %broadcast_in_dim3A_1 {strides = array<i32>} : memref<272xi32, #tpu.memory_space<vmem>>, vector<16xi32>,
    %swap3A_581 = arith.constant 96 : index
    %swap3A_582 = tpu.vector_load %arg19[%swap3A_581] {strides = array<i32>} : memref<272xf32, #tpu.memory_space<vmem>>, vector<16xf32>,
    tpu.vector_store %arg19[%swap3A_581], %broadcast_in_dim3A_3 {strides = array<i32>} : memref<272xf32, #tpu.memory_space<vmem>>, vector<16xf32>,
    %swap3A_583 = arith.constant 96 : index
    %swap3A_584 = tpu.vector_load %arg20[%swap3A_583] {strides = array<i32>} : memref<272xi32, #tpu.memory_space<vmem>>, vector<16xi32>,
    tpu.vector_store %arg20[%swap3A_583], %broadcast_in_dim3A_1 {strides = array<i32>} : memref<272xi32, #tpu.memory_space<vmem>>, vector<16xi32>,
    %swap3A_585 = arith.constant 112 : index
    %swap3A_586 = tpu.vector_load %arg19[%swap3A_585] {strides = array<i32>} : memref<272xf32, #tpu.memory_space<vmem>>, vector<16xf32>,
    tpu.vector_store %arg19[%swap3A_585], %broadcast_in_dim3A_3 {strides = array<i32>} : memref<272xf32, #tpu.memory_space<vmem>>, vector<16xf32>,
    %swap3A_587 = arith.constant 112 : index
    %swap3A_588 = tpu.vector_load %arg20[%swap3A_587] {strides = array<i32>} : memref<272xi32, #tpu.memory_space<vmem>>, vector<16xi32>,
    tpu.vector_store %arg20[%swap3A_587], %broadcast_in_dim3A_1 {strides = array<i32>} : memref<272xi32, #tpu.memory_space<vmem>>, vector<16xi32>,
    %swap3A_589 = arith.constant 128 : index
    %swap3A_590 = tpu.vector_load %arg19[%swap3A_589] {strides = array<i32>} : memref<272xf32, #tpu.memory_space<vmem>>, vector<16xf32>,
    tpu.vector_store %arg19[%swap3A_589], %broadcast_in_dim3A_3 {strides = array<i32>} : memref<272xf32, #tpu.memory_space<vmem>>, vector<16xf32>,
    %swap3A_591 = arith.constant 128 : index
    %swap3A_592 = tpu.vector_load %arg20[%swap3A_591] {strides = array<i32>} : memref<272xi32, #tpu.memory_space<vmem>>, vector<16xi32>,
    tpu.vector_store %arg20[%swap3A_591], %broadcast_in_dim3A_1 {strides = array<i32>} : memref<272xi32, #tpu.memory_space<vmem>>, vector<16xi32>,
    %swap3A_593 = arith.constant 144 : index
    %swap3A_594 = tpu.vector_load %arg19[%swap3A_593] {strides = array<i32>} : memref<272xf32, #tpu.memory_space<vmem>>, vector<16xf32>,
    tpu.vector_store %arg19[%swap3A_593], %broadcast_in_dim3A_3 {strides = array<i32>} : memref<272xf32, #tpu.memory_space<vmem>>, vector<16xf32>,
    %swap3A_595 = arith.constant 144 : index
    %swap3A_596 = tpu.vector_load %arg20[%swap3A_595] {strides = array<i32>} : memref<272xi32, #tpu.memory_space<vmem>>, vector<16xi32>,
    tpu.vector_store %arg20[%swap3A_595], %broadcast_in_dim3A_1 {strides = array<i32>} : memref<272xi32, #tpu.memory_space<vmem>>, vector<16xi32>,
    %swap3A_597 = arith.constant 160 : index
    %swap3A_598 = tpu.vector_load %arg19[%swap3A_597] {strides = array<i32>} : memref<272xf32, #tpu.memory_space<vmem>>, vector<16xf32>,
    tpu.vector_store %arg19[%swap3A_597], %broadcast_in_dim3A_3 {strides = array<i32>} : memref<272xf32, #tpu.memory_space<vmem>>, vector<16xf32>,
    %swap3A_599 = arith.constant 160 : index
    %swap3A_600 = tpu.vector_load %arg20[%swap3A_599] {strides = array<i32>} : memref<272xi32, #tpu.memory_space<vmem>>, vector<16xi32>,
    tpu.vector_store %arg20[%swap3A_599], %broadcast_in_dim3A_1 {strides = array<i32>} : memref<272xi32, #tpu.memory_space<vmem>>, vector<16xi32>,
    %swap3A_601 = arith.constant 176 : index
    %swap3A_602 = tpu.vector_load %arg19[%swap3A_601] {strides = array<i32>} : memref<272xf32, #tpu.memory_space<vmem>>, vector<16xf32>,
    tpu.vector_store %arg19[%swap3A_601], %broadcast_in_dim3A_3 {strides = array<i32>} : memref<272xf32, #tpu.memory_space<vmem>>, vector<16xf32>,
    %swap3A_603 = arith.constant 176 : index
    %swap3A_604 = tpu.vector_load %arg20[%swap3A_603] {strides = array<i32>} : memref<272xi32, #tpu.memory_space<vmem>>, vector<16xi32>,
    tpu.vector_store %arg20[%swap3A_603], %broadcast_in_dim3A_1 {strides = array<i32>} : memref<272xi32, #tpu.memory_space<vmem>>, vector<16xi32>,
    %swap3A_605 = arith.constant 192 : index
    %swap3A_606 = tpu.vector_load %arg19[%swap3A_605] {strides = array<i32>} : memref<272xf32, #tpu.memory_space<vmem>>, vector<16xf32>,
    tpu.vector_store %arg19[%swap3A_605], %broadcast_in_dim3A_3 {strides = array<i32>} : memref<272xf32, #tpu.memory_space<vmem>>, vector<16xf32>,
    %swap3A_607 = arith.constant 192 : index
    %swap3A_608 = tpu.vector_load %arg20[%swap3A_607] {strides = array<i32>} : memref<272xi32, #tpu.memory_space<vmem>>, vector<16xi32>,
    tpu.vector_store %arg20[%swap3A_607], %broadcast_in_dim3A_1 {strides = array<i32>} : memref<272xi32, #tpu.memory_space<vmem>>, vector<16xi32>,
    %swap3A_609 = arith.constant 208 : index
    %swap3A_610 = tpu.vector_load %arg19[%swap3A_609] {strides = array<i32>} : memref<272xf32, #tpu.memory_space<vmem>>, vector<16xf32>,
    tpu.vector_store %arg19[%swap3A_609], %broadcast_in_dim3A_3 {strides = array<i32>} : memref<272xf32, #tpu.memory_space<vmem>>, vector<16xf32>,
    %swap3A_611 = arith.constant 208 : index
    %swap3A_612 = tpu.vector_load %arg20[%swap3A_611] {strides = array<i32>} : memref<272xi32, #tpu.memory_space<vmem>>, vector<16xi32>,
    tpu.vector_store %arg20[%swap3A_611], %broadcast_in_dim3A_1 {strides = array<i32>} : memref<272xi32, #tpu.memory_space<vmem>>, vector<16xi32>,
    %swap3A_613 = arith.constant 224 : index
    %swap3A_614 = tpu.vector_load %arg19[%swap3A_613] {strides = array<i32>} : memref<272xf32, #tpu.memory_space<vmem>>, vector<16xf32>,
    tpu.vector_store %arg19[%swap3A_613], %broadcast_in_dim3A_3 {strides = array<i32>} : memref<272xf32, #tpu.memory_space<vmem>>, vector<16xf32>,
    %swap3A_615 = arith.constant 224 : index
    %swap3A_616 = tpu.vector_load %arg20[%swap3A_615] {strides = array<i32>} : memref<272xi32, #tpu.memory_space<vmem>>, vector<16xi32>,
    tpu.vector_store %arg20[%swap3A_615], %broadcast_in_dim3A_1 {strides = array<i32>} : memref<272xi32, #tpu.memory_space<vmem>>, vector<16xi32>,
    %swap3A_617 = arith.constant 240 : index
    %swap3A_618 = tpu.vector_load %arg19[%swap3A_617] {strides = array<i32>} : memref<272xf32, #tpu.memory_space<vmem>>, vector<16xf32>,
    tpu.vector_store %arg19[%swap3A_617], %broadcast_in_dim3A_3 {strides = array<i32>} : memref<272xf32, #tpu.memory_space<vmem>>, vector<16xf32>,
    %swap3A_619 = arith.constant 240 : index
    %swap3A_620 = tpu.vector_load %arg20[%swap3A_619] {strides = array<i32>} : memref<272xi32, #tpu.memory_space<vmem>>, vector<16xi32>,
    tpu.vector_store %arg20[%swap3A_619], %broadcast_in_dim3A_1 {strides = array<i32>} : memref<272xi32, #tpu.memory_space<vmem>>, vector<16xi32>,
    %swap3A_621 = arith.constant 256 : index
    %swap3A_622 = tpu.vector_load %arg19[%swap3A_621] {strides = array<i32>} : memref<272xf32, #tpu.memory_space<vmem>>, vector<16xf32>,
    tpu.vector_store %arg19[%swap3A_621], %broadcast_in_dim3A_3 {strides = array<i32>} : memref<272xf32, #tpu.memory_space<vmem>>, vector<16xf32>,
    %swap3A_623 = arith.constant 256 : index
    %swap3A_624 = tpu.vector_load %arg20[%swap3A_623] {strides = array<i32>} : memref<272xi32, #tpu.memory_space<vmem>>, vector<16xi32>,
    tpu.vector_store %arg20[%swap3A_623], %broadcast_in_dim3A_1 {strides = array<i32>} : memref<272xi32, #tpu.memory_space<vmem>>, vector<16xi32>,
    %swap3A_625 = arith.constant 0 : index
    %swap3A_626 = tpu.vector_load %arg17[%swap3A_625] {strides = array<i32>} : memref<16xi32, #tpu.memory_space<vmem>>, vector<16xi32>,
    tpu.vector_store %arg17[%swap3A_625], %broadcast_in_dim3A_1 {strides = array<i32>} : memref<16xi32, #tpu.memory_space<vmem>>, vector<16xi32>,
    %iota3A_627 = tpu.iota {dimensions = array<i32: 0>} : vector<16xi32>
    %swap3A_628 = arith.constant 0 : index
    %swap3A_629 = tpu.vector_load %arg18[%swap3A_628] {strides = array<i32>} : memref<16xi32, #tpu.memory_space<vmem>>, vector<16xi32>,
    tpu.vector_store %arg18[%swap3A_628], %iota3A_627 {strides = array<i32>} : memref<16xi32, #tpu.memory_space<vmem>>, vector<16xi32>,
    %get3A_630 = arith.constant 0 : index
    %get3A_631 = tpu.vector_load %arg16[%get3A_630] {strides = array<i32>} : memref<16xi32, #tpu.memory_space<vmem>>, vector<16xi32>,
    %scan3A_632 = arith.constant 0 : i32
    %scan3A_633 = arith.constant 0 : i32
    %scan3A_634 = arith.constant 512 : i32
    %scan3A_635 = arith.addi %scan3A_633, %scan3A_634 : i32
    %scan3A_636 = arith.constant 1 : i32
    scf.for %scan3A_653 = %scan3A_633 to %scan3A_635 step %scan3A_636  : i32 {
      %get3A_654 = arith.constant 0 : index
      %get3A_655 = tpu.vector_load %arg18[%get3A_654] {strides = array<i32>} : memref<16xi32, #tpu.memory_space<vmem>>, vector<16xi32>,
      %shift_right_arithmetic3A = arith.constant 3 : i32
      %shift_right_arithmetic3A_656 = arith.shrsi %scan3A_653, %shift_right_arithmetic3A : i32
      %and3A = arith.constant 7 : i32
      %and3A_657 = arith.andi %scan3A_653, %and3A : i32
      %mul3A_658 = arith.constant 16 : i32
      %mul3A_659 = arith.muli %and3A_657, %mul3A_658 : i32
      %get3A_660 = arith.index_cast %shift_right_arithmetic3A_656 : i32 to index
      %get3A_661 = arith.index_cast %mul3A_659 : i32 to index
      %get3A_662 = tpu.vector_load %arg15[%get3A_660, %get3A_661] {strides = array<i32>} : memref<64x128xf32, #tpu.memory_space<vmem>>, vector<16xf32>,
      %get3A_663 = arith.constant 0 : index
      %get3A_664 = tpu.vector_load %arg11[%get3A_663] {strides = array<i32>} : memref<16xf32, #tpu.memory_space<vmem>>, vector<16xf32>,
      %ge3A = arith.cmpf oge, %get3A_662, %get3A_664 : vector<16xf32>
      %shift_right_arithmetic3A_665 = arith.constant 7 : i32
      %shift_right_arithmetic3A_666 = vector.broadcast %shift_right_arithmetic3A_665 : i32 to vector<16xi32>
      %shift_right_arithmetic3A_667 = arith.shrsi %get3A_655, %shift_right_arithmetic3A_666 : vector<16xi32>
      %lt3A = arith.cmpi slt, %shift_right_arithmetic3A_667, %get3A_631 : vector<16xi32>
      %and3A_668 = arith.andi %ge3A, %lt3A : vector<16xi1>
      %get3A_669 = arith.constant 0 : index
      %get3A_670 = tpu.vector_load %arg17[%get3A_669] {strides = array<i32>} : memref<16xi32, #tpu.memory_space<vmem>>, vector<16xi32>,
      %convert_element_type3A = arith.extui %and3A_668 : vector<16xi1> to vector<16xi32>
      %cumsum3A = arith.constant true
      %cumsum3A_671 = vector.broadcast %cumsum3A : i1 to vector<16xi1>
      %cumsum3A_672 = tpu.scan <sum>, %convert_element_type3A masked %cumsum3A_671 : vector<16xi32>, vector<16xi1> -> vector<16xi32>
      %add3A_673 = arith.addi %get3A_670, %cumsum3A_672 : vector<16xi32>
      %sub3A = arith.constant 1 : i32
      %sub3A_674 = vector.broadcast %sub3A : i32 to vector<16xi32>
      %sub3A_675 = arith.subi %add3A_673, %sub3A_674 : vector<16xi32>
      %min3A_676 = arith.constant 271 : i32
      %min3A_677 = vector.broadcast %min3A_676 : i32 to vector<16xi32>
      %min3A_678 = arith.minsi %sub3A_675, %min3A_677 : vector<16xi32>
      tpu.vector_store_idx %arg19[%min3A_678], %get3A_662 masked %and3A_668 : memref<272xf32, #tpu.memory_space<vmem>>[vector<16xi32>], vector<16xf32>, vector<16xi1>
      tpu.vector_store_idx %arg20[%min3A_678], %get3A_655 masked %and3A_668 : memref<272xi32, #tpu.memory_space<vmem>>[vector<16xi32>], vector<16xi32>, vector<16xi1>
      %all_reduce_population_count3A = tpu.all_reduce %and3A_668 {dim = 0 : i64, kind = #tpu.reduction_kind<sum>} : vector<16xi1> -> vector<16xi32>
      %add3A_679 = arith.addi %get3A_670, %all_reduce_population_count3A : vector<16xi32>
      %swap3A_680 = arith.constant 0 : index
      %swap3A_681 = tpu.vector_load %arg17[%swap3A_680] {strides = array<i32>} : memref<16xi32, #tpu.memory_space<vmem>>, vector<16xi32>,
      tpu.vector_store %arg17[%swap3A_680], %add3A_679 {strides = array<i32>} : memref<16xi32, #tpu.memory_space<vmem>>, vector<16xi32>,
      %add3A_682 = arith.constant 16 : i32
      %add3A_683 = vector.broadcast %add3A_682 : i32 to vector<16xi32>
      %add3A_684 = arith.addi %get3A_655, %add3A_683 : vector<16xi32>
      %swap3A_685 = arith.constant 0 : index
      %swap3A_686 = tpu.vector_load %arg18[%swap3A_685] {strides = array<i32>} : memref<16xi32, #tpu.memory_space<vmem>>, vector<16xi32>,
      tpu.vector_store %arg18[%swap3A_685], %add3A_684 {strides = array<i32>} : memref<16xi32, #tpu.memory_space<vmem>>, vector<16xi32>,
    }
    %scan3A_637 = arith.constant 512 : i32
    %get3A_638 = arith.constant 0 : index
    %get3A_639 = tpu.vector_load %arg17[%get3A_638] {strides = array<i32>} : memref<16xi32, #tpu.memory_space<vmem>>, vector<16xi32>,
    %min3A_640 = arith.constant 256 : i32
    %min3A_641 = vector.broadcast %min3A_640 : i32 to vector<16xi32>
    %min3A_642 = arith.minsi %get3A_639, %min3A_641 : vector<16xi32>
    %swap3A_643 = arith.constant 0 : index
    %swap3A_644 = tpu.vector_load %arg16[%swap3A_643] {strides = array<i32>} : memref<16xi32, #tpu.memory_space<vmem>>, vector<16xi32>,
    tpu.vector_store %arg16[%swap3A_643], %min3A_642 {strides = array<i32>} : memref<16xi32, #tpu.memory_space<vmem>>, vector<16xi32>,
    %mul3A_645 = arith.constant 256 : i32
    %mul3A_646 = arith.muli %add3A_492, %mul3A_645 : i32
    "tpu.region"() ({
      %run_scoped3A = tpu.sem_alloc : memref<!tpu.dma_semaphore, #tpu.memory_space<semaphore_mem>>
      %dma_start3A_653 = arith.constant 0 : i32
      %dma_start3A_654 = tpu.memref_slice %arg19[%dma_start3A_653] : memref<272xf32, #tpu.memory_space<vmem>> -> memref<256xf32, #tpu.memory_space<vmem>>
      %dma_start3A_655 = tpu.memref_slice %arg6[%mul3A_646] : memref<32768xf32, #tpu.memory_space<hbm>> -> memref<256xf32, #tpu.memory_space<hbm>>
      %dma_start3A_656 = tpu.memref_slice %arg6[%mul3A_646] : memref<32768xf32, #tpu.memory_space<hbm>> -> memref<256xf32, #tpu.memory_space<hbm>>
      %dma_start3A_657 = arith.constant 0 : i32
      %dma_start3A_658 = tpu.memref_slice %arg19[%dma_start3A_657] : memref<272xf32, #tpu.memory_space<vmem>> -> memref<256xf32, #tpu.memory_space<vmem>>
      tpu.enqueue_dma source(%dma_start3A_658 : memref<256xf32, #tpu.memory_space<vmem>>) target(%dma_start3A_656 : memref<256xf32, #tpu.memory_space<hbm>>) target_semaphore(%run_scoped3A : memref<!tpu.dma_semaphore, #tpu.memory_space<semaphore_mem>>)
      %dma_wait3A_659 = arith.constant 0 : i32
      %dma_wait3A_660 = tpu.memref_slice %arg19[%dma_wait3A_659] : memref<272xf32, #tpu.memory_space<vmem>> -> memref<256xf32, #tpu.memory_space<vmem>>
      %dma_wait3A_661 = tpu.memref_slice %arg6[%mul3A_646] : memref<32768xf32, #tpu.memory_space<hbm>> -> memref<256xf32, #tpu.memory_space<hbm>>
      %dma_wait3A_662 = tpu.memref_slice %arg6[%mul3A_646] : memref<32768xf32, #tpu.memory_space<hbm>> -> memref<256xf32, #tpu.memory_space<hbm>>
      %dma_wait3A_663 = arith.constant 0 : i32
      %dma_wait3A_664 = tpu.memref_slice %arg19[%dma_wait3A_663] : memref<272xf32, #tpu.memory_space<vmem>> -> memref<256xf32, #tpu.memory_space<vmem>>
      tpu.wait_dma2 semaphore(%run_scoped3A : memref<!tpu.dma_semaphore, #tpu.memory_space<semaphore_mem>>) src(%dma_wait3A_664 : memref<256xf32, #tpu.memory_space<vmem>>) dst(%dma_wait3A_662 : memref<256xf32, #tpu.memory_space<hbm>>)
      tpu.yield
    }) : () -> ()
    %mul3A_647 = arith.constant 256 : i32
    %mul3A_648 = arith.muli %add3A_492, %mul3A_647 : i32
    "tpu.region"() ({
      %run_scoped3A = tpu.sem_alloc : memref<!tpu.dma_semaphore, #tpu.memory_space<semaphore_mem>>
      %dma_start3A_653 = arith.constant 0 : i32
      %dma_start3A_654 = tpu.memref_slice %arg20[%dma_start3A_653] : memref<272xi32, #tpu.memory_space<vmem>> -> memref<256xi32, #tpu.memory_space<vmem>>
      %dma_start3A_655 = tpu.memref_slice %arg7[%mul3A_648] : memref<32768xi32, #tpu.memory_space<hbm>> -> memref<256xi32, #tpu.memory_space<hbm>>
      %dma_start3A_656 = tpu.memref_slice %arg7[%mul3A_648] : memref<32768xi32, #tpu.memory_space<hbm>> -> memref<256xi32, #tpu.memory_space<hbm>>
      %dma_start3A_657 = arith.constant 0 : i32
      %dma_start3A_658 = tpu.memref_slice %arg20[%dma_start3A_657] : memref<272xi32, #tpu.memory_space<vmem>> -> memref<256xi32, #tpu.memory_space<vmem>>
      tpu.enqueue_dma source(%dma_start3A_658 : memref<256xi32, #tpu.memory_space<vmem>>) target(%dma_start3A_656 : memref<256xi32, #tpu.memory_space<hbm>>) target_semaphore(%run_scoped3A : memref<!tpu.dma_semaphore, #tpu.memory_space<semaphore_mem>>)
      %dma_wait3A_659 = arith.constant 0 : i32
      %dma_wait3A_660 = tpu.memref_slice %arg20[%dma_wait3A_659] : memref<272xi32, #tpu.memory_space<vmem>> -> memref<256xi32, #tpu.memory_space<vmem>>
      %dma_wait3A_661 = tpu.memref_slice %arg7[%mul3A_648] : memref<32768xi32, #tpu.memory_space<hbm>> -> memref<256xi32, #tpu.memory_space<hbm>>
      %dma_wait3A_662 = tpu.memref_slice %arg7[%mul3A_648] : memref<32768xi32, #tpu.memory_space<hbm>> -> memref<256xi32, #tpu.memory_space<hbm>>
      %dma_wait3A_663 = arith.constant 0 : i32
      %dma_wait3A_664 = tpu.memref_slice %arg20[%dma_wait3A_663] : memref<272xi32, #tpu.memory_space<vmem>> -> memref<256xi32, #tpu.memory_space<vmem>>
      tpu.wait_dma2 semaphore(%run_scoped3A : memref<!tpu.dma_semaphore, #tpu.memory_space<semaphore_mem>>) src(%dma_wait3A_664 : memref<256xi32, #tpu.memory_space<vmem>>) dst(%dma_wait3A_662 : memref<256xi32, #tpu.memory_space<hbm>>)
      tpu.yield
    }) : () -> ()
    %mul3A_649 = arith.constant 64 : i32
    %mul3A_650 = arith.muli %add3A_492, %mul3A_649 : i32
    "tpu.region"() ({
      %run_scoped3A = tpu.sem_alloc : memref<!tpu.dma_semaphore, #tpu.memory_space<semaphore_mem>>
      %dma_start3A_653 = arith.constant 0 : i32
      %dma_start3A_654 = tpu.memref_slice %arg13[%dma_start3A_653] : memref<96xi32, #tpu.memory_space<vmem>> -> memref<64xi32, #tpu.memory_space<vmem>>
      %dma_start3A_655 = tpu.memref_slice %arg8[%mul3A_650] : memref<8192xi32, #tpu.memory_space<hbm>> -> memref<64xi32, #tpu.memory_space<hbm>>
      %dma_start3A_656 = tpu.memref_slice %arg8[%mul3A_650] : memref<8192xi32, #tpu.memory_space<hbm>> -> memref<64xi32, #tpu.memory_space<hbm>>
      %dma_start3A_657 = arith.constant 0 : i32
      %dma_start3A_658 = tpu.memref_slice %arg13[%dma_start3A_657] : memref<96xi32, #tpu.memory_space<vmem>> -> memref<64xi32, #tpu.memory_space<vmem>>
      tpu.enqueue_dma source(%dma_start3A_658 : memref<64xi32, #tpu.memory_space<vmem>>) target(%dma_start3A_656 : memref<64xi32, #tpu.memory_space<hbm>>) target_semaphore(%run_scoped3A : memref<!tpu.dma_semaphore, #tpu.memory_space<semaphore_mem>>)
      %dma_wait3A_659 = arith.constant 0 : i32
      %dma_wait3A_660 = tpu.memref_slice %arg13[%dma_wait3A_659] : memref<96xi32, #tpu.memory_space<vmem>> -> memref<64xi32, #tpu.memory_space<vmem>>
      %dma_wait3A_661 = tpu.memref_slice %arg8[%mul3A_650] : memref<8192xi32, #tpu.memory_space<hbm>> -> memref<64xi32, #tpu.memory_space<hbm>>
      %dma_wait3A_662 = tpu.memref_slice %arg8[%mul3A_650] : memref<8192xi32, #tpu.memory_space<hbm>> -> memref<64xi32, #tpu.memory_space<hbm>>
      %dma_wait3A_663 = arith.constant 0 : i32
      %dma_wait3A_664 = tpu.memref_slice %arg13[%dma_wait3A_663] : memref<96xi32, #tpu.memory_space<vmem>> -> memref<64xi32, #tpu.memory_space<vmem>>
      tpu.wait_dma2 semaphore(%run_scoped3A : memref<!tpu.dma_semaphore, #tpu.memory_space<semaphore_mem>>) src(%dma_wait3A_664 : memref<64xi32, #tpu.memory_space<vmem>>) dst(%dma_wait3A_662 : memref<64xi32, #tpu.memory_space<hbm>>)
      tpu.yield
    }) : () -> ()
    %mul3A_651 = arith.constant 16 : i32
    %mul3A_652 = arith.muli %add3A_492, %mul3A_651 : i32
    "tpu.region"() ({
      %run_scoped3A = tpu.sem_alloc : memref<!tpu.dma_semaphore, #tpu.memory_space<semaphore_mem>>
      %dma_start3A_653 = tpu.memref_slice %arg9[%mul3A_652] : memref<2048xi32, #tpu.memory_space<hbm>> -> memref<16xi32, #tpu.memory_space<hbm>>
      %dma_start3A_654 = tpu.memref_slice %arg9[%mul3A_652] : memref<2048xi32, #tpu.memory_space<hbm>> -> memref<16xi32, #tpu.memory_space<hbm>>
      tpu.enqueue_dma source(%arg16 : memref<16xi32, #tpu.memory_space<vmem>>) target(%dma_start3A_654 : memref<16xi32, #tpu.memory_space<hbm>>) target_semaphore(%run_scoped3A : memref<!tpu.dma_semaphore, #tpu.memory_space<semaphore_mem>>)
      %dma_wait3A_655 = tpu.memref_slice %arg9[%mul3A_652] : memref<2048xi32, #tpu.memory_space<hbm>> -> memref<16xi32, #tpu.memory_space<hbm>>
      %dma_wait3A_656 = tpu.memref_slice %arg9[%mul3A_652] : memref<2048xi32, #tpu.memory_space<hbm>> -> memref<16xi32, #tpu.memory_space<hbm>>
      tpu.wait_dma2 semaphore(%run_scoped3A : memref<!tpu.dma_semaphore, #tpu.memory_space<semaphore_mem>>) src(%arg16 : memref<16xi32, #tpu.memory_space<vmem>>) dst(%dma_wait3A_656 : memref<16xi32, #tpu.memory_space<hbm>>)
      tpu.yield
    }) : () -> ()
    return
  }
}

module attributes {stable_mosaic.version = 14 : i64} {
  func.func @_k1_body(%arg0: i32, %arg1: memref<1xi32, #tpu.memory_space<smem>>, %arg2: memref<8x782x128xf32, #tpu.memory_space<vmem>>, %arg3: memref<8x896xf32, #tpu.memory_space<vmem>>, %arg4: memref<8x16xf32, #tpu.memory_space<vmem>>, %arg5: memref<8x1xf32, #tpu.memory_space<vmem>>) attributes {dimension_semantics = [#tpu.dimension_semantics<arbitrary>], iteration_bounds = array<i64: 16>, scalar_prefetch = 1 : i64, scratch_operands = 0 : i64, tpu.core_type = #tpu.core_type<tc>, window_params = [{transform_indices = @transform_0, window_bounds = array<i64: 8, 782, 128>}, {transform_indices = @transform_1, window_bounds = array<i64: 8, 896>}, {transform_indices = @transform_2, window_bounds = array<i64: 8, 16>}, {transform_indices = @transform_3, window_bounds = array<i64: 8, 1>}]} {
    %get3A = arith.constant 0 : index
    %get3A_0 = memref.load %arg1[%get3A] : memref<1xi32, #tpu.memory_space<smem>>
    %convert_element_type3A = arith.sitofp %get3A_0 : i32 to f32
    %get3A_1 = arith.constant 0 : index
    %get3A_2 = arith.constant 0 : index
    %get3A_3 = arith.constant 0 : index
    %get3A_4 = vector.load %arg2[%get3A_1, %get3A_2, %get3A_3] : memref<8x782x128xf32, #tpu.memory_space<vmem>>, vector<8x782x128xf32>
    %reduce_max3A = arith.constant dense<0xFF800000> : vector<8x782xf32>
    %reduce_max3A_5 = vector.multi_reduction <maximumf>, %get3A_4, %reduce_max3A [2] : vector<8x782x128xf32> to vector<8x782xf32>
    %reduce_max3A_6 = arith.constant dense<0xFF800000> : vector<8xf32>
    %reduce_max3A_7 = vector.multi_reduction <maximumf>, %reduce_max3A_5, %reduce_max3A_6 [1] : vector<8x782xf32> to vector<8xf32>
    %broadcast_in_dim3A = vector.shape_cast %reduce_max3A_7 : vector<8xf32> to vector<8x1xf32>
    %swap3A = arith.constant 0 : index
    %swap3A_8 = arith.constant 0 : index
    %swap3A_9 = vector.load %arg5[%swap3A, %swap3A_8] : memref<8x1xf32, #tpu.memory_space<vmem>>, vector<8x1xf32>
    tpu.vector_store %arg5[%swap3A, %swap3A_8], %broadcast_in_dim3A {strides = array<i32>} : memref<8x1xf32, #tpu.memory_space<vmem>>, vector<8x1xf32>,
    %swap3A_10 = arith.constant 0 : index
    %swap3A_11 = arith.constant 0 : index
    %swap3A_12 = vector.load %arg3[%swap3A_10, %swap3A_11] : memref<8x896xf32, #tpu.memory_space<vmem>>, vector<8x782xf32>
    tpu.vector_store %arg3[%swap3A_10, %swap3A_11], %reduce_max3A_5 {strides = array<i32>} : memref<8x896xf32, #tpu.memory_space<vmem>>, vector<8x782xf32>,
    %broadcast_in_dim3A_13 = arith.constant 0xFF800000 : f32
    %broadcast_in_dim3A_14 = vector.broadcast %broadcast_in_dim3A_13 : f32 to vector<8x114xf32>
    %swap3A_15 = arith.constant 0 : index
    %swap3A_16 = arith.constant 782 : index
    %swap3A_17 = vector.load %arg3[%swap3A_15, %swap3A_16] : memref<8x896xf32, #tpu.memory_space<vmem>>, vector<8x114xf32>
    tpu.vector_store %arg3[%swap3A_15, %swap3A_16], %broadcast_in_dim3A_14 {strides = array<i32>} : memref<8x896xf32, #tpu.memory_space<vmem>>, vector<8x114xf32>,
    %bitcast_convert_type3A = tpu.bitcast %reduce_max3A_5 : vector<8x782xf32> -> vector<8x782xi32>
    %shift_right_logical3A = arith.constant 31 : i32
    %shift_right_logical3A_18 = vector.broadcast %shift_right_logical3A : i32 to vector<8x782xi32>
    %shift_right_logical3A_19 = arith.shrui %bitcast_convert_type3A, %shift_right_logical3A_18 : vector<8x782xi32>
    %eq3A = arith.constant 1 : i32
    %eq3A_20 = vector.broadcast %eq3A : i32 to vector<8x782xi32>
    %eq3A_21 = arith.cmpi eq, %shift_right_logical3A_19, %eq3A_20 : vector<8x782xi32>
    %not3A = arith.constant dense<-1> : vector<8x782xi32>
    %not3A_22 = arith.xori %bitcast_convert_type3A, %not3A : vector<8x782xi32>
    %or3A = arith.constant -2147483648 : i32
    %or3A_23 = vector.broadcast %or3A : i32 to vector<8x782xi32>
    %or3A_24 = arith.ori %bitcast_convert_type3A, %or3A_23 : vector<8x782xi32>
    %select_n3A = arith.select %eq3A_21, %not3A_22, %or3A_24 : vector<8x782xi1>, vector<8x782xi32>
    %broadcast_in_dim3A_25 = arith.constant 0 : i32
    %broadcast_in_dim3A_26 = vector.broadcast %broadcast_in_dim3A_25 : i32 to vector<8x1xi32>
    %broadcast_in_dim3A_27 = arith.constant -1 : i32
    %broadcast_in_dim3A_28 = vector.broadcast %broadcast_in_dim3A_27 : i32 to vector<8x1xi32>
    %scan3A = arith.constant 0 : i32
    %scan3A_29 = arith.constant 16 : i32
    %scan3A_30 = arith.addi %scan3A, %scan3A_29 : i32
    %scan3A_31 = arith.constant 1 : i32
    %scan3A_32:2 = scf.for %scan3A_46 = %scan3A to %scan3A_30 step %scan3A_31 iter_args(%scan3A_47 = %broadcast_in_dim3A_26, %scan3A_48 = %broadcast_in_dim3A_28) -> (vector<8x1xi32>, vector<8x1xi32>)  : i32 {
      %sub3A = arith.subi %scan3A_48, %scan3A_47 : vector<8x1xi32>
      %shift_right_logical3A_49 = arith.constant 1 : i32
      %shift_right_logical3A_50 = vector.broadcast %shift_right_logical3A_49 : i32 to vector<8x1xi32>
      %shift_right_logical3A_51 = arith.shrui %sub3A, %shift_right_logical3A_50 : vector<8x1xi32>
      %add3A = arith.addi %scan3A_47, %shift_right_logical3A_51 : vector<8x1xi32>
      %ge3A_52 = vector.broadcast %add3A : vector<8x1xi32> to vector<8x782xi32>
      %ge3A_53 = arith.cmpi uge, %select_n3A, %ge3A_52 : vector<8x782xi32>
      %convert_element_type3A_54 = arith.extui %ge3A_53 : vector<8x782xi1> to vector<8x782xi32>
      %convert_element_type3A_55 = arith.sitofp %convert_element_type3A_54 : vector<8x782xi32> to vector<8x782xf32>
      %broadcast_in_dim3A_56 = arith.constant 1.000000e+00 : f32
      %broadcast_in_dim3A_57 = vector.broadcast %broadcast_in_dim3A_56 : f32 to vector<782x1xf32>
      %dot_general3A = arith.constant dense<0.000000e+00> : vector<8x1xf32>
      %dot_general3A_58 = tpu.matmul %convert_element_type3A_55, %broadcast_in_dim3A_57, %dot_general3A {dimension_numbers = #tpu.dot_dimension_numbers<[1], [0], [0], [1], [0, 0, 1, 1], [], []>, transpose_lhs_hint = false} : vector<8x782xf32>, vector<782x1xf32>, vector<8x1xf32> -> vector<8x1xf32>
      %ge3A_59 = vector.broadcast %convert_element_type3A : f32 to vector<8x1xf32>
      %ge3A_60 = arith.cmpf oge, %dot_general3A_58, %ge3A_59 : vector<8x1xf32>
      %select_n3A_61 = arith.select %ge3A_60, %add3A, %scan3A_47 : vector<8x1xi1>, vector<8x1xi32>
      %select_n3A_62 = arith.select %ge3A_60, %scan3A_48, %add3A : vector<8x1xi1>, vector<8x1xi32>
      scf.yield %select_n3A_61, %select_n3A_62 : vector<8x1xi32>, vector<8x1xi32>
    }
    %ge3A = arith.constant -2147483648 : i32
    %ge3A_33 = vector.broadcast %ge3A : i32 to vector<8x1xi32>
    %ge3A_34 = arith.cmpi uge, %scan3A_32#0, %ge3A_33 : vector<8x1xi32>
    %xor3A = arith.constant -2147483648 : i32
    %xor3A_35 = vector.broadcast %xor3A : i32 to vector<8x1xi32>
    %xor3A_36 = arith.xori %scan3A_32#0, %xor3A_35 : vector<8x1xi32>
    %not3A_37 = arith.constant dense<-1> : vector<8x1xi32>
    %not3A_38 = arith.xori %scan3A_32#0, %not3A_37 : vector<8x1xi32>
    %select_n3A_39 = arith.select %ge3A_34, %xor3A_36, %not3A_38 : vector<8x1xi1>, vector<8x1xi32>
    %bitcast_convert_type3A_40 = tpu.bitcast %select_n3A_39 : vector<8x1xi32> -> vector<8x1xf32>
    %broadcast_in_dim3A_41 = vector.shape_cast %bitcast_convert_type3A_40 : vector<8x1xf32> to vector<8x1xf32>
    %broadcast_in_dim3A_42 = vector.broadcast %broadcast_in_dim3A_41 : vector<8x1xf32> to vector<8x16xf32>
    %swap3A_43 = arith.constant 0 : index
    %swap3A_44 = arith.constant 0 : index
    %swap3A_45 = vector.load %arg4[%swap3A_43, %swap3A_44] : memref<8x16xf32, #tpu.memory_space<vmem>>, vector<8x16xf32>
    tpu.vector_store %arg4[%swap3A_43, %swap3A_44], %broadcast_in_dim3A_42 {strides = array<i32>} : memref<8x16xf32, #tpu.memory_space<vmem>>, vector<8x16xf32>,
    return
  }
  func.func @transform_0(%arg0: i32, %arg1: memref<1xi32, #tpu.memory_space<smem>>) -> (i32, i32, i32) {
    %c0_i32 = arith.constant 0 : i32
    %c0_i32_0 = arith.constant 0 : i32
    %c0_i32_1 = arith.constant 0 : i32
    return %arg0, %c0_i32, %c0_i32_0 : i32, i32, i32
  }
  func.func @transform_1(%arg0: i32, %arg1: memref<1xi32, #tpu.memory_space<smem>>) -> (i32, i32) {
    %c0_i32 = arith.constant 0 : i32
    %c0_i32_0 = arith.constant 0 : i32
    return %arg0, %c0_i32 : i32, i32
  }
  func.func @transform_2(%arg0: i32, %arg1: memref<1xi32, #tpu.memory_space<smem>>) -> (i32, i32) {
    %c0_i32 = arith.constant 0 : i32
    %c0_i32_0 = arith.constant 0 : i32
    return %arg0, %c0_i32 : i32, i32
  }
  func.func @transform_3(%arg0: i32, %arg1: memref<1xi32, #tpu.memory_space<smem>>) -> (i32, i32) {
    %c0_i32 = arith.constant 0 : i32
    %c0_i32_0 = arith.constant 0 : i32
    return %arg0, %c0_i32 : i32, i32
  }
}

module attributes {stable_mosaic.version = 14 : i64} {
  func.func @_k3_body(%arg0: i32, %arg1: memref<1xi32, #tpu.memory_space<smem>>, %arg2: memref<8x100000xf32, #tpu.memory_space<vmem>>, %arg3: memref<8x256xf32, #tpu.memory_space<vmem>>, %arg4: memref<8x256xi32, #tpu.memory_space<vmem>>, %arg5: memref<8x64xi32, #tpu.memory_space<vmem>>, %arg6: memref<8x16xi32, #tpu.memory_space<vmem>>, %arg7: memref<8x1xf32, #tpu.memory_space<vmem>>, %arg8: memref<8x1xi32, #tpu.memory_space<vmem>>, %arg9: memref<8x100000xf32, #tpu.memory_space<vmem>>) attributes {dimension_semantics = [#tpu.dimension_semantics<arbitrary>], iteration_bounds = array<i64: 16>, scalar_prefetch = 1 : i64, scratch_operands = 0 : i64, tpu.core_type = #tpu.core_type<tc>, window_params = [{transform_indices = @transform_0, window_bounds = array<i64: 8, 100000>}, {transform_indices = @transform_1, window_bounds = array<i64: 8, 256>}, {transform_indices = @transform_2, window_bounds = array<i64: 8, 256>}, {transform_indices = @transform_3, window_bounds = array<i64: 8, 64>}, {transform_indices = @transform_4, window_bounds = array<i64: 8, 16>}, {transform_indices = @transform_5, window_bounds = array<i64: 8, 1>}, {transform_indices = @transform_6, window_bounds = array<i64: 8, 1>}, {transform_indices = @transform_7, window_bounds = array<i64: 8, 100000>}]} {
    %get3A = arith.constant 0 : index
    %get3A_0 = memref.load %arg1[%get3A] : memref<1xi32, #tpu.memory_space<smem>>
    %get3A_1 = arith.constant 0 : index
    %get3A_2 = arith.constant 0 : index
    %get3A_3 = vector.load %arg3[%get3A_1, %get3A_2] : memref<8x256xf32, #tpu.memory_space<vmem>>, vector<8x256xf32>
    %get3A_4 = arith.constant 0 : index
    %get3A_5 = arith.constant 0 : index
    %get3A_6 = vector.load %arg4[%get3A_4, %get3A_5] : memref<8x256xi32, #tpu.memory_space<vmem>>, vector<8x256xi32>
    %get3A_7 = arith.constant 0 : index
    %get3A_8 = arith.constant 0 : index
    %get3A_9 = vector.load %arg5[%get3A_7, %get3A_8] : memref<8x64xi32, #tpu.memory_space<vmem>>, vector<8x64xi32>
    %get3A_10 = arith.constant 0 : index
    %get3A_11 = arith.constant 0 : index
    %get3A_12 = vector.load %arg6[%get3A_10, %get3A_11] : memref<8x16xi32, #tpu.memory_space<vmem>>, vector<8x1xi32>
    %get3A_13 = arith.constant 0 : index
    %get3A_14 = arith.constant 0 : index
    %get3A_15 = vector.load %arg7[%get3A_13, %get3A_14] : memref<8x1xf32, #tpu.memory_space<vmem>>, vector<8x1xf32>
    %shift_right_arithmetic3A = arith.constant 7 : i32
    %shift_right_arithmetic3A_16 = vector.broadcast %shift_right_arithmetic3A : i32 to vector<8x256xi32>
    %shift_right_arithmetic3A_17 = arith.shrsi %get3A_6, %shift_right_arithmetic3A_16 : vector<8x256xi32>
    %broadcast_in_dim3A = vector.shape_cast %shift_right_arithmetic3A_17 : vector<8x256xi32> to vector<8x256x1xi32>
    %iota3A = tpu.iota {dimensions = array<i32: 2>} : vector<8x256x64xi32>
    %eq3A = vector.broadcast %broadcast_in_dim3A : vector<8x256x1xi32> to vector<8x256x64xi32>
    %eq3A_18 = arith.cmpi eq, %eq3A, %iota3A : vector<8x256x64xi32>
    %convert_element_type3A = arith.extui %eq3A_18 : vector<8x256x64xi1> to vector<8x256x64xi32>
    %broadcast_in_dim3A_19 = vector.shape_cast %get3A_9 : vector<8x64xi32> to vector<8x1x64xi32>
    %mul3A = vector.broadcast %broadcast_in_dim3A_19 : vector<8x1x64xi32> to vector<8x256x64xi32>
    %mul3A_20 = arith.muli %convert_element_type3A, %mul3A : vector<8x256x64xi32>
    %reduce_sum3A = arith.constant dense<0> : vector<8x256xi32>
    %reduce_sum3A_21 = vector.multi_reduction <add>, %mul3A_20, %reduce_sum3A [2] : vector<8x256x64xi32> to vector<8x256xi32>
    %mul3A_22 = arith.constant 128 : i32
    %mul3A_23 = vector.broadcast %mul3A_22 : i32 to vector<8x256xi32>
    %mul3A_24 = arith.muli %reduce_sum3A_21, %mul3A_23 : vector<8x256xi32>
    %and3A = arith.constant 127 : i32
    %and3A_25 = vector.broadcast %and3A : i32 to vector<8x256xi32>
    %and3A_26 = arith.andi %get3A_6, %and3A_25 : vector<8x256xi32>
    %add3A = arith.addi %mul3A_24, %and3A_26 : vector<8x256xi32>
    %iota3A_27 = tpu.iota {dimensions = array<i32: 1>} : vector<8x256xi32>
    %lt3A = vector.broadcast %get3A_12 : vector<8x1xi32> to vector<8x256xi32>
    %lt3A_28 = arith.cmpi slt, %iota3A_27, %lt3A : vector<8x256xi32>
    %bitcast_convert_type3A = tpu.bitcast %get3A_3 : vector<8x256xf32> -> vector<8x256xi32>
    %shift_right_logical3A = arith.constant 31 : i32
    %shift_right_logical3A_29 = vector.broadcast %shift_right_logical3A : i32 to vector<8x256xi32>
    %shift_right_logical3A_30 = arith.shrui %bitcast_convert_type3A, %shift_right_logical3A_29 : vector<8x256xi32>
    %eq3A_31 = arith.constant 1 : i32
    %eq3A_32 = vector.broadcast %eq3A_31 : i32 to vector<8x256xi32>
    %eq3A_33 = arith.cmpi eq, %shift_right_logical3A_30, %eq3A_32 : vector<8x256xi32>
    %not3A = arith.constant dense<-1> : vector<8x256xi32>
    %not3A_34 = arith.xori %bitcast_convert_type3A, %not3A : vector<8x256xi32>
    %or3A = arith.constant -2147483648 : i32
    %or3A_35 = vector.broadcast %or3A : i32 to vector<8x256xi32>
    %or3A_36 = arith.ori %bitcast_convert_type3A, %or3A_35 : vector<8x256xi32>
    %select_n3A = arith.select %eq3A_33, %not3A_34, %or3A_36 : vector<8x256xi1>, vector<8x256xi32>
    %jit3A = arith.constant 0 : i32
    %broadcast_in_dim3A_37 = vector.broadcast %jit3A : i32 to vector<8x256xi32>
    %select_n3A_38 = arith.select %lt3A_28, %select_n3A, %broadcast_in_dim3A_37 : vector<8x256xi1>, vector<8x256xi32>
    %convert_element_type3A_39 = arith.sitofp %get3A_0 : i32 to f32
    %broadcast_in_dim3A_40 = arith.constant 0 : i32
    %broadcast_in_dim3A_41 = vector.broadcast %broadcast_in_dim3A_40 : i32 to vector<8x1xi32>
    %broadcast_in_dim3A_42 = arith.constant -1 : i32
    %broadcast_in_dim3A_43 = vector.broadcast %broadcast_in_dim3A_42 : i32 to vector<8x1xi32>
    %scan3A = arith.constant 0 : i32
    %scan3A_44 = arith.constant 32 : i32
    %scan3A_45 = arith.addi %scan3A, %scan3A_44 : i32
    %scan3A_46 = arith.constant 1 : i32
    %scan3A_47:2 = scf.for %scan3A_423 = %scan3A to %scan3A_45 step %scan3A_46 iter_args(%scan3A_424 = %broadcast_in_dim3A_41, %scan3A_425 = %broadcast_in_dim3A_43) -> (vector<8x1xi32>, vector<8x1xi32>)  : i32 {
      %sub3A_426 = arith.subi %scan3A_425, %scan3A_424 : vector<8x1xi32>
      %shift_right_logical3A_427 = arith.constant 1 : i32
      %shift_right_logical3A_428 = vector.broadcast %shift_right_logical3A_427 : i32 to vector<8x1xi32>
      %shift_right_logical3A_429 = arith.shrui %sub3A_426, %shift_right_logical3A_428 : vector<8x1xi32>
      %add3A_430 = arith.addi %scan3A_424, %shift_right_logical3A_429 : vector<8x1xi32>
      %ge3A_431 = vector.broadcast %add3A_430 : vector<8x1xi32> to vector<8x256xi32>
      %ge3A_432 = arith.cmpi uge, %select_n3A_38, %ge3A_431 : vector<8x256xi32>
      %convert_element_type3A_433 = arith.extui %ge3A_432 : vector<8x256xi1> to vector<8x256xi32>
      %convert_element_type3A_434 = arith.sitofp %convert_element_type3A_433 : vector<8x256xi32> to vector<8x256xf32>
      %broadcast_in_dim3A_435 = arith.constant 1.000000e+00 : f32
      %broadcast_in_dim3A_436 = vector.broadcast %broadcast_in_dim3A_435 : f32 to vector<256x1xf32>
      %dot_general3A_437 = arith.constant dense<0.000000e+00> : vector<8x1xf32>
      %dot_general3A_438 = tpu.matmul %convert_element_type3A_434, %broadcast_in_dim3A_436, %dot_general3A_437 {dimension_numbers = #tpu.dot_dimension_numbers<[1], [0], [0], [1], [0, 0, 1, 1], [], []>, transpose_lhs_hint = false} : vector<8x256xf32>, vector<256x1xf32>, vector<8x1xf32> -> vector<8x1xf32>
      %ge3A_439 = vector.broadcast %convert_element_type3A_39 : f32 to vector<8x1xf32>
      %ge3A_440 = arith.cmpf oge, %dot_general3A_438, %ge3A_439 : vector<8x1xf32>
      %select_n3A_441 = arith.select %ge3A_440, %add3A_430, %scan3A_424 : vector<8x1xi1>, vector<8x1xi32>
      %select_n3A_442 = arith.select %ge3A_440, %scan3A_425, %add3A_430 : vector<8x1xi1>, vector<8x1xi32>
      scf.yield %select_n3A_441, %select_n3A_442 : vector<8x1xi32>, vector<8x1xi32>
    }
    %ge3A = vector.broadcast %scan3A_47#0 : vector<8x1xi32> to vector<8x256xi32>
    %ge3A_48 = arith.cmpi uge, %select_n3A_38, %ge3A : vector<8x256xi32>
    %sub3A = vector.broadcast %get3A_15 : vector<8x1xf32> to vector<8x256xf32>
    %sub3A_49 = arith.subf %get3A_3, %sub3A : vector<8x256xf32>
    %exp3A = math.exp %sub3A_49 : vector<8x256xf32>
    %jit3A_50 = arith.constant 0.000000e+00 : f32
    %broadcast_in_dim3A_51 = vector.broadcast %jit3A_50 : f32 to vector<8x256xf32>
    %select_n3A_52 = arith.select %ge3A_48, %exp3A, %broadcast_in_dim3A_51 : vector<8x256xi1>, vector<8x256xf32>
    %reduce_sum3A_53 = arith.constant dense<0.000000e+00> : vector<8xf32>
    %reduce_sum3A_54 = vector.multi_reduction <add>, %select_n3A_52, %reduce_sum3A_53 [1] : vector<8x256xf32> to vector<8xf32>
    %broadcast_in_dim3A_55 = vector.shape_cast %reduce_sum3A_54 : vector<8xf32> to vector<8x1xf32>
    %div3A = vector.broadcast %broadcast_in_dim3A_55 : vector<8x1xf32> to vector<8x256xf32>
    %div3A_56 = arith.divf %select_n3A_52, %div3A : vector<8x256xf32>
    %scan3A_57 = arith.constant 0 : i32
    %scan3A_58 = arith.constant 32 : i32
    %scan3A_59 = arith.addi %scan3A_57, %scan3A_58 : i32
    %scan3A_60 = arith.constant 1 : i32
    %scan3A_61:2 = scf.for %scan3A_423 = %scan3A_57 to %scan3A_59 step %scan3A_60 iter_args(%scan3A_424 = %broadcast_in_dim3A_41, %scan3A_425 = %broadcast_in_dim3A_43) -> (vector<8x1xi32>, vector<8x1xi32>)  : i32 {
      %sub3A_426 = arith.subi %scan3A_425, %scan3A_424 : vector<8x1xi32>
      %shift_right_logical3A_427 = arith.constant 1 : i32
      %shift_right_logical3A_428 = vector.broadcast %shift_right_logical3A_427 : i32 to vector<8x1xi32>
      %shift_right_logical3A_429 = arith.shrui %sub3A_426, %shift_right_logical3A_428 : vector<8x1xi32>
      %add3A_430 = arith.addi %scan3A_424, %shift_right_logical3A_429 : vector<8x1xi32>
      %gt3A_431 = vector.broadcast %add3A_430 : vector<8x1xi32> to vector<8x256xi32>
      %gt3A_432 = arith.cmpi ugt, %select_n3A_38, %gt3A_431 : vector<8x256xi32>
      %jit3A_433 = arith.constant 0.000000e+00 : f32
      %broadcast_in_dim3A_434 = vector.broadcast %jit3A_433 : f32 to vector<8x256xf32>
      %select_n3A_435 = arith.select %gt3A_432, %div3A_56, %broadcast_in_dim3A_434 : vector<8x256xi1>, vector<8x256xf32>
      %reduce_sum3A_436 = arith.constant dense<0.000000e+00> : vector<8xf32>
      %reduce_sum3A_437 = vector.multi_reduction <add>, %select_n3A_435, %reduce_sum3A_436 [1] : vector<8x256xf32> to vector<8xf32>
      %broadcast_in_dim3A_438 = vector.shape_cast %reduce_sum3A_437 : vector<8xf32> to vector<8x1xf32>
      %le3A_439 = arith.constant 0.899999976 : f32
      %le3A_440 = vector.broadcast %le3A_439 : f32 to vector<8x1xf32>
      %le3A_441 = arith.cmpf ole, %broadcast_in_dim3A_438, %le3A_440 : vector<8x1xf32>
      %select_n3A_442 = arith.select %le3A_441, %scan3A_424, %add3A_430 : vector<8x1xi1>, vector<8x1xi32>
      %select_n3A_443 = arith.select %le3A_441, %add3A_430, %scan3A_425 : vector<8x1xi1>, vector<8x1xi32>
      scf.yield %select_n3A_442, %select_n3A_443 : vector<8x1xi32>, vector<8x1xi32>
    }
    %gt3A = vector.broadcast %scan3A_61#1 : vector<8x1xi32> to vector<8x256xi32>
    %gt3A_62 = arith.cmpi ugt, %select_n3A_38, %gt3A : vector<8x256xi32>
    %eq3A_63 = vector.broadcast %scan3A_61#1 : vector<8x1xi32> to vector<8x256xi32>
    %eq3A_64 = arith.cmpi eq, %select_n3A_38, %eq3A_63 : vector<8x256xi32>
    %jit3A_65 = arith.constant 0.000000e+00 : f32
    %broadcast_in_dim3A_66 = vector.broadcast %jit3A_65 : f32 to vector<8x256xf32>
    %select_n3A_67 = arith.select %gt3A_62, %div3A_56, %broadcast_in_dim3A_66 : vector<8x256xi1>, vector<8x256xf32>
    %reduce_sum3A_68 = arith.constant dense<0.000000e+00> : vector<8xf32>
    %reduce_sum3A_69 = vector.multi_reduction <add>, %select_n3A_67, %reduce_sum3A_68 [1] : vector<8x256xf32> to vector<8xf32>
    %broadcast_in_dim3A_70 = vector.shape_cast %reduce_sum3A_69 : vector<8xf32> to vector<8x1xf32>
    %jit3A_71 = arith.constant 0.000000e+00 : f32
    %broadcast_in_dim3A_72 = vector.broadcast %jit3A_71 : f32 to vector<8x256xf32>
    %select_n3A_73 = arith.select %eq3A_64, %select_n3A_52, %broadcast_in_dim3A_72 : vector<8x256xi1>, vector<8x256xf32>
    %reduce_max3A = arith.constant dense<0xFF800000> : vector<8xf32>
    %reduce_max3A_74 = vector.multi_reduction <maximumf>, %select_n3A_73, %reduce_max3A [1] : vector<8x256xf32> to vector<8xf32>
    %broadcast_in_dim3A_75 = vector.shape_cast %reduce_max3A_74 : vector<8xf32> to vector<8x1xf32>
    %div3A_76 = arith.divf %broadcast_in_dim3A_75, %broadcast_in_dim3A_55 : vector<8x1xf32>
    %convert_element_type3A_77 = arith.extui %eq3A_64 : vector<8x256xi1> to vector<8x256xi32>
    %convert_element_type3A_78 = arith.sitofp %convert_element_type3A_77 : vector<8x256xi32> to vector<8x256xf32>
    %broadcast_in_dim3A_79 = arith.constant 1.000000e+00 : f32
    %broadcast_in_dim3A_80 = vector.broadcast %broadcast_in_dim3A_79 : f32 to vector<256x1xf32>
    %dot_general3A = arith.constant dense<0.000000e+00> : vector<8x1xf32>
    %dot_general3A_81 = tpu.matmul %convert_element_type3A_78, %broadcast_in_dim3A_80, %dot_general3A {dimension_numbers = #tpu.dot_dimension_numbers<[1], [0], [0], [1], [0, 0, 1, 1], [], []>, transpose_lhs_hint = false} : vector<8x256xf32>, vector<256x1xf32>, vector<8x1xf32> -> vector<8x1xf32>
    %convert_element_type3A_82 = arith.fptosi %dot_general3A_81 : vector<8x1xf32> to vector<8x1xi32>
    %broadcast_in_dim3A_83 = arith.constant 0 : i32
    %broadcast_in_dim3A_84 = vector.broadcast %broadcast_in_dim3A_83 : i32 to vector<8x1xi32>
    %scan3A_85 = arith.constant 0 : i32
    %scan3A_86 = arith.constant 64 : i32
    %scan3A_87 = arith.addi %scan3A_85, %scan3A_86 : i32
    %scan3A_88 = arith.constant 1 : i32
    %scan3A_89:2 = scf.for %scan3A_423 = %scan3A_85 to %scan3A_87 step %scan3A_88 iter_args(%scan3A_424 = %broadcast_in_dim3A_70, %scan3A_425 = %broadcast_in_dim3A_84) -> (vector<8x1xf32>, vector<8x1xi32>)  : i32 {
      %le3A_426 = arith.constant 0.899999976 : f32
      %le3A_427 = vector.broadcast %le3A_426 : f32 to vector<8x1xf32>
      %le3A_428 = arith.cmpf ole, %scan3A_424, %le3A_427 : vector<8x1xf32>
      %lt3A_429 = arith.cmpi slt, %scan3A_425, %convert_element_type3A_82 : vector<8x1xi32>
      %and3A_430 = arith.andi %le3A_428, %lt3A_429 : vector<8x1xi1>
      %add3A_431 = arith.addf %scan3A_424, %div3A_76 : vector<8x1xf32>
      %convert_element_type3A_432 = arith.extui %and3A_430 : vector<8x1xi1> to vector<8x1xi32>
      %add3A_433 = arith.addi %scan3A_425, %convert_element_type3A_432 : vector<8x1xi32>
      scf.yield %add3A_431, %add3A_433 : vector<8x1xf32>, vector<8x1xi32>
    }
    %convert_element_type3A_90 = arith.sitofp %scan3A_89#1 : vector<8x1xi32> to vector<8x1xf32>
    %broadcast_in_dim3A_91 = arith.constant -1 : i32
    %broadcast_in_dim3A_92 = vector.broadcast %broadcast_in_dim3A_91 : i32 to vector<8x1xi32>
    %broadcast_in_dim3A_93 = arith.constant 99999 : i32
    %broadcast_in_dim3A_94 = vector.broadcast %broadcast_in_dim3A_93 : i32 to vector<8x1xi32>
    %scan3A_95 = arith.constant 0 : i32
    %scan3A_96 = arith.constant 18 : i32
    %scan3A_97 = arith.addi %scan3A_95, %scan3A_96 : i32
    %scan3A_98 = arith.constant 1 : i32
    %scan3A_99:2 = scf.for %scan3A_423 = %scan3A_95 to %scan3A_97 step %scan3A_98 iter_args(%scan3A_424 = %broadcast_in_dim3A_92, %scan3A_425 = %broadcast_in_dim3A_94) -> (vector<8x1xi32>, vector<8x1xi32>)  : i32 {
      %sub3A_426 = arith.subi %scan3A_425, %scan3A_424 : vector<8x1xi32>
      %shift_right_arithmetic3A_427 = arith.constant 1 : i32
      %shift_right_arithmetic3A_428 = vector.broadcast %shift_right_arithmetic3A_427 : i32 to vector<8x1xi32>
      %shift_right_arithmetic3A_429 = arith.shrsi %sub3A_426, %shift_right_arithmetic3A_428 : vector<8x1xi32>
      %add3A_430 = arith.addi %scan3A_424, %shift_right_arithmetic3A_429 : vector<8x1xi32>
      %le3A_431 = vector.broadcast %add3A_430 : vector<8x1xi32> to vector<8x256xi32>
      %le3A_432 = arith.cmpi sle, %add3A, %le3A_431 : vector<8x256xi32>
      %and3A_433 = arith.andi %eq3A_64, %le3A_432 : vector<8x256xi1>
      %convert_element_type3A_434 = arith.extui %and3A_433 : vector<8x256xi1> to vector<8x256xi32>
      %convert_element_type3A_435 = arith.sitofp %convert_element_type3A_434 : vector<8x256xi32> to vector<8x256xf32>
      %broadcast_in_dim3A_436 = arith.constant 1.000000e+00 : f32
      %broadcast_in_dim3A_437 = vector.broadcast %broadcast_in_dim3A_436 : f32 to vector<256x1xf32>
      %dot_general3A_438 = arith.constant dense<0.000000e+00> : vector<8x1xf32>
      %dot_general3A_439 = tpu.matmul %convert_element_type3A_435, %broadcast_in_dim3A_437, %dot_general3A_438 {dimension_numbers = #tpu.dot_dimension_numbers<[1], [0], [0], [1], [0, 0, 1, 1], [], []>, transpose_lhs_hint = false} : vector<8x256xf32>, vector<256x1xf32>, vector<8x1xf32> -> vector<8x1xf32>
      %ge3A_440 = arith.cmpf oge, %dot_general3A_439, %convert_element_type3A_90 : vector<8x1xf32>
      %select_n3A_441 = arith.select %ge3A_440, %scan3A_424, %add3A_430 : vector<8x1xi1>, vector<8x1xi32>
      %select_n3A_442 = arith.select %ge3A_440, %add3A_430, %scan3A_425 : vector<8x1xi1>, vector<8x1xi32>
      scf.yield %select_n3A_441, %select_n3A_442 : vector<8x1xi32>, vector<8x1xi32>
    }
    %le3A = vector.broadcast %scan3A_99#1 : vector<8x1xi32> to vector<8x256xi32>
    %le3A_100 = arith.cmpi sle, %add3A, %le3A : vector<8x256xi32>
    %and3A_101 = arith.andi %eq3A_64, %le3A_100 : vector<8x256xi1>
    %or3A_102 = arith.ori %gt3A_62, %and3A_101 : vector<8x256xi1>
    %jit3A_103 = arith.constant 0.000000e+00 : f32
    %broadcast_in_dim3A_104 = vector.broadcast %jit3A_103 : f32 to vector<8x256xf32>
    %select_n3A_105 = arith.select %or3A_102, %select_n3A_52, %broadcast_in_dim3A_104 : vector<8x256xi1>, vector<8x256xf32>
    %reduce_sum3A_106 = arith.constant dense<0.000000e+00> : vector<8xf32>
    %reduce_sum3A_107 = vector.multi_reduction <add>, %select_n3A_105, %reduce_sum3A_106 [1] : vector<8x256xf32> to vector<8xf32>
    %broadcast_in_dim3A_108 = vector.shape_cast %reduce_sum3A_107 : vector<8xf32> to vector<8x1xf32>
    %iota3A_109 = tpu.iota {dimensions = array<i32: 0>} : vector<8x256xi32>
    %mul3A_110 = arith.constant 8 : i32
    %mul3A_111 = arith.muli %arg0, %mul3A_110 : i32
    %add3A_112 = vector.broadcast %mul3A_111 : i32 to vector<8x256xi32>
    %add3A_113 = arith.addi %add3A_112, %iota3A_109 : vector<8x256xi32>
    %mul3A_114 = arith.constant 100000 : i32
    %mul3A_115 = vector.broadcast %mul3A_114 : i32 to vector<8x256xi32>
    %mul3A_116 = arith.muli %add3A_113, %mul3A_115 : vector<8x256xi32>
    %add3A_117 = arith.addi %mul3A_116, %add3A : vector<8x256xi32>
    %broadcast_in_dim3A_118 = arith.constant 0 : i32
    %broadcast_in_dim3A_119 = vector.broadcast %broadcast_in_dim3A_118 : i32 to vector<8x256xi32>
    %add3A_120 = arith.constant 0 : i32
    %add3A_121 = vector.broadcast %add3A_120 : i32 to vector<8x256xi32>
    %add3A_122 = arith.addi %broadcast_in_dim3A_119, %add3A_121 : vector<8x256xi32>
    %add3A_123 = arith.constant 42 : i32
    %add3A_124 = vector.broadcast %add3A_123 : i32 to vector<8x256xi32>
    %add3A_125 = arith.addi %add3A_117, %add3A_124 : vector<8x256xi32>
    %add3A_126 = arith.addi %add3A_122, %add3A_125 : vector<8x256xi32>
    %shift_left3A = arith.constant 13 : i32
    %shift_left3A_127 = vector.broadcast %shift_left3A : i32 to vector<8x256xi32>
    %shift_left3A_128 = arith.shli %add3A_125, %shift_left3A_127 : vector<8x256xi32>
    %shift_right_logical3A_129 = arith.constant 19 : i32
    %shift_right_logical3A_130 = vector.broadcast %shift_right_logical3A_129 : i32 to vector<8x256xi32>
    %shift_right_logical3A_131 = arith.shrui %add3A_125, %shift_right_logical3A_130 : vector<8x256xi32>
    %or3A_132 = arith.ori %shift_left3A_128, %shift_right_logical3A_131 : vector<8x256xi32>
    %xor3A = arith.xori %or3A_132, %add3A_126 : vector<8x256xi32>
    %add3A_133 = arith.addi %add3A_126, %xor3A : vector<8x256xi32>
    %shift_left3A_134 = arith.constant 15 : i32
    %shift_left3A_135 = vector.broadcast %shift_left3A_134 : i32 to vector<8x256xi32>
    %shift_left3A_136 = arith.shli %xor3A, %shift_left3A_135 : vector<8x256xi32>
    %shift_right_logical3A_137 = arith.constant 17 : i32
    %shift_right_logical3A_138 = vector.broadcast %shift_right_logical3A_137 : i32 to vector<8x256xi32>
    %shift_right_logical3A_139 = arith.shrui %xor3A, %shift_right_logical3A_138 : vector<8x256xi32>
    %or3A_140 = arith.ori %shift_left3A_136, %shift_right_logical3A_139 : vector<8x256xi32>
    %xor3A_141 = arith.xori %or3A_140, %add3A_133 : vector<8x256xi32>
    %add3A_142 = arith.addi %add3A_133, %xor3A_141 : vector<8x256xi32>
    %shift_left3A_143 = arith.constant 26 : i32
    %shift_left3A_144 = vector.broadcast %shift_left3A_143 : i32 to vector<8x256xi32>
    %shift_left3A_145 = arith.shli %xor3A_141, %shift_left3A_144 : vector<8x256xi32>
    %shift_right_logical3A_146 = arith.constant 6 : i32
    %shift_right_logical3A_147 = vector.broadcast %shift_right_logical3A_146 : i32 to vector<8x256xi32>
    %shift_right_logical3A_148 = arith.shrui %xor3A_141, %shift_right_logical3A_147 : vector<8x256xi32>
    %or3A_149 = arith.ori %shift_left3A_145, %shift_right_logical3A_148 : vector<8x256xi32>
    %xor3A_150 = arith.xori %or3A_149, %add3A_142 : vector<8x256xi32>
    %add3A_151 = arith.addi %add3A_142, %xor3A_150 : vector<8x256xi32>
    %shift_left3A_152 = arith.constant 6 : i32
    %shift_left3A_153 = vector.broadcast %shift_left3A_152 : i32 to vector<8x256xi32>
    %shift_left3A_154 = arith.shli %xor3A_150, %shift_left3A_153 : vector<8x256xi32>
    %shift_right_logical3A_155 = arith.constant 26 : i32
    %shift_right_logical3A_156 = vector.broadcast %shift_right_logical3A_155 : i32 to vector<8x256xi32>
    %shift_right_logical3A_157 = arith.shrui %xor3A_150, %shift_right_logical3A_156 : vector<8x256xi32>
    %or3A_158 = arith.ori %shift_left3A_154, %shift_right_logical3A_157 : vector<8x256xi32>
    %xor3A_159 = arith.xori %or3A_158, %add3A_151 : vector<8x256xi32>
    %add3A_160 = arith.constant 42 : i32
    %add3A_161 = vector.broadcast %add3A_160 : i32 to vector<8x256xi32>
    %add3A_162 = arith.addi %add3A_151, %add3A_161 : vector<8x256xi32>
    %add3A_163 = arith.constant 466689008 : i32
    %add3A_164 = vector.broadcast %add3A_163 : i32 to vector<8x256xi32>
    %add3A_165 = arith.addi %xor3A_159, %add3A_164 : vector<8x256xi32>
    %add3A_166 = arith.constant 1 : i32
    %add3A_167 = vector.broadcast %add3A_166 : i32 to vector<8x256xi32>
    %add3A_168 = arith.addi %add3A_165, %add3A_167 : vector<8x256xi32>
    %add3A_169 = arith.addi %add3A_162, %add3A_168 : vector<8x256xi32>
    %shift_left3A_170 = arith.constant 17 : i32
    %shift_left3A_171 = vector.broadcast %shift_left3A_170 : i32 to vector<8x256xi32>
    %shift_left3A_172 = arith.shli %add3A_168, %shift_left3A_171 : vector<8x256xi32>
    %shift_right_logical3A_173 = arith.constant 15 : i32
    %shift_right_logical3A_174 = vector.broadcast %shift_right_logical3A_173 : i32 to vector<8x256xi32>
    %shift_right_logical3A_175 = arith.shrui %add3A_168, %shift_right_logical3A_174 : vector<8x256xi32>
    %or3A_176 = arith.ori %shift_left3A_172, %shift_right_logical3A_175 : vector<8x256xi32>
    %xor3A_177 = arith.xori %or3A_176, %add3A_169 : vector<8x256xi32>
    %add3A_178 = arith.addi %add3A_169, %xor3A_177 : vector<8x256xi32>
    %shift_left3A_179 = arith.constant 29 : i32
    %shift_left3A_180 = vector.broadcast %shift_left3A_179 : i32 to vector<8x256xi32>
    %shift_left3A_181 = arith.shli %xor3A_177, %shift_left3A_180 : vector<8x256xi32>
    %shift_right_logical3A_182 = arith.constant 3 : i32
    %shift_right_logical3A_183 = vector.broadcast %shift_right_logical3A_182 : i32 to vector<8x256xi32>
    %shift_right_logical3A_184 = arith.shrui %xor3A_177, %shift_right_logical3A_183 : vector<8x256xi32>
    %or3A_185 = arith.ori %shift_left3A_181, %shift_right_logical3A_184 : vector<8x256xi32>
    %xor3A_186 = arith.xori %or3A_185, %add3A_178 : vector<8x256xi32>
    %add3A_187 = arith.addi %add3A_178, %xor3A_186 : vector<8x256xi32>
    %shift_left3A_188 = arith.constant 16 : i32
    %shift_left3A_189 = vector.broadcast %shift_left3A_188 : i32 to vector<8x256xi32>
    %shift_left3A_190 = arith.shli %xor3A_186, %shift_left3A_189 : vector<8x256xi32>
    %shift_right_logical3A_191 = arith.constant 16 : i32
    %shift_right_logical3A_192 = vector.broadcast %shift_right_logical3A_191 : i32 to vector<8x256xi32>
    %shift_right_logical3A_193 = arith.shrui %xor3A_186, %shift_right_logical3A_192 : vector<8x256xi32>
    %or3A_194 = arith.ori %shift_left3A_190, %shift_right_logical3A_193 : vector<8x256xi32>
    %xor3A_195 = arith.xori %or3A_194, %add3A_187 : vector<8x256xi32>
    %add3A_196 = arith.addi %add3A_187, %xor3A_195 : vector<8x256xi32>
    %shift_left3A_197 = arith.constant 24 : i32
    %shift_left3A_198 = vector.broadcast %shift_left3A_197 : i32 to vector<8x256xi32>
    %shift_left3A_199 = arith.shli %xor3A_195, %shift_left3A_198 : vector<8x256xi32>
    %shift_right_logical3A_200 = arith.constant 8 : i32
    %shift_right_logical3A_201 = vector.broadcast %shift_right_logical3A_200 : i32 to vector<8x256xi32>
    %shift_right_logical3A_202 = arith.shrui %xor3A_195, %shift_right_logical3A_201 : vector<8x256xi32>
    %or3A_203 = arith.ori %shift_left3A_199, %shift_right_logical3A_202 : vector<8x256xi32>
    %xor3A_204 = arith.xori %or3A_203, %add3A_196 : vector<8x256xi32>
    %add3A_205 = arith.constant 466689008 : i32
    %add3A_206 = vector.broadcast %add3A_205 : i32 to vector<8x256xi32>
    %add3A_207 = arith.addi %add3A_196, %add3A_206 : vector<8x256xi32>
    %add3A_208 = arith.constant 0 : i32
    %add3A_209 = vector.broadcast %add3A_208 : i32 to vector<8x256xi32>
    %add3A_210 = arith.addi %xor3A_204, %add3A_209 : vector<8x256xi32>
    %add3A_211 = arith.constant 2 : i32
    %add3A_212 = vector.broadcast %add3A_211 : i32 to vector<8x256xi32>
    %add3A_213 = arith.addi %add3A_210, %add3A_212 : vector<8x256xi32>
    %add3A_214 = arith.addi %add3A_207, %add3A_213 : vector<8x256xi32>
    %shift_left3A_215 = arith.constant 13 : i32
    %shift_left3A_216 = vector.broadcast %shift_left3A_215 : i32 to vector<8x256xi32>
    %shift_left3A_217 = arith.shli %add3A_213, %shift_left3A_216 : vector<8x256xi32>
    %shift_right_logical3A_218 = arith.constant 19 : i32
    %shift_right_logical3A_219 = vector.broadcast %shift_right_logical3A_218 : i32 to vector<8x256xi32>
    %shift_right_logical3A_220 = arith.shrui %add3A_213, %shift_right_logical3A_219 : vector<8x256xi32>
    %or3A_221 = arith.ori %shift_left3A_217, %shift_right_logical3A_220 : vector<8x256xi32>
    %xor3A_222 = arith.xori %or3A_221, %add3A_214 : vector<8x256xi32>
    %add3A_223 = arith.addi %add3A_214, %xor3A_222 : vector<8x256xi32>
    %shift_left3A_224 = arith.constant 15 : i32
    %shift_left3A_225 = vector.broadcast %shift_left3A_224 : i32 to vector<8x256xi32>
    %shift_left3A_226 = arith.shli %xor3A_222, %shift_left3A_225 : vector<8x256xi32>
    %shift_right_logical3A_227 = arith.constant 17 : i32
    %shift_right_logical3A_228 = vector.broadcast %shift_right_logical3A_227 : i32 to vector<8x256xi32>
    %shift_right_logical3A_229 = arith.shrui %xor3A_222, %shift_right_logical3A_228 : vector<8x256xi32>
    %or3A_230 = arith.ori %shift_left3A_226, %shift_right_logical3A_229 : vector<8x256xi32>
    %xor3A_231 = arith.xori %or3A_230, %add3A_223 : vector<8x256xi32>
    %add3A_232 = arith.addi %add3A_223, %xor3A_231 : vector<8x256xi32>
    %shift_left3A_233 = arith.constant 26 : i32
    %shift_left3A_234 = vector.broadcast %shift_left3A_233 : i32 to vector<8x256xi32>
    %shift_left3A_235 = arith.shli %xor3A_231, %shift_left3A_234 : vector<8x256xi32>
    %shift_right_logical3A_236 = arith.constant 6 : i32
    %shift_right_logical3A_237 = vector.broadcast %shift_right_logical3A_236 : i32 to vector<8x256xi32>
    %shift_right_logical3A_238 = arith.shrui %xor3A_231, %shift_right_logical3A_237 : vector<8x256xi32>
    %or3A_239 = arith.ori %shift_left3A_235, %shift_right_logical3A_238 : vector<8x256xi32>
    %xor3A_240 = arith.xori %or3A_239, %add3A_232 : vector<8x256xi32>
    %add3A_241 = arith.addi %add3A_232, %xor3A_240 : vector<8x256xi32>
    %shift_left3A_242 = arith.constant 6 : i32
    %shift_left3A_243 = vector.broadcast %shift_left3A_242 : i32 to vector<8x256xi32>
    %shift_left3A_244 = arith.shli %xor3A_240, %shift_left3A_243 : vector<8x256xi32>
    %shift_right_logical3A_245 = arith.constant 26 : i32
    %shift_right_logical3A_246 = vector.broadcast %shift_right_logical3A_245 : i32 to vector<8x256xi32>
    %shift_right_logical3A_247 = arith.shrui %xor3A_240, %shift_right_logical3A_246 : vector<8x256xi32>
    %or3A_248 = arith.ori %shift_left3A_244, %shift_right_logical3A_247 : vector<8x256xi32>
    %xor3A_249 = arith.xori %or3A_248, %add3A_241 : vector<8x256xi32>
    %add3A_250 = arith.constant 0 : i32
    %add3A_251 = vector.broadcast %add3A_250 : i32 to vector<8x256xi32>
    %add3A_252 = arith.addi %add3A_241, %add3A_251 : vector<8x256xi32>
    %add3A_253 = arith.constant 42 : i32
    %add3A_254 = vector.broadcast %add3A_253 : i32 to vector<8x256xi32>
    %add3A_255 = arith.addi %xor3A_249, %add3A_254 : vector<8x256xi32>
    %add3A_256 = arith.constant 3 : i32
    %add3A_257 = vector.broadcast %add3A_256 : i32 to vector<8x256xi32>
    %add3A_258 = arith.addi %add3A_255, %add3A_257 : vector<8x256xi32>
    %add3A_259 = arith.addi %add3A_252, %add3A_258 : vector<8x256xi32>
    %shift_left3A_260 = arith.constant 17 : i32
    %shift_left3A_261 = vector.broadcast %shift_left3A_260 : i32 to vector<8x256xi32>
    %shift_left3A_262 = arith.shli %add3A_258, %shift_left3A_261 : vector<8x256xi32>
    %shift_right_logical3A_263 = arith.constant 15 : i32
    %shift_right_logical3A_264 = vector.broadcast %shift_right_logical3A_263 : i32 to vector<8x256xi32>
    %shift_right_logical3A_265 = arith.shrui %add3A_258, %shift_right_logical3A_264 : vector<8x256xi32>
    %or3A_266 = arith.ori %shift_left3A_262, %shift_right_logical3A_265 : vector<8x256xi32>
    %xor3A_267 = arith.xori %or3A_266, %add3A_259 : vector<8x256xi32>
    %add3A_268 = arith.addi %add3A_259, %xor3A_267 : vector<8x256xi32>
    %shift_left3A_269 = arith.constant 29 : i32
    %shift_left3A_270 = vector.broadcast %shift_left3A_269 : i32 to vector<8x256xi32>
    %shift_left3A_271 = arith.shli %xor3A_267, %shift_left3A_270 : vector<8x256xi32>
    %shift_right_logical3A_272 = arith.constant 3 : i32
    %shift_right_logical3A_273 = vector.broadcast %shift_right_logical3A_272 : i32 to vector<8x256xi32>
    %shift_right_logical3A_274 = arith.shrui %xor3A_267, %shift_right_logical3A_273 : vector<8x256xi32>
    %or3A_275 = arith.ori %shift_left3A_271, %shift_right_logical3A_274 : vector<8x256xi32>
    %xor3A_276 = arith.xori %or3A_275, %add3A_268 : vector<8x256xi32>
    %add3A_277 = arith.addi %add3A_268, %xor3A_276 : vector<8x256xi32>
    %shift_left3A_278 = arith.constant 16 : i32
    %shift_left3A_279 = vector.broadcast %shift_left3A_278 : i32 to vector<8x256xi32>
    %shift_left3A_280 = arith.shli %xor3A_276, %shift_left3A_279 : vector<8x256xi32>
    %shift_right_logical3A_281 = arith.constant 16 : i32
    %shift_right_logical3A_282 = vector.broadcast %shift_right_logical3A_281 : i32 to vector<8x256xi32>
    %shift_right_logical3A_283 = arith.shrui %xor3A_276, %shift_right_logical3A_282 : vector<8x256xi32>
    %or3A_284 = arith.ori %shift_left3A_280, %shift_right_logical3A_283 : vector<8x256xi32>
    %xor3A_285 = arith.xori %or3A_284, %add3A_277 : vector<8x256xi32>
    %add3A_286 = arith.addi %add3A_277, %xor3A_285 : vector<8x256xi32>
    %shift_left3A_287 = arith.constant 24 : i32
    %shift_left3A_288 = vector.broadcast %shift_left3A_287 : i32 to vector<8x256xi32>
    %shift_left3A_289 = arith.shli %xor3A_285, %shift_left3A_288 : vector<8x256xi32>
    %shift_right_logical3A_290 = arith.constant 8 : i32
    %shift_right_logical3A_291 = vector.broadcast %shift_right_logical3A_290 : i32 to vector<8x256xi32>
    %shift_right_logical3A_292 = arith.shrui %xor3A_285, %shift_right_logical3A_291 : vector<8x256xi32>
    %or3A_293 = arith.ori %shift_left3A_289, %shift_right_logical3A_292 : vector<8x256xi32>
    %xor3A_294 = arith.xori %or3A_293, %add3A_286 : vector<8x256xi32>
    %add3A_295 = arith.constant 42 : i32
    %add3A_296 = vector.broadcast %add3A_295 : i32 to vector<8x256xi32>
    %add3A_297 = arith.addi %add3A_286, %add3A_296 : vector<8x256xi32>
    %add3A_298 = arith.constant 466689008 : i32
    %add3A_299 = vector.broadcast %add3A_298 : i32 to vector<8x256xi32>
    %add3A_300 = arith.addi %xor3A_294, %add3A_299 : vector<8x256xi32>
    %add3A_301 = arith.constant 4 : i32
    %add3A_302 = vector.broadcast %add3A_301 : i32 to vector<8x256xi32>
    %add3A_303 = arith.addi %add3A_300, %add3A_302 : vector<8x256xi32>
    %add3A_304 = arith.addi %add3A_297, %add3A_303 : vector<8x256xi32>
    %shift_left3A_305 = arith.constant 13 : i32
    %shift_left3A_306 = vector.broadcast %shift_left3A_305 : i32 to vector<8x256xi32>
    %shift_left3A_307 = arith.shli %add3A_303, %shift_left3A_306 : vector<8x256xi32>
    %shift_right_logical3A_308 = arith.constant 19 : i32
    %shift_right_logical3A_309 = vector.broadcast %shift_right_logical3A_308 : i32 to vector<8x256xi32>
    %shift_right_logical3A_310 = arith.shrui %add3A_303, %shift_right_logical3A_309 : vector<8x256xi32>
    %or3A_311 = arith.ori %shift_left3A_307, %shift_right_logical3A_310 : vector<8x256xi32>
    %xor3A_312 = arith.xori %or3A_311, %add3A_304 : vector<8x256xi32>
    %add3A_313 = arith.addi %add3A_304, %xor3A_312 : vector<8x256xi32>
    %shift_left3A_314 = arith.constant 15 : i32
    %shift_left3A_315 = vector.broadcast %shift_left3A_314 : i32 to vector<8x256xi32>
    %shift_left3A_316 = arith.shli %xor3A_312, %shift_left3A_315 : vector<8x256xi32>
    %shift_right_logical3A_317 = arith.constant 17 : i32
    %shift_right_logical3A_318 = vector.broadcast %shift_right_logical3A_317 : i32 to vector<8x256xi32>
    %shift_right_logical3A_319 = arith.shrui %xor3A_312, %shift_right_logical3A_318 : vector<8x256xi32>
    %or3A_320 = arith.ori %shift_left3A_316, %shift_right_logical3A_319 : vector<8x256xi32>
    %xor3A_321 = arith.xori %or3A_320, %add3A_313 : vector<8x256xi32>
    %add3A_322 = arith.addi %add3A_313, %xor3A_321 : vector<8x256xi32>
    %shift_left3A_323 = arith.constant 26 : i32
    %shift_left3A_324 = vector.broadcast %shift_left3A_323 : i32 to vector<8x256xi32>
    %shift_left3A_325 = arith.shli %xor3A_321, %shift_left3A_324 : vector<8x256xi32>
    %shift_right_logical3A_326 = arith.constant 6 : i32
    %shift_right_logical3A_327 = vector.broadcast %shift_right_logical3A_326 : i32 to vector<8x256xi32>
    %shift_right_logical3A_328 = arith.shrui %xor3A_321, %shift_right_logical3A_327 : vector<8x256xi32>
    %or3A_329 = arith.ori %shift_left3A_325, %shift_right_logical3A_328 : vector<8x256xi32>
    %xor3A_330 = arith.xori %or3A_329, %add3A_322 : vector<8x256xi32>
    %add3A_331 = arith.addi %add3A_322, %xor3A_330 : vector<8x256xi32>
    %shift_left3A_332 = arith.constant 6 : i32
    %shift_left3A_333 = vector.broadcast %shift_left3A_332 : i32 to vector<8x256xi32>
    %shift_left3A_334 = arith.shli %xor3A_330, %shift_left3A_333 : vector<8x256xi32>
    %shift_right_logical3A_335 = arith.constant 26 : i32
    %shift_right_logical3A_336 = vector.broadcast %shift_right_logical3A_335 : i32 to vector<8x256xi32>
    %shift_right_logical3A_337 = arith.shrui %xor3A_330, %shift_right_logical3A_336 : vector<8x256xi32>
    %or3A_338 = arith.ori %shift_left3A_334, %shift_right_logical3A_337 : vector<8x256xi32>
    %xor3A_339 = arith.xori %or3A_338, %add3A_331 : vector<8x256xi32>
    %add3A_340 = arith.constant 466689008 : i32
    %add3A_341 = vector.broadcast %add3A_340 : i32 to vector<8x256xi32>
    %add3A_342 = arith.addi %add3A_331, %add3A_341 : vector<8x256xi32>
    %add3A_343 = arith.constant 0 : i32
    %add3A_344 = vector.broadcast %add3A_343 : i32 to vector<8x256xi32>
    %add3A_345 = arith.addi %xor3A_339, %add3A_344 : vector<8x256xi32>
    %add3A_346 = arith.constant 5 : i32
    %add3A_347 = vector.broadcast %add3A_346 : i32 to vector<8x256xi32>
    %add3A_348 = arith.addi %add3A_345, %add3A_347 : vector<8x256xi32>
    %xor3A_349 = arith.xori %add3A_342, %add3A_348 : vector<8x256xi32>
    %shift_right_logical3A_350 = arith.constant 9 : i32
    %shift_right_logical3A_351 = vector.broadcast %shift_right_logical3A_350 : i32 to vector<8x256xi32>
    %shift_right_logical3A_352 = arith.shrui %xor3A_349, %shift_right_logical3A_351 : vector<8x256xi32>
    %or3A_353 = arith.constant 1065353216 : i32
    %or3A_354 = vector.broadcast %or3A_353 : i32 to vector<8x256xi32>
    %or3A_355 = arith.ori %shift_right_logical3A_352, %or3A_354 : vector<8x256xi32>
    %bitcast_convert_type3A_356 = tpu.bitcast %or3A_355 : vector<8x256xi32> -> vector<8x256xf32>
    %sub3A_357 = arith.constant 1.000000e+00 : f32
    %sub3A_358 = vector.broadcast %sub3A_357 : f32 to vector<8x256xf32>
    %sub3A_359 = arith.subf %bitcast_convert_type3A_356, %sub3A_358 : vector<8x256xf32>
    %add3A_360 = arith.constant 1.17549435E-38 : f32
    %add3A_361 = vector.broadcast %add3A_360 : f32 to vector<8x256xf32>
    %add3A_362 = arith.addf %sub3A_359, %add3A_361 : vector<8x256xf32>
    %max3A = arith.constant 1.17549435E-38 : f32
    %max3A_363 = vector.broadcast %max3A : f32 to vector<8x256xf32>
    %max3A_364 = arith.maximumf %max3A_363, %add3A_362 : vector<8x256xf32>
    %log3A = math.log %max3A_364 : vector<8x256xf32>
    %neg3A = arith.constant 0.000000e+00 : f32
    %neg3A_365 = vector.broadcast %neg3A : f32 to vector<8x256xf32>
    %neg3A_366 = arith.subf %neg3A_365, %log3A : vector<8x256xf32>
    %log3A_367 = math.log %neg3A_366 : vector<8x256xf32>
    %neg3A_368 = arith.constant 0.000000e+00 : f32
    %neg3A_369 = vector.broadcast %neg3A_368 : f32 to vector<8x256xf32>
    %neg3A_370 = arith.subf %neg3A_369, %log3A_367 : vector<8x256xf32>
    %add3A_371 = arith.addf %get3A_3, %neg3A_370 : vector<8x256xf32>
    %jit3A_372 = arith.constant 0xFF800000 : f32
    %broadcast_in_dim3A_373 = vector.broadcast %jit3A_372 : f32 to vector<8x256xf32>
    %select_n3A_374 = arith.select %or3A_102, %add3A_371, %broadcast_in_dim3A_373 : vector<8x256xi1>, vector<8x256xf32>
    %reduce_max3A_375 = arith.constant dense<0xFF800000> : vector<8xf32>
    %reduce_max3A_376 = vector.multi_reduction <maximumf>, %select_n3A_374, %reduce_max3A_375 [1] : vector<8x256xf32> to vector<8xf32>
    %broadcast_in_dim3A_377 = vector.shape_cast %reduce_max3A_376 : vector<8xf32> to vector<8x1xf32>
    %eq3A_378 = vector.broadcast %broadcast_in_dim3A_377 : vector<8x1xf32> to vector<8x256xf32>
    %eq3A_379 = arith.cmpf oeq, %select_n3A_374, %eq3A_378 : vector<8x256xf32>
    %jit3A_380 = arith.constant 100000 : i32
    %broadcast_in_dim3A_381 = vector.broadcast %jit3A_380 : i32 to vector<8x256xi32>
    %select_n3A_382 = arith.select %eq3A_379, %add3A, %broadcast_in_dim3A_381 : vector<8x256xi1>, vector<8x256xi32>
    %reduce_min3A = arith.constant dense<2147483647> : vector<8xi32>
    %reduce_min3A_383 = vector.multi_reduction <minsi>, %select_n3A_382, %reduce_min3A [1] : vector<8x256xi32> to vector<8xi32>
    %broadcast_in_dim3A_384 = vector.shape_cast %reduce_min3A_383 : vector<8xi32> to vector<8x1xi32>
    %swap3A = arith.constant 0 : index
    %swap3A_385 = arith.constant 0 : index
    %swap3A_386 = vector.load %arg8[%swap3A, %swap3A_385] : memref<8x1xi32, #tpu.memory_space<vmem>>, vector<8x1xi32>
    tpu.vector_store %arg8[%swap3A, %swap3A_385], %broadcast_in_dim3A_384 {strides = array<i32>} : memref<8x1xi32, #tpu.memory_space<vmem>>, vector<8x1xi32>,
    %get3A_387 = arith.constant 0 : index
    %get3A_388 = arith.constant 0 : index
    %get3A_389 = vector.load %arg2[%get3A_387, %get3A_388] : memref<8x100000xf32, #tpu.memory_space<vmem>>, vector<8x100000xf32>
    %bitcast_convert_type3A_390 = tpu.bitcast %get3A_389 : vector<8x100000xf32> -> vector<8x100000xi32>
    %shift_right_logical3A_391 = arith.constant 31 : i32
    %shift_right_logical3A_392 = vector.broadcast %shift_right_logical3A_391 : i32 to vector<8x100000xi32>
    %shift_right_logical3A_393 = arith.shrui %bitcast_convert_type3A_390, %shift_right_logical3A_392 : vector<8x100000xi32>
    %eq3A_394 = arith.constant 1 : i32
    %eq3A_395 = vector.broadcast %eq3A_394 : i32 to vector<8x100000xi32>
    %eq3A_396 = arith.cmpi eq, %shift_right_logical3A_393, %eq3A_395 : vector<8x100000xi32>
    %not3A_397 = arith.constant dense<-1> : vector<8x100000xi32>
    %not3A_398 = arith.xori %bitcast_convert_type3A_390, %not3A_397 : vector<8x100000xi32>
    %or3A_399 = arith.constant -2147483648 : i32
    %or3A_400 = vector.broadcast %or3A_399 : i32 to vector<8x100000xi32>
    %or3A_401 = arith.ori %bitcast_convert_type3A_390, %or3A_400 : vector<8x100000xi32>
    %select_n3A_402 = arith.select %eq3A_396, %not3A_398, %or3A_401 : vector<8x100000xi1>, vector<8x100000xi32>
    %iota3A_403 = tpu.iota {dimensions = array<i32: 1>} : vector<8x100000xi32>
    %gt3A_404 = vector.broadcast %scan3A_61#1 : vector<8x1xi32> to vector<8x100000xi32>
    %gt3A_405 = arith.cmpi ugt, %select_n3A_402, %gt3A_404 : vector<8x100000xi32>
    %eq3A_406 = vector.broadcast %scan3A_61#1 : vector<8x1xi32> to vector<8x100000xi32>
    %eq3A_407 = arith.cmpi eq, %select_n3A_402, %eq3A_406 : vector<8x100000xi32>
    %le3A_408 = vector.broadcast %scan3A_99#1 : vector<8x1xi32> to vector<8x100000xi32>
    %le3A_409 = arith.cmpi sle, %iota3A_403, %le3A_408 : vector<8x100000xi32>
    %and3A_410 = arith.andi %eq3A_407, %le3A_409 : vector<8x100000xi1>
    %or3A_411 = arith.ori %gt3A_405, %and3A_410 : vector<8x100000xi1>
    %sub3A_412 = vector.broadcast %get3A_15 : vector<8x1xf32> to vector<8x100000xf32>
    %sub3A_413 = arith.subf %get3A_389, %sub3A_412 : vector<8x100000xf32>
    %exp3A_414 = math.exp %sub3A_413 : vector<8x100000xf32>
    %div3A_415 = vector.broadcast %broadcast_in_dim3A_108 : vector<8x1xf32> to vector<8x100000xf32>
    %div3A_416 = arith.divf %exp3A_414, %div3A_415 : vector<8x100000xf32>
    %jit3A_417 = arith.constant 0.000000e+00 : f32
    %broadcast_in_dim3A_418 = vector.broadcast %jit3A_417 : f32 to vector<8x100000xf32>
    %select_n3A_419 = arith.select %or3A_411, %div3A_416, %broadcast_in_dim3A_418 : vector<8x100000xi1>, vector<8x100000xf32>
    %swap3A_420 = arith.constant 0 : index
    %swap3A_421 = arith.constant 0 : index
    %swap3A_422 = vector.load %arg9[%swap3A_420, %swap3A_421] : memref<8x100000xf32, #tpu.memory_space<vmem>>, vector<8x100000xf32>
    tpu.vector_store %arg9[%swap3A_420, %swap3A_421], %select_n3A_419 {strides = array<i32>} : memref<8x100000xf32, #tpu.memory_space<vmem>>, vector<8x100000xf32>,
    return
  }
  func.func @transform_0(%arg0: i32, %arg1: memref<1xi32, #tpu.memory_space<smem>>) -> (i32, i32) {
    %c0_i32 = arith.constant 0 : i32
    %c0_i32_0 = arith.constant 0 : i32
    return %arg0, %c0_i32 : i32, i32
  }
  func.func @transform_1(%arg0: i32, %arg1: memref<1xi32, #tpu.memory_space<smem>>) -> (i32, i32) {
    %c0_i32 = arith.constant 0 : i32
    %c0_i32_0 = arith.constant 0 : i32
    return %arg0, %c0_i32 : i32, i32
  }
  func.func @transform_2(%arg0: i32, %arg1: memref<1xi32, #tpu.memory_space<smem>>) -> (i32, i32) {
    %c0_i32 = arith.constant 0 : i32
    %c0_i32_0 = arith.constant 0 : i32
    return %arg0, %c0_i32 : i32, i32
  }
  func.func @transform_3(%arg0: i32, %arg1: memref<1xi32, #tpu.memory_space<smem>>) -> (i32, i32) {
    %c0_i32 = arith.constant 0 : i32
    %c0_i32_0 = arith.constant 0 : i32
    return %arg0, %c0_i32 : i32, i32
  }
  func.func @transform_4(%arg0: i32, %arg1: memref<1xi32, #tpu.memory_space<smem>>) -> (i32, i32) {
    %c0_i32 = arith.constant 0 : i32
    %c0_i32_0 = arith.constant 0 : i32
    return %arg0, %c0_i32 : i32, i32
  }
  func.func @transform_5(%arg0: i32, %arg1: memref<1xi32, #tpu.memory_space<smem>>) -> (i32, i32) {
    %c0_i32 = arith.constant 0 : i32
    %c0_i32_0 = arith.constant 0 : i32
    return %arg0, %c0_i32 : i32, i32
  }
  func.func @transform_6(%arg0: i32, %arg1: memref<1xi32, #tpu.memory_space<smem>>) -> (i32, i32) {
    %c0_i32 = arith.constant 0 : i32
    %c0_i32_0 = arith.constant 0 : i32
    return %arg0, %c0_i32 : i32, i32
  }
  func.func @transform_7(%arg0: i32, %arg1: memref<1xi32, #tpu.memory_space<smem>>) -> (i32, i32) {
    %c0_i32 = arith.constant 0 : i32
    %c0_i32_0 = arith.constant 0 : i32
    return %arg0, %c0_i32 : i32, i32
  }
}

</mosaic_0001>

<sc_bundles>
// kernel: kernel.5.cloned.1.call-start
scs
__scs_entry_jumppad:
0x0: {  	(pc) =	sbr.rel $0x88, $3  }
0x1: {  	(tag) =	ssettag $0x0;
	lr =	simm.s32 $0x1  }
0x2: {  	[smem:$0x3F9F] =	sst lr;
	_ =	strace $0xD0000000  }
0x3: {  	_ = 	snop  }
0x4: {  	_ = 	snop  }
0x5: {  	_ = 	snop  }
0x6: {  	_ = 	snop  }
0x7: {  	_ = 	snop  }
__scs_overlays_trampoline_lowered:
0x8: {  	[smem:$0x3FAE] =	sst s0  }
0x9: {  	[smem:$0x3FAF] =	sst s1  }
0xa: {  	[smem:$0x3FB0] =	sst s2  }
0xb: {  	[smem:$0x3FB1] =	sst s3  }
0xc: {  	[smem:$0x3FB2] =	sst s4  }
0xd: {  	[smem:$0x3FB3] =	sst s5  }
0xe: {  	[smem:$0x3FB4] =	sst s6  }
0xf: {  	[smem:$0x3FB5] =	sst s7  }
0x10: {  	[smem:$0x3FB6] =	sst s8  }
0x11: {  	[smem:$0x3FB7] =	sst s9;
	s0 =	simm.s32 @!p0 $0x0  }
0x12: {  	s1 =	sld [smem:$0x3F9D];
	s0 =	simm.s32 @p0 $0x1  }
0x13: {  	[smem:$0x3FB8] =	sst s0;
	s0 =	simm.s32 @!p1 $0x0  }
0x14: {  	s2 =	sld [smem:$0x3F9C];
	s0 =	simm.s32 @p1 $0x1  }
0x15: {  	[smem:$0x3FB9] =	sst s0;
	s0 =	simm.s32 @!p2 $0x0  }
0x16: {  	s3 =	sld [smem:$0x3FDB];
	s0 =	simm.s32 @p2 $0x1  }
0x17: {  	s4 =	simm.s32 $0x1BF5;
	[smem:$0x3FBB] =	sst s0  }
0x18: {  	s0 =	sld [smem:$0x3F9E];
	_ =	swait.ge [sflag:s4], $0x0  }
0x19: {  	s7 =	sld [smem:$0x3F9F]  }
0x1a: {  	s8 =	sadd.s32 $0xFFFFE003, lr  }
0x1b: {  	s9 =	sadd.s32 $0xFFFFFEF7, lr;
	s5 =	simm.s32 $0xFFFFFFFF;
	p2 =	slt.u32 s8, $0xFFFFF086  }
0x1c: {  	p1 =	slt.u32 s9, $0xF7A;
	s5 =	simm.s32 @!p2 $0x0  }
0x1d: {  	s5 =	simm.s32 @p1 $0x1;
	p0 =	seq.s32 s7, s2  }
0x1e: {  	s7 =	smul.u32 @!p0 $0xF7A, s2;
	p2 =	seq.s32 @!p0 s5, $0x0  }
0x1f: {  	s9 =	smul.u32 $0xF7A, s1;
	s8 =	simm.s32 @!p0 $0x1BF5;
	p2 =	por !p2, p0  }
0x20: {  	[sflag:s8] =	ssyncset.s32 @!p0 $0xFFFFF086;
	s6 =	sadd.s32 @!p0 s3, s7;
	s7 =	simm.s32 @!p0 $0x108  }
0x21: {  	s3 =	sadd.s32 s3, s9;
	s6 =	sadd.s32 @!p0 $0x88, s6;
	s7 =	simm.s32 @p2 $0x1082  }
0x22: {  	[simem:s7], [sflag:s8] =	dma.local @!p0 [hbm:s6], $0xF7A  }
0x23: {  	s9 =	sor.u32 $0xD0000000, s2;
	s6 =	simm.s32 $0x108;
	_ =	swait.ge @!p0 [sflag:s8], $0x0  }
0x24: {  	s3 =	sadd.s32 $0x88, s3;
	s6 =	simm.s32 @!p1 $0x1082;
	[sflag:s4] =	ssyncset.s32 $0xFFFFF086  }
0x25: {  	[simem:s6], [sflag:s4] =	dma.local [hbm:s3], $0xF7A  }
0x26: {  	[smem:$0x3F9F] =	sst s1;
	(tag) =	ssettag s2;
	_ =	strace s9  }
0x27: {  	s1 =	sld [smem:$0x3FAF]  }
0x28: {  	s2 =	sld [smem:$0x3FB0]  }
0x29: {  	s4 =	sld [smem:$0x3FB2]  }
0x2a: {  	p0 =	seq.s32 s5, $0x0;
	s5 =	sld [smem:$0x3FB3]  }
0x2b: {  	s6 =	sld [smem:$0x3FB4]  }
0x2c: {  	s7 =	sld [smem:$0x3FB5]  }
0x2d: {  	s3 =	simm.s32 $0x108;
	s8 =	sld [smem:$0x3FB6]  }
0x2e: {  	s3 =	simm.s32 @!p0 $0x1082;
	s9 =	sld [smem:$0x3FB7]  }
0x2f: {  	lr =	sadd.s32 s0, s3;
	s0 =	sld [smem:$0x3FAE]  }
0x30: {  	s3 =	sld [smem:$0x3FB1]  }
0x31: {  	[smem:$0x3FBA] =	sst s10  }
0x32: {  	s10 =	sld [smem:$0x3FB8];
	_ =	sdelay $0x3  }
0x33: {  	p0 =	seq.s32 s10, $0x1;
	s10 =	sld [smem:$0x3FBA];
	_ =	sdelay $0x3  }
0x34: {  	[smem:$0x3FBA] =	sst s10  }
0x35: {  	s10 =	sld [smem:$0x3FB9];
	_ =	sdelay $0x3  }
0x36: {  	p1 =	seq.s32 s10, $0x1;
	s10 =	sld [smem:$0x3FBA];
	_ =	sdelay $0x3  }
0x37: {  	[smem:$0x3FBA] =	sst s10  }
0x38: {  	s10 =	sld [smem:$0x3FBB]  }
0x39: {  	_ = 	snop;
	(pc) =	sbr.ind lr, $3  }
0x3a: {  	_ = 	snop  }
0x3b: {  	_ = 	snop  }
0x3c: {  	p2 =	seq.s32 s10, $0x1;
	s10 =	sld [smem:$0x3FBA]  }
0x3d: {  	_ =	shalt  }
0x3e: {  	_ =	shalt  }
0x3f: {  	_ =	shalt  }
0x40: {  	_ =	shalt  }
0x41: {  	_ =	shalt  }
0x42: {  	_ =	shalt  }
0x43: {  	_ =	shalt  }
0x44: {  	_ =	shalt  }
0x45: {  	_ =	shalt  }
0x46: {  	_ =	shalt  }
0x47: {  	_ =	shalt  }
0x48: {  	_ =	shalt  }
0x49: {  	_ =	shalt  }
0x4a: {  	_ =	shalt  }
0x4b: {  	_ =	shalt  }
0x4c: {  	_ =	shalt  }
0x4d: {  	_ =	shalt  }
0x4e: {  	_ =	shalt  }
0x4f: {  	_ =	shalt  }
0x50: {  	_ =	shalt  }
0x51: {  	_ =	shalt  }
0x52: {  	_ =	shalt  }
0x53: {  	_ =	shalt  }
0x54: {  	_ =	shalt  }
0x55: {  	_ =	shalt  }
0x56: {  	_ =	shalt  }
0x57: {  	_ =	shalt  }
0x58: {  	_ =	shalt  }
0x59: {  	_ =	shalt  }
0x5a: {  	_ =	shalt  }
0x5b: {  	_ =	shalt  }
0x5c: {  	_ =	shalt  }
0x5d: {  	_ =	shalt  }
0x5e: {  	_ =	shalt  }
0x5f: {  	_ =	shalt  }
0x60: {  	_ =	shalt  }
0x61: {  	_ =	shalt  }
0x62: {  	_ =	shalt  }
0x63: {  	_ =	shalt  }
0x64: {  	_ =	shalt  }
0x65: {  	_ =	shalt  }
0x66: {  	_ =	shalt  }
0x67: {  	_ =	shalt  }
0x68: {  	_ =	shalt  }
0x69: {  	_ =	shalt  }
0x6a: {  	_ =	shalt  }
0x6b: {  	_ =	shalt  }
0x6c: {  	_ =	shalt  }
0x6d: {  	_ =	shalt  }
0x6e: {  	_ =	shalt  }
0x6f: {  	_ =	shalt  }
0x70: {  	_ =	shalt  }
0x71: {  	_ =	shalt  }
0x72: {  	_ =	shalt  }
0x73: {  	_ =	shalt  }
0x74: {  	_ =	shalt  }
0x75: {  	_ =	shalt  }
0x76: {  	_ =	shalt  }
0x77: {  	_ =	shalt  }
0x78: {  	_ =	shalt  }
0x79: {  	_ =	shalt  }
0x7a: {  	_ =	shalt  }
0x7b: {  	_ =	shalt  }
0x7c: {  	_ =	shalt  }
0x7d: {  	_ =	shalt  }
0x7e: {  	_ =	shalt  }
0x7f: {  	_ =	shalt  }
0x80: {  	_ =	shalt  }
0x81: {  	_ =	shalt  }
0x82: {  	_ =	shalt  }
0x83: {  	_ =	shalt  }
0x84: {  	_ =	shalt  }
0x85: {  	_ =	shalt  }
0x86: {  	_ =	shalt  }
0x87: {  	_ =	shalt  }
.Lfunc_end0:
.L_simem_size_0:
called_computation.1_lowered:
.L_overlay_start_0:
0x88: {  	s2 =	sld [smem:$0x3FD9]  }
0x89: {  	s3 =	sld [smem:$0x3FFE];
	_ =	sdelay $0x1  }
0x8a: {  	s1 =	srdreg.scid  }
0x8b: {  	s0 =	sand.u32 $0x1, s1  }
0x8c: {  	s14 =	sshll.u32 s0, $0xA;
	s2 =	sadd.s32 s3, s2  }
0x8d: {  	s2 =	sadd.s32 s2, s14  }
0x8e: {  	[smem:$0x3FC6] =	sst s2  }
0x8f: {  	_ = 	snop  }
0x90: {  	s2 =	sld [smem:$0x3FD0];
	_ =	sdelay $0x2  }
0x91: {  	s15 =	simm.s32 $0xA;
	s4 =	simm.s32 $0x10  }
0x92: {  	[smem:s4], [sflag:s15] =	dma.local [hbm:s2], $0x1  }
0x93: {  	_ =	swait.eq [sflag:s15], $0x1  }
0x94: {  	[sflag:s15] =	ssyncset.done $0x0  }
0x95: {  	[sflag:s15] =	ssyncadd.s32 $0xFFFFFFFF  }
0x96: {  	s16 =	sld [smem:$0x11];
	(tm) =	ssettm $0x1  }
0x97: {  	s17 =	sld [smem:$0x3FFB];
	_ =	sdelay $0x3  }
0x98: {  	_ =	strace s17  }
0x99: {  	s3 =	sld [smem:$0x3FFC];
	_ =	sdelay $0x3  }
0x9a: {  	_ =	strace s3  }
0x9b: {  	s3 =	sld [smem:$0x3FFD];
	_ =	sdelay $0x3  }
0x9c: {  	_ =	strace s3  }
0x9d: {  	_ =	strace $0x8FFFFFFF  }
0x9e: {  	s18 =	sld [smem:$0x3FDB];
	_ =	sdelay $0x1  }
0x9f: {  	s19 =	simm.s32 $_scs_section_size  }
0xa0: {  	s5 =	simm.s32 $_size__tile_overlayer_lowered;
	s6 =	simm.s32 $_tile_overlayer_lowered  }
0xa1: {  	s22 =	simm.s32 $0x1BFF;
	s21 =	sshll.u32 s6, $0x1;
	s3 =	sadd.s32 s19, s18  }
0xa2: {  	s7 =	simm.s32 $0x0;
	s20 =	sshll.u32 s5, $0x1;
	s5 =	sadd.s32 s21, s3  }
0xa3: {  	[timem:s7], [sflag:s22] =	dma.local [hbm:s5], s20  }
0xa4: {  	_ =	swait.ge [sflag:s22], s20  }
0xa5: {  	s4 =	ssub.s32 $0x0, s20;
	[sflag:s22] =	ssyncset.done $0x0  }
0xa6: {  	[sflag:s22] =	ssyncadd.s32 s4;
	_ =	sdelay $0x1  }
0xa7: {  	s23 =	simm.s32 $0x1B8B  }
0xa8: {  	_ =	swait.ge [sflag:s23], $0x1  }
0xa9: {  	[sflag:s23] =	ssyncset.done $0x0  }
0xaa: {  	s25 =	simm.s32 $0x1B8E;
	s24 =	sld [smem:$0x3FFE];
	[sflag:s23] =	ssyncadd.s32 $0xFFFFFFFF  }
0xab: {  	s26 =	simm.s32 $execute0_lowered;
	[smem:$0x3FD2] =	sst s25  }
0xac: {  	s5 =	sshll.u32 s26, $0x1;
	_ =	strace $0x80000049;
	[dreg:$0x1] =	wrdreg $0xFFFFFFFF  }
0xad: {  	s28 =	simm.s32 $_size_execute0_lowered;
	s3 =	sadd.s32 s3, s5;
	[dreg:$0x0] =	wrdreg $0x0  }
0xae: {  	s5 =	sshll.u32 s28, $0x1;
	[dreg:$0x2] =	wrdreg s3  }
0xaf: {  	[dreg:$0x3] =	wrdreg s5  }
0xb0: {  	[dreg:$0x4] =	wrdreg $0xC0  }
0xb1: {  	_ =	task [dreg:s7], $0x5FFFF  }
0xb2: {  	[dreg:$0x1] =	wrdreg $0xFFFFFFFF  }
0xb3: {  	[dreg:$0x0] =	wrdreg $0x60  }
0xb4: {  	[dreg:$0x2] =	wrdreg s16  }
0xb5: {  	[dreg:$0x3] =	wrdreg s24  }
0xb6: {  	[dreg:$0x4] =	wrdreg $0x9  }
0xb7: {  	_ =	task.clear_ibuf [dreg:s7], $0x5FFFF;
	_ =	strace $0x90000049  }
0xb8: {  	s29 =	simm.s32 $0x9;
	_ =	strace $0x8000004B  }
0xb9: {  	_ =	swait.ge [sflag:s29], $0x1  }
0xba: {  	[sflag:s29] =	ssyncadd.s32 $0xFFFFFFFF  }
0xbb: {  	_ =	strace $0x9000004B  }
0xbc: {  	_ =	sfence  }
0xbd: {  	s30 =	sld [smem:$0x0];
	_ =	sdelay $0x2  }
0xbe: {  	s31 =	sshll.u32 s1, $0xD;
	s1 =	sshrl.u32 s1, $0x2  }
0xbf: {  	s3 =	sand.u32 $0x4000, s31;
	s1 =	sadd.s32 s1, s30  }
0xc0: {  	s0 =	sor.u32 s3, s0;
	s1 =	sshll.u32 s1, $0x11  }
0xc1: {  	s0 =	sor.u32 s1, s0  }
0xc2: {  	s0 =	sadd.s32 $0x8F2B, s0  }
0xc3: {  	[sflag:s0] =	ssyncadd.remote.s32 $0x1  }
0xc4: {  	_ =	sfence.sel $0xFFFF  }
0xc5: {  	[dreg:$0x0] =	wrdreg $0xFFFFFFFF;
	(pc) =	sbr.abs _section_cstart, $3  }
0xc6: {  	[dreg:$0x1] =	wrdreg $0xFFFFFFFF  }
0xc7: {  	_ =	task.clear_ibuf [dreg:s7], $0x2FFFF;
	_ =	strace $0x9FFFFFFF  }
0xc8: {  	(tm) =	ssettm $0x7FFFFFFF  }
0xc9: {  	_ =	shalt  }
tec
execute0_lowered:
.L_overlay_start_1:
0x0: {  	(tag) =	ssettag $0x1  }
0x1: {  	s2 =	rddreg [dreg:$0x0]  }
0x2: {  	s0 =	rddreg [dreg:$0x1]  }
0x3: {  	s3 =	srdreg.scid;
	s4 =	stileid.u32;
	s1 =	simm.s32 $0x0  }
0x4: {  	s3 =	sand.u32 $0x1, s3;
	[smem:$0x7FF] =	sst s1;
	s5 =	sadd.s32 $0x30EC00, s0  }
0x5: {  	s4 =	sshll.u32 s4, $0x1;
	s6 =	sadd.s32 $0x187C00, s0;
	s8 =	sadd.s32 $0x188C00, s0  }
0x6: {  	s9 =	sadd.s32 $0x189C00, s0;
	s4 =	sor.u32 s3, s4;
	s3 =	ssub.s32 $0x2, s3  }
0x7: {  	s7 =	smul.u32 $0x1C0, s4;
	s10 =	sshrl.u32 s3, $0x1;
	s26 =	sshll.u32 s4, $0x2  }
0x8: {  	s11 =	sshll.u32 s4, $0x7;
	s15 =	sshll.u32 s4, $0x5;
	s3 =	ssub.s32 s3, s10  }
0x9: {  	s10 =	sshll.u32 s4, $0x3;
	s12 =	sor.u32 $0x1, s26;
	s13 =	sadd.s32 s6, s11  }
0xa: {  	s11 =	sadd.s32 s8, s11;
	s16 =	sadd.s32 s9, s15;
	[dreg:$0x4] =	wrdreg s13  }
0xb: {  	s4 =	sshllo.u32 s4, $0x2;
	s7 =	sadd.s32 s2, s7;
	[dreg:$0x5] =	wrdreg s11  }
0xc: {  	s14 =	smul.u32 $0x70, s12;
	[dreg:$0x6] =	wrdreg s16;
	s17 =	sshll.u32 s12, $0x5  }
0xd: {  	s21 =	sshll.u32 s12, $0x3;
	s15 =	smul.u32 $0x70, s4;
	s13 =	simm.s32 $0x0  }
0xe: {  	[dreg:$0x3] =	wrdreg s7;
	s19 =	sadd.s32 s6, s17;
	s7 =	sor.u32 $0x2, s26  }
0xf: {  	s11 =	sadd.s32 s8, s17;
	s26 =	sshll.u32 s4, $0x5;
	[dreg:$0x8] =	wrdreg s19  }
0x10: {  	s18 =	sadd.s32 s2, s14;
	[dreg:$0x9] =	wrdreg s11;
	s20 =	smul.u32 $0x70, s7  }
0x11: {  	s22 =	sshll.u32 s7, $0x5;
	s25 =	sshll.u32 s7, $0x3;
	s14 =	sadd.s32 s9, s21  }
0x12: {  	s7 =	sshll.u32 s7, $0x1;
	[dreg:$0x7] =	wrdreg s18;
	s23 =	sadd.s32 s6, s22  }
0x13: {  	s24 =	sadd.s32 s8, s22;
	s6 =	sadd.s32 s6, s26;
	[dreg:$0x10] =	wrdreg s14  }
0x14: {  	s16 =	sadd.s32 s9, s25;
	s18 =	sadd.s32 s5, s10;
	[dreg:$0xb] =	wrdreg s23  }
0x15: {  	s25 =	sadd.s32 s5, s7;
	s11 =	sadd.s32 s2, s20;
	[dreg:$0xc] =	wrdreg s24  }
0x16: {  	s2 =	sadd.s32 s2, s15;
	[dreg:$0xe] =	wrdreg s6;
	s15 =	sadd.s32 $0x30EE00, s0  }
0x17: {  	s24 =	sadd.s32 $0x18A000, s0;
	s6 =	simm.s32 $0x40;
	[dreg:$0xa] =	wrdreg s11  }
0x18: {  	[dreg:$0xd] =	wrdreg s2;
	s2 =	sadd.s32 s8, s26;
	s8 =	sshll.u32 s4, $0x3  }
0x19: {  	s19 =	sadd.s32 s15, s10;
	s20 =	sadd.s32 s24, s10;
	s26 =	sshll.u32 s12, $0x1  }
0x1a: {  	s4 =	sshll.u32 s4, $0x1;
	s28 =	sadd.s32 s24, s7;
	s10 =	simm.s32 $0x2700  }
0x1b: {  	s11 =	simm.s32 $0x2880;
	s12 =	simm.s32 $0x2580;
	[dreg:$0xf] =	wrdreg s2  }
0x1c: {  	s17 =	sadd.s32 s9, s8;
	s21 =	sadd.s32 s5, s26;
	s22 =	sadd.s32 s15, s26  }
0x1d: {  	s23 =	sadd.s32 s24, s26;
	s26 =	sadd.s32 s15, s7;
	s29 =	sadd.s32 s5, s4  }
0x1e: {  	s30 =	sadd.s32 s15, s4;
	s31 =	sadd.s32 s24, s4;
	s24 =	sadd.s32 $0xC00, s0  }
0x1f: {  	s0 =	smax.u32 s3, $0x1;
	s2 =	simm.s32 $0x2;
	s3 =	simm.s32 $0x380  }
0x20: {  	s4 =	simm.s32 $0x400;
	s5 =	simm.s32 $0x480;
	s7 =	simm.s32 $0x500  }
0x21: {  	v0 =	vimm.s32 $0x0;
	v1 =	vimm.f32 $0.0e+00;
	s8 =	simm.s32 $0x580;
	s9 =	simm.s32 $0x1;
	_ =	strace $0x8000004A  }
.LBB2_1:
0x22: {  	s14 =	rddreg [dreg:$0x3]  }
0x23: {  	[tilespmem:s1], [sflag:$0x2] =	stream.linear.gather [hbm4b:s14+s1], $0x380, $0x38;
	[tilespmem:$0x2A00] =	vst v63  }
0x24: {  	_ =	swait.ge [sflag:s2], $0x380  }
0x25: {  	[sflag:s2] =	ssyncset.done $0x0  }
0x26: {  	[sflag:s2] =	ssyncadd.s32 $0xFFFFFC80  }
0x27: {  	[tilespmem:s3], [sflag:$0x2] =	stream.linear.gather [hbm4b:s18+s1], $0x10, $0x38;
	[tilespmem:$0x2A00] =	vst v63  }
0x28: {  	_ =	swait.ge [sflag:s2], $0x10  }
0x29: {  	[sflag:s2] =	ssyncset.done $0x0  }
0x2a: {  	[sflag:s2] =	ssyncadd.s32 $0xFFFFFFF0  }
0x2b: {  	[tilespmem:s4], [sflag:$0x2] =	stream.linear.gather [hbm4b:s19+s1], $0x10, $0x38;
	[tilespmem:$0x2A00] =	vst v63  }
0x2c: {  	_ =	swait.ge [sflag:s2], $0x10  }
0x2d: {  	[sflag:s2] =	ssyncset.done $0x0  }
0x2e: {  	[sflag:s2] =	ssyncadd.s32 $0xFFFFFFF0  }
0x2f: {  	[tilespmem:$0x480] =	vst v0  }
0x30: {  	[tilespmem:$0x490] =	vst v0  }
0x31: {  	[tilespmem:$0x4A0] =	vst v0  }
0x32: {  	[tilespmem:$0x4B0] =	vst v0  }
0x33: {  	[tilespmem:$0x4C0] =	vst v0  }
0x34: {  	[tilespmem:$0x4D0] =	vst v0  }
0x35: {  	v2 =	vlaneseq.u32;
	[tilespmem:$0x2600] =	vst v0  }
0x36: {  	s15 =	simm.s32 $0x0;
	[tilespmem:$0x2680] =	vst v2;
	v3 =	vld [tilespmem:$0x380]  }
0x37: {  	s14 =	simm.s32 $0x40;
	v4 =	vld [tilespmem:s15+$0x0]  }
.LBB2_2:
0x38: {  	p0 =	sne.s32 s14, $0xDC0;
	_ =	sdelay $0x3  }
0x39: {  	vm0 =	vge.f32 v4, v3  }
0x3a: {  	v3 =	vsel vm0, $0x1, v0  }
0x3b: {  	(xrf0) =	vadd.scan.msk.s32 $0xffff, v3;
	_ =	sdelay $0x1  }
0x3c: {  	v3 =	vld [tilespmem:$0x2600];
	_ =	sdelay $0x3  }
0x3d: {  	v4, _, _ =	vpop (xrf0)  }
0x3e: {  	v4 =	vadd.s32 v4, v3  }
0x3f: {  	v4 =	vadd.s32 $0xFFFFFFFF, v4  }
0x40: {  	vm1 =	vlt.s32 v4, $0x5F  }
0x41: {  	v4 =	vnsel vm1, $0x5F, v4;
	_ =	sdelay $0x2  }
0x42: {  	v5 =	vmpcnt.ones.xlane vm0  }
.Ltmp0:
0x43: {  	(pc) =	sbr.rel @p0 .LBB2_2-.Ltmp0, $4  }
0x44: {  	v3 =	vadd.s32 v3, v5;
	[tilespmem:v4+s5+$0x0] =	vst.idx.msk vm0, v2  }
0x45: {  	v2 =	vadd.s32 $0x10, v2;
	[tilespmem:$0x2600] =	vst v3  }
0x46: {  	s15 =	sshra.s32 s14, $0x2;
	v3 =	vld [tilespmem:$0x380];
	[tilespmem:$0x2680] =	vst v2  }
0x47: {  	s14 =	sadd.s32 $0x40, s14;
	v4 =	vld [tilespmem:s15+$0x0]  }
0x48: {  	_ =	sdelay $0x3  }
0x49: {  	vm0 =	vge.f32 v4, v3  }
0x4a: {  	v3 =	vsel vm0, $0x1, v0  }
0x4b: {  	(xrf0) =	vadd.scan.msk.s32 $0xffff, v3;
	_ =	sdelay $0x1  }
0x4c: {  	v3 =	vld [tilespmem:$0x2600];
	_ =	sdelay $0x3  }
0x4d: {  	v4, _, _ =	vpop (xrf0)  }
0x4e: {  	v4 =	vadd.s32 v4, v3  }
0x4f: {  	v4 =	vadd.s32 $0xFFFFFFFF, v4  }
0x50: {  	vm1 =	vlt.s32 v4, $0x5F  }
0x51: {  	v4 =	vnsel vm1, $0x5F, v4;
	_ =	sdelay $0x2  }
0x52: {  	v5 =	vmpcnt.ones.xlane vm0;
	_ =	sdelay $0x1  }
0x53: {  	v3 =	vadd.s32 v3, v5;
	[tilespmem:v4+s5+$0x0] =	vst.idx.msk vm0, v2  }
0x54: {  	[tilespmem:$0x2600] =	vst v3  }
0x55: {  	v3 =	vld [tilespmem:$0x2600]  }
0x56: {  	v4 =	vld [tilespmem:$0x400]  }
0x57: {  	v5 =	vld [tilespmem:$0x480]  }
0x58: {  	v6 =	vld [tilespmem:$0x490]  }
0x59: {  	v7 =	vld [tilespmem:$0x4A0]  }
0x5a: {  	v2 =	vadd.s32 $0x10, v2;
	v8 =	vld [tilespmem:$0x4B0];
	vm12 =	vlt.s32 v3, $0x40  }
0x5b: {  	[tilespmem:$0x2680] =	vst v2;
	v2 =	vnsel vm12, $0x40, v3  }
0x5c: {  	[tilespmem:$0x2580] =	vst v2;
	v2 =	vadd.s32 v4, v5  }
0x5d: {  	[tilespmem:$0x500] =	vst v2;
	v2 =	vadd.s32 v4, v6  }
0x5e: {  	[tilespmem:$0x510] =	vst v2;
	v2 =	vadd.s32 v4, v7  }
0x5f: {  	[tilespmem:$0x520] =	vst v2;
	v2 =	vadd.s32 v4, v8  }
0x60: {  	[tilespmem:$0x530] =	vst v2  }
0x61: {  	[tilespmem:s8], [sflag:$0x1] =	stream.indirect.gather [hbm4b:s24+s6], $0x80, s7, s6, $0xb8;
	[tilespmem:$0x2A00] =	vst v63  }
0x62: {  	_ =	swait.ge [sflag:s9], $0x2000  }
0x63: {  	[sflag:s9] =	ssyncset.done $0x0  }
0x64: {  	[sflag:s9] =	ssyncadd.s32 $0xFFFFE000  }
0x65: {  	[tilespmem:$0x2700] =	vst v1  }
0x66: {  	[tilespmem:$0x2880] =	vst v0  }
0x67: {  	[tilespmem:$0x2710] =	vst v1  }
0x68: {  	[tilespmem:$0x2890] =	vst v0  }
0x69: {  	[tilespmem:$0x2720] =	vst v1  }
0x6a: {  	[tilespmem:$0x28A0] =	vst v0  }
0x6b: {  	[tilespmem:$0x2730] =	vst v1  }
0x6c: {  	[tilespmem:$0x28B0] =	vst v0  }
0x6d: {  	[tilespmem:$0x2740] =	vst v1  }
0x6e: {  	[tilespmem:$0x28C0] =	vst v0  }
0x6f: {  	[tilespmem:$0x2750] =	vst v1  }
0x70: {  	[tilespmem:$0x28D0] =	vst v0  }
0x71: {  	[tilespmem:$0x2760] =	vst v1  }
0x72: {  	[tilespmem:$0x28E0] =	vst v0  }
0x73: {  	[tilespmem:$0x2770] =	vst v1  }
0x74: {  	[tilespmem:$0x28F0] =	vst v0  }
0x75: {  	[tilespmem:$0x2780] =	vst v1  }
0x76: {  	[tilespmem:$0x2900] =	vst v0  }
0x77: {  	[tilespmem:$0x2790] =	vst v1  }
0x78: {  	[tilespmem:$0x2910] =	vst v0  }
0x79: {  	[tilespmem:$0x27A0] =	vst v1  }
0x7a: {  	[tilespmem:$0x2920] =	vst v0  }
0x7b: {  	[tilespmem:$0x27B0] =	vst v1  }
0x7c: {  	[tilespmem:$0x2930] =	vst v0  }
0x7d: {  	[tilespmem:$0x27C0] =	vst v1  }
0x7e: {  	[tilespmem:$0x2940] =	vst v0  }
0x7f: {  	[tilespmem:$0x27D0] =	vst v1  }
0x80: {  	[tilespmem:$0x2950] =	vst v0  }
0x81: {  	[tilespmem:$0x27E0] =	vst v1  }
0x82: {  	[tilespmem:$0x2960] =	vst v0  }
0x83: {  	[tilespmem:$0x27F0] =	vst v1  }
0x84: {  	[tilespmem:$0x2970] =	vst v0  }
0x85: {  	[tilespmem:$0x2800] =	vst v1  }
0x86: {  	[tilespmem:$0x2980] =	vst v0  }
0x87: {  	s14 =	simm.s32 $0x0;
	v3 =	vlaneseq.u32;
	[tilespmem:$0x2600] =	vst v0;
	v2 =	vld [tilespmem:$0x2580]  }
0x88: {  	s14 =	sand.u32 $0x1FF0, s14;
	[tilespmem:$0x2680] =	vst v3;
	v4 =	vld [tilespmem:$0x380]  }
0x89: {  	v5 =	vld [tilespmem:s14+$0x580];
	_ =	sdelay $0x3  }
0x8a: {  	v6 =	vshra.s32 v3, $0x7  }
0x8b: {  	vm14 =	vlt.s32 v6, v2;
	vm13 =	vge.f32 v5, v4  }
0x8c: {  	vm0 =	vmand vm14, vm13  }
0x8d: {  	v4 =	vsel vm0, $0x1, v0  }
0x8e: {  	(xrf0) =	vadd.scan.msk.s32 $0xffff, v4;
	_ =	sdelay $0x1  }
0x8f: {  	v4 =	vld [tilespmem:$0x2600];
	_ =	sdelay $0x3  }
0x90: {  	v6, _, _ =	vpop (xrf0)  }
0x91: {  	v6 =	vadd.s32 v6, v4  }
0x92: {  	v6 =	vadd.s32 $0xFFFFFFFF, v6  }
0x93: {  	vm15 =	vlt.s32 v6, $0x10F  }
0x94: {  	v6 =	vnsel vm15, $0x10F, v6;
	_ =	sdelay $0x3  }
0x95: {  	v7 =	vmpcnt.ones.xlane vm0  }
0x96: {  	[tilespmem:v6+s10+$0x0] =	vst.idx.msk vm0, v5  }
0x97: {  	s14 =	simm.s32 $0x10;
	v4 =	vadd.s32 v4, v7;
	[tilespmem:v6+s11+$0x0] =	vst.idx.msk vm0, v3;
	v3 =	vadd.s32 $0x10, v3  }
.LBB2_4:
0x98: {  	p0 =	sne.s32 s14, $0x1FF0;
	[tilespmem:$0x2600] =	vst v4;
	s15 =	smov.u32 s14;
	s14 =	sadd.s32 $0x10, s14  }
0x99: {  	s15 =	sand.u32 $0x1FF0, s15;
	v4 =	vld [tilespmem:$0x380];
	[tilespmem:$0x2680] =	vst v3  }
0x9a: {  	v5 =	vld [tilespmem:s15+$0x580];
	_ =	sdelay $0x3  }
0x9b: {  	v6 =	vshra.s32 v3, $0x7  }
0x9c: {  	vm1 =	vlt.s32 v6, v2;
	vm0 =	vge.f32 v5, v4  }
0x9d: {  	vm0 =	vmand vm1, vm0  }
0x9e: {  	v4 =	vsel vm0, $0x1, v0  }
0x9f: {  	(xrf0) =	vadd.scan.msk.s32 $0xffff, v4;
	_ =	sdelay $0x1  }
0xa0: {  	v4 =	vld [tilespmem:$0x2600];
	_ =	sdelay $0x3  }
0xa1: {  	v6, _, _ =	vpop (xrf0)  }
0xa2: {  	v6 =	vadd.s32 v6, v4  }
0xa3: {  	v6 =	vadd.s32 $0xFFFFFFFF, v6  }
0xa4: {  	vm1 =	vlt.s32 v6, $0x10F  }
0xa5: {  	v6 =	vnsel vm1, $0x10F, v6;
	_ =	sdelay $0x1  }
.Ltmp1:
0xa6: {  	(pc) =	sbr.rel @p0 .LBB2_4-.Ltmp1, $4  }
0xa7: {  	_ = 	snop  }
0xa8: {  	v7 =	vmpcnt.ones.xlane vm0  }
0xa9: {  	[tilespmem:v6+s10+$0x0] =	vst.idx.msk vm0, v5  }
0xaa: {  	v4 =	vadd.s32 v4, v7;
	[tilespmem:v6+s11+$0x0] =	vst.idx.msk vm0, v3;
	v3 =	vadd.s32 $0x10, v3  }
0xab: {  	[tilespmem:$0x2600] =	vst v4  }
0xac: {  	v2 =	vld [tilespmem:$0x2600];
	_ =	sdelay $0x4  }
0xad: {  	vm0 =	vlt.s32 v2, $0x100  }
0xae: {  	[tilespmem:$0x2680] =	vst v3;
	v2 =	vnsel vm0, $0x100, v2  }
0xaf: {  	s14 =	simm.s32 $0x0;
	s15 =	rddreg [dreg:$0x4];
	[tilespmem:$0x2580] =	vst v2  }
0xb0: {  	[hbm4b:s15+s14] =	stream.linear.scatter [tilespmem:s10], [sflag:$0x2], $0x100, $0x38;
	[tilespmem:$0x2A00] =	vst v63  }
0xb1: {  	_ =	swait.ge [sflag:s2], $0x100  }
0xb2: {  	[sflag:s2] =	ssyncset.done $0x0  }
0xb3: {  	s15 =	rddreg [dreg:$0x5];
	[sflag:s2] =	ssyncadd.s32 $0xFFFFFF00  }
0xb4: {  	[hbm4b:s15+s14] =	stream.linear.scatter [tilespmem:s11], [sflag:$0x2], $0x100, $0x38;
	[tilespmem:$0x2A00] =	vst v63  }
0xb5: {  	_ =	swait.ge [sflag:s2], $0x100  }
0xb6: {  	[sflag:s2] =	ssyncset.done $0x0  }
0xb7: {  	s15 =	rddreg [dreg:$0x6];
	[sflag:s2] =	ssyncadd.s32 $0xFFFFFF00  }
0xb8: {  	[hbm4b:s15+s14] =	stream.linear.scatter [tilespmem:s5], [sflag:$0x2], $0x40, $0x38;
	[tilespmem:$0x2A00] =	vst v63  }
0xb9: {  	_ =	swait.ge [sflag:s2], $0x40  }
0xba: {  	[sflag:s2] =	ssyncset.done $0x0  }
0xbb: {  	[sflag:s2] =	ssyncadd.s32 $0xFFFFFFC0  }
0xbc: {  	[hbm4b:s20+s14] =	stream.linear.scatter [tilespmem:s12], [sflag:$0x2], $0x10, $0x38;
	[tilespmem:$0x2A00] =	vst v63  }
0xbd: {  	_ =	swait.ge [sflag:s2], $0x10  }
0xbe: {  	[sflag:s2] =	ssyncset.done $0x0  }
0xbf: {  	s15 =	rddreg [dreg:$0x7];
	[sflag:s2] =	ssyncadd.s32 $0xFFFFFFF0  }
0xc0: {  	[tilespmem:s14], [sflag:$0x2] =	stream.linear.gather [hbm4b:s15+s14], $0x380, $0x38;
	[tilespmem:$0x2A00] =	vst v63  }
0xc1: {  	_ =	swait.ge [sflag:s2], $0x380  }
0xc2: {  	[sflag:s2] =	ssyncset.done $0x0  }
0xc3: {  	[sflag:s2] =	ssyncadd.s32 $0xFFFFFC80  }
0xc4: {  	[tilespmem:s3], [sflag:$0x2] =	stream.linear.gather [hbm4b:s21+s14], $0x10, $0x38;
	[tilespmem:$0x2A00] =	vst v63  }
0xc5: {  	_ =	swait.ge [sflag:s2], $0x10  }
0xc6: {  	[sflag:s2] =	ssyncset.done $0x0  }
0xc7: {  	[sflag:s2] =	ssyncadd.s32 $0xFFFFFFF0  }
0xc8: {  	[tilespmem:s4], [sflag:$0x2] =	stream.linear.gather [hbm4b:s22+s14], $0x10, $0x38;
	[tilespmem:$0x2A00] =	vst v63  }
0xc9: {  	_ =	swait.ge [sflag:s2], $0x10  }
0xca: {  	[sflag:s2] =	ssyncset.done $0x0  }
0xcb: {  	[sflag:s2] =	ssyncadd.s32 $0xFFFFFFF0  }
0xcc: {  	[tilespmem:$0x480] =	vst v0  }
0xcd: {  	[tilespmem:$0x490] =	vst v0  }
0xce: {  	[tilespmem:$0x4A0] =	vst v0  }
0xcf: {  	[tilespmem:$0x4B0] =	vst v0  }
0xd0: {  	[tilespmem:$0x4C0] =	vst v0  }
0xd1: {  	[tilespmem:$0x4D0] =	vst v0  }
0xd2: {  	v2 =	vlaneseq.u32;
	[tilespmem:$0x2600] =	vst v0  }
0xd3: {  	s15 =	simm.s32 $0x0;
	[tilespmem:$0x2680] =	vst v2;
	v3 =	vld [tilespmem:$0x380]  }
0xd4: {  	s14 =	simm.s32 $0x40;
	v4 =	vld [tilespmem:s15+$0x0]  }
.LBB2_6:
0xd5: {  	p0 =	sne.s32 s14, $0xDC0;
	_ =	sdelay $0x3  }
0xd6: {  	vm0 =	vge.f32 v4, v3  }
0xd7: {  	v3 =	vsel vm0, $0x1, v0  }
0xd8: {  	(xrf0) =	vadd.scan.msk.s32 $0xffff, v3;
	_ =	sdelay $0x1  }
0xd9: {  	v3 =	vld [tilespmem:$0x2600];
	_ =	sdelay $0x3  }
0xda: {  	v4, _, _ =	vpop (xrf0)  }
0xdb: {  	v4 =	vadd.s32 v4, v3  }
0xdc: {  	v4 =	vadd.s32 $0xFFFFFFFF, v4  }
0xdd: {  	vm1 =	vlt.s32 v4, $0x5F  }
0xde: {  	v4 =	vnsel vm1, $0x5F, v4;
	_ =	sdelay $0x2  }
0xdf: {  	v5 =	vmpcnt.ones.xlane vm0  }
.Ltmp2:
0xe0: {  	(pc) =	sbr.rel @p0 .LBB2_6-.Ltmp2, $4  }
0xe1: {  	v3 =	vadd.s32 v3, v5;
	[tilespmem:v4+s5+$0x0] =	vst.idx.msk vm0, v2  }
0xe2: {  	v2 =	vadd.s32 $0x10, v2;
	[tilespmem:$0x2600] =	vst v3  }
0xe3: {  	s15 =	sshra.s32 s14, $0x2;
	v3 =	vld [tilespmem:$0x380];
	[tilespmem:$0x2680] =	vst v2  }
0xe4: {  	s14 =	sadd.s32 $0x40, s14;
	v4 =	vld [tilespmem:s15+$0x0]  }
0xe5: {  	_ =	sdelay $0x3  }
0xe6: {  	vm0 =	vge.f32 v4, v3  }
0xe7: {  	v3 =	vsel vm0, $0x1, v0  }
0xe8: {  	(xrf0) =	vadd.scan.msk.s32 $0xffff, v3;
	_ =	sdelay $0x1  }
0xe9: {  	v3 =	vld [tilespmem:$0x2600];
	_ =	sdelay $0x3  }
0xea: {  	v4, _, _ =	vpop (xrf0)  }
0xeb: {  	v4 =	vadd.s32 v4, v3  }
0xec: {  	v4 =	vadd.s32 $0xFFFFFFFF, v4  }
0xed: {  	vm1 =	vlt.s32 v4, $0x5F  }
0xee: {  	v4 =	vnsel vm1, $0x5F, v4;
	_ =	sdelay $0x2  }
0xef: {  	v5 =	vmpcnt.ones.xlane vm0;
	_ =	sdelay $0x1  }
0xf0: {  	v3 =	vadd.s32 v3, v5;
	[tilespmem:v4+s5+$0x0] =	vst.idx.msk vm0, v2  }
0xf1: {  	[tilespmem:$0x2600] =	vst v3  }
0xf2: {  	v3 =	vld [tilespmem:$0x2600]  }
0xf3: {  	v4 =	vld [tilespmem:$0x400]  }
0xf4: {  	v5 =	vld [tilespmem:$0x480]  }
0xf5: {  	v6 =	vld [tilespmem:$0x490]  }
0xf6: {  	v7 =	vld [tilespmem:$0x4A0]  }
0xf7: {  	v2 =	vadd.s32 $0x10, v2;
	v8 =	vld [tilespmem:$0x4B0];
	vm12 =	vlt.s32 v3, $0x40  }
0xf8: {  	[tilespmem:$0x2680] =	vst v2;
	v2 =	vnsel vm12, $0x40, v3  }
0xf9: {  	[tilespmem:$0x2580] =	vst v2;
	v2 =	vadd.s32 v4, v5  }
0xfa: {  	[tilespmem:$0x500] =	vst v2;
	v2 =	vadd.s32 v4, v6  }
0xfb: {  	[tilespmem:$0x510] =	vst v2;
	v2 =	vadd.s32 v4, v7  }
0xfc: {  	[tilespmem:$0x520] =	vst v2;
	v2 =	vadd.s32 v4, v8  }
0xfd: {  	[tilespmem:$0x530] =	vst v2  }
0xfe: {  	[tilespmem:s8], [sflag:$0x1] =	stream.indirect.gather [hbm4b:s24+s6], $0x80, s7, s6, $0xb8;
	[tilespmem:$0x2A00] =	vst v63  }
0xff: {  	_ =	swait.ge [sflag:s9], $0x2000  }
0x100: {  	[sflag:s9] =	ssyncset.done $0x0  }
0x101: {  	[sflag:s9] =	ssyncadd.s32 $0xFFFFE000  }
0x102: {  	[tilespmem:$0x2700] =	vst v1  }
0x103: {  	[tilespmem:$0x2880] =	vst v0  }
0x104: {  	[tilespmem:$0x2710] =	vst v1  }
0x105: {  	[tilespmem:$0x2890] =	vst v0  }
0x106: {  	[tilespmem:$0x2720] =	vst v1  }
0x107: {  	[tilespmem:$0x28A0] =	vst v0  }
0x108: {  	[tilespmem:$0x2730] =	vst v1  }
0x109: {  	[tilespmem:$0x28B0] =	vst v0  }
0x10a: {  	[tilespmem:$0x2740] =	vst v1  }
0x10b: {  	[tilespmem:$0x28C0] =	vst v0  }
0x10c: {  	[tilespmem:$0x2750] =	vst v1  }
0x10d: {  	[tilespmem:$0x28D0] =	vst v0  }
0x10e: {  	[tilespmem:$0x2760] =	vst v1  }
0x10f: {  	[tilespmem:$0x28E0] =	vst v0  }
0x110: {  	[tilespmem:$0x2770] =	vst v1  }
0x111: {  	[tilespmem:$0x28F0] =	vst v0  }
0x112: {  	[tilespmem:$0x2780] =	vst v1  }
0x113: {  	[tilespmem:$0x2900] =	vst v0  }
0x114: {  	[tilespmem:$0x2790] =	vst v1  }
0x115: {  	[tilespmem:$0x2910] =	vst v0  }
0x116: {  	[tilespmem:$0x27A0] =	vst v1  }
0x117: {  	[tilespmem:$0x2920] =	vst v0  }
0x118: {  	[tilespmem:$0x27B0] =	vst v1  }
0x119: {  	[tilespmem:$0x2930] =	vst v0  }
0x11a: {  	[tilespmem:$0x27C0] =	vst v1  }
0x11b: {  	[tilespmem:$0x2940] =	vst v0  }
0x11c: {  	[tilespmem:$0x27D0] =	vst v1  }
0x11d: {  	[tilespmem:$0x2950] =	vst v0  }
0x11e: {  	[tilespmem:$0x27E0] =	vst v1  }
0x11f: {  	[tilespmem:$0x2960] =	vst v0  }
0x120: {  	[tilespmem:$0x27F0] =	vst v1  }
0x121: {  	[tilespmem:$0x2970] =	vst v0  }
0x122: {  	[tilespmem:$0x2800] =	vst v1  }
0x123: {  	[tilespmem:$0x2980] =	vst v0  }
0x124: {  	s14 =	simm.s32 $0x0;
	v3 =	vlaneseq.u32;
	[tilespmem:$0x2600] =	vst v0;
	v2 =	vld [tilespmem:$0x2580]  }
0x125: {  	s14 =	sand.u32 $0x1FF0, s14;
	[tilespmem:$0x2680] =	vst v3;
	v4 =	vld [tilespmem:$0x380]  }
0x126: {  	v5 =	vld [tilespmem:s14+$0x580];
	_ =	sdelay $0x3  }
0x127: {  	v6 =	vshra.s32 v3, $0x7  }
0x128: {  	vm14 =	vlt.s32 v6, v2;
	vm13 =	vge.f32 v5, v4  }
0x129: {  	vm0 =	vmand vm14, vm13  }
0x12a: {  	v4 =	vsel vm0, $0x1, v0  }
0x12b: {  	(xrf0) =	vadd.scan.msk.s32 $0xffff, v4;
	_ =	sdelay $0x1  }
0x12c: {  	v4 =	vld [tilespmem:$0x2600];
	_ =	sdelay $0x3  }
0x12d: {  	v6, _, _ =	vpop (xrf0)  }
0x12e: {  	v6 =	vadd.s32 v6, v4  }
0x12f: {  	v6 =	vadd.s32 $0xFFFFFFFF, v6  }
0x130: {  	vm15 =	vlt.s32 v6, $0x10F  }
0x131: {  	v6 =	vnsel vm15, $0x10F, v6;
	_ =	sdelay $0x3  }
0x132: {  	v7 =	vmpcnt.ones.xlane vm0  }
0x133: {  	[tilespmem:v6+s10+$0x0] =	vst.idx.msk vm0, v5  }
0x134: {  	s14 =	simm.s32 $0x10;
	v4 =	vadd.s32 v4, v7;
	[tilespmem:v6+s11+$0x0] =	vst.idx.msk vm0, v3;
	v3 =	vadd.s32 $0x10, v3  }
.LBB2_8:
0x135: {  	p0 =	sne.s32 s14, $0x1FF0;
	[tilespmem:$0x2600] =	vst v4;
	s15 =	smov.u32 s14;
	s14 =	sadd.s32 $0x10, s14  }
0x136: {  	s15 =	sand.u32 $0x1FF0, s15;
	v4 =	vld [tilespmem:$0x380];
	[tilespmem:$0x2680] =	vst v3  }
0x137: {  	v5 =	vld [tilespmem:s15+$0x580];
	_ =	sdelay $0x3  }
0x138: {  	v6 =	vshra.s32 v3, $0x7  }
0x139: {  	vm1 =	vlt.s32 v6, v2;
	vm0 =	vge.f32 v5, v4  }
0x13a: {  	vm0 =	vmand vm1, vm0  }
0x13b: {  	v4 =	vsel vm0, $0x1, v0  }
0x13c: {  	(xrf0) =	vadd.scan.msk.s32 $0xffff, v4;
	_ =	sdelay $0x1  }
0x13d: {  	v4 =	vld [tilespmem:$0x2600];
	_ =	sdelay $0x3  }
0x13e: {  	v6, _, _ =	vpop (xrf0)  }
0x13f: {  	v6 =	vadd.s32 v6, v4  }
0x140: {  	v6 =	vadd.s32 $0xFFFFFFFF, v6  }
0x141: {  	vm1 =	vlt.s32 v6, $0x10F  }
0x142: {  	v6 =	vnsel vm1, $0x10F, v6;
	_ =	sdelay $0x1  }
.Ltmp3:
0x143: {  	(pc) =	sbr.rel @p0 .LBB2_8-.Ltmp3, $4  }
0x144: {  	_ = 	snop  }
0x145: {  	v7 =	vmpcnt.ones.xlane vm0  }
0x146: {  	[tilespmem:v6+s10+$0x0] =	vst.idx.msk vm0, v5  }
0x147: {  	v4 =	vadd.s32 v4, v7;
	[tilespmem:v6+s11+$0x0] =	vst.idx.msk vm0, v3;
	v3 =	vadd.s32 $0x10, v3  }
0x148: {  	[tilespmem:$0x2600] =	vst v4  }
0x149: {  	v2 =	vld [tilespmem:$0x2600];
	_ =	sdelay $0x4  }
0x14a: {  	vm0 =	vlt.s32 v2, $0x100  }
0x14b: {  	[tilespmem:$0x2680] =	vst v3;
	v2 =	vnsel vm0, $0x100, v2  }
0x14c: {  	s14 =	simm.s32 $0x0;
	s15 =	rddreg [dreg:$0x8];
	[tilespmem:$0x2580] =	vst v2  }
0x14d: {  	[hbm4b:s15+s14] =	stream.linear.scatter [tilespmem:s10], [sflag:$0x2], $0x100, $0x38;
	[tilespmem:$0x2A00] =	vst v63  }
0x14e: {  	_ =	swait.ge [sflag:s2], $0x100  }
0x14f: {  	[sflag:s2] =	ssyncset.done $0x0  }
0x150: {  	s15 =	rddreg [dreg:$0x9];
	[sflag:s2] =	ssyncadd.s32 $0xFFFFFF00  }
0x151: {  	[hbm4b:s15+s14] =	stream.linear.scatter [tilespmem:s11], [sflag:$0x2], $0x100, $0x38;
	[tilespmem:$0x2A00] =	vst v63  }
0x152: {  	_ =	swait.ge [sflag:s2], $0x100  }
0x153: {  	[sflag:s2] =	ssyncset.done $0x0  }
0x154: {  	s15 =	rddreg [dreg:$0x10];
	[sflag:s2] =	ssyncadd.s32 $0xFFFFFF00  }
0x155: {  	[hbm4b:s15+s14] =	stream.linear.scatter [tilespmem:s5], [sflag:$0x2], $0x40, $0x38;
	[tilespmem:$0x2A00] =	vst v63  }
0x156: {  	_ =	swait.ge [sflag:s2], $0x40  }
0x157: {  	[sflag:s2] =	ssyncset.done $0x0  }
0x158: {  	[sflag:s2] =	ssyncadd.s32 $0xFFFFFFC0  }
0x159: {  	[hbm4b:s23+s14] =	stream.linear.scatter [tilespmem:s12], [sflag:$0x2], $0x10, $0x38;
	[tilespmem:$0x2A00] =	vst v63  }
0x15a: {  	_ =	swait.ge [sflag:s2], $0x10  }
0x15b: {  	[sflag:s2] =	ssyncset.done $0x0  }
0x15c: {  	s15 =	rddreg [dreg:$0xa];
	[sflag:s2] =	ssyncadd.s32 $0xFFFFFFF0  }
0x15d: {  	[tilespmem:s14], [sflag:$0x2] =	stream.linear.gather [hbm4b:s15+s14], $0x380, $0x38;
	[tilespmem:$0x2A00] =	vst v63  }
0x15e: {  	_ =	swait.ge [sflag:s2], $0x380  }
0x15f: {  	[sflag:s2] =	ssyncset.done $0x0  }
0x160: {  	[sflag:s2] =	ssyncadd.s32 $0xFFFFFC80  }
0x161: {  	[tilespmem:s3], [sflag:$0x2] =	stream.linear.gather [hbm4b:s25+s14], $0x10, $0x38;
	[tilespmem:$0x2A00] =	vst v63  }
0x162: {  	_ =	swait.ge [sflag:s2], $0x10  }
0x163: {  	[sflag:s2] =	ssyncset.done $0x0  }
0x164: {  	[sflag:s2] =	ssyncadd.s32 $0xFFFFFFF0  }
0x165: {  	[tilespmem:s4], [sflag:$0x2] =	stream.linear.gather [hbm4b:s26+s14], $0x10, $0x38;
	[tilespmem:$0x2A00] =	vst v63  }
0x166: {  	_ =	swait.ge [sflag:s2], $0x10  }
0x167: {  	[sflag:s2] =	ssyncset.done $0x0  }
0x168: {  	[sflag:s2] =	ssyncadd.s32 $0xFFFFFFF0  }
0x169: {  	[tilespmem:$0x480] =	vst v0  }
0x16a: {  	[tilespmem:$0x490] =	vst v0  }
0x16b: {  	[tilespmem:$0x4A0] =	vst v0  }
0x16c: {  	[tilespmem:$0x4B0] =	vst v0  }
0x16d: {  	[tilespmem:$0x4C0] =	vst v0  }
0x16e: {  	[tilespmem:$0x4D0] =	vst v0  }
0x16f: {  	v2 =	vlaneseq.u32;
	[tilespmem:$0x2600] =	vst v0  }
0x170: {  	s15 =	simm.s32 $0x0;
	[tilespmem:$0x2680] =	vst v2;
	v3 =	vld [tilespmem:$0x380]  }
0x171: {  	s14 =	simm.s32 $0x40;
	v4 =	vld [tilespmem:s15+$0x0]  }
.LBB2_10:
0x172: {  	p0 =	sne.s32 s14, $0xDC0;
	_ =	sdelay $0x3  }
0x173: {  	vm0 =	vge.f32 v4, v3  }
0x174: {  	v3 =	vsel vm0, $0x1, v0  }
0x175: {  	(xrf0) =	vadd.scan.msk.s32 $0xffff, v3;
	_ =	sdelay $0x1  }
0x176: {  	v3 =	vld [tilespmem:$0x2600];
	_ =	sdelay $0x3  }
0x177: {  	v4, _, _ =	vpop (xrf0)  }
0x178: {  	v4 =	vadd.s32 v4, v3  }
0x179: {  	v4 =	vadd.s32 $0xFFFFFFFF, v4  }
0x17a: {  	vm1 =	vlt.s32 v4, $0x5F  }
0x17b: {  	v4 =	vnsel vm1, $0x5F, v4;
	_ =	sdelay $0x2  }
0x17c: {  	v5 =	vmpcnt.ones.xlane vm0  }
.Ltmp4:
0x17d: {  	(pc) =	sbr.rel @p0 .LBB2_10-.Ltmp4, $4  }
0x17e: {  	v3 =	vadd.s32 v3, v5;
	[tilespmem:v4+s5+$0x0] =	vst.idx.msk vm0, v2  }
0x17f: {  	v2 =	vadd.s32 $0x10, v2;
	[tilespmem:$0x2600] =	vst v3  }
0x180: {  	s15 =	sshra.s32 s14, $0x2;
	v3 =	vld [tilespmem:$0x380];
	[tilespmem:$0x2680] =	vst v2  }
0x181: {  	s14 =	sadd.s32 $0x40, s14;
	v4 =	vld [tilespmem:s15+$0x0]  }
0x182: {  	_ =	sdelay $0x3  }
0x183: {  	vm0 =	vge.f32 v4, v3  }
0x184: {  	v3 =	vsel vm0, $0x1, v0  }
0x185: {  	(xrf0) =	vadd.scan.msk.s32 $0xffff, v3;
	_ =	sdelay $0x1  }
0x186: {  	v3 =	vld [tilespmem:$0x2600];
	_ =	sdelay $0x3  }
0x187: {  	v4, _, _ =	vpop (xrf0)  }
0x188: {  	v4 =	vadd.s32 v4, v3  }
0x189: {  	v4 =	vadd.s32 $0xFFFFFFFF, v4  }
0x18a: {  	vm1 =	vlt.s32 v4, $0x5F  }
0x18b: {  	v4 =	vnsel vm1, $0x5F, v4;
	_ =	sdelay $0x2  }
0x18c: {  	v5 =	vmpcnt.ones.xlane vm0;
	_ =	sdelay $0x1  }
0x18d: {  	v3 =	vadd.s32 v3, v5;
	[tilespmem:v4+s5+$0x0] =	vst.idx.msk vm0, v2  }
0x18e: {  	[tilespmem:$0x2600] =	vst v3  }
0x18f: {  	v3 =	vld [tilespmem:$0x2600]  }
0x190: {  	v4 =	vld [tilespmem:$0x400]  }
0x191: {  	v5 =	vld [tilespmem:$0x480]  }
0x192: {  	v6 =	vld [tilespmem:$0x490]  }
0x193: {  	v7 =	vld [tilespmem:$0x4A0]  }
0x194: {  	v2 =	vadd.s32 $0x10, v2;
	v8 =	vld [tilespmem:$0x4B0];
	vm12 =	vlt.s32 v3, $0x40  }
0x195: {  	[tilespmem:$0x2680] =	vst v2;
	v2 =	vnsel vm12, $0x40, v3  }
0x196: {  	[tilespmem:$0x2580] =	vst v2;
	v2 =	vadd.s32 v4, v5  }
0x197: {  	[tilespmem:$0x500] =	vst v2;
	v2 =	vadd.s32 v4, v6  }
0x198: {  	[tilespmem:$0x510] =	vst v2;
	v2 =	vadd.s32 v4, v7  }
0x199: {  	[tilespmem:$0x520] =	vst v2;
	v2 =	vadd.s32 v4, v8  }
0x19a: {  	[tilespmem:$0x530] =	vst v2  }
0x19b: {  	[tilespmem:s8], [sflag:$0x1] =	stream.indirect.gather [hbm4b:s24+s6], $0x80, s7, s6, $0xb8;
	[tilespmem:$0x2A00] =	vst v63  }
0x19c: {  	_ =	swait.ge [sflag:s9], $0x2000  }
0x19d: {  	[sflag:s9] =	ssyncset.done $0x0  }
0x19e: {  	[sflag:s9] =	ssyncadd.s32 $0xFFFFE000  }
0x19f: {  	[tilespmem:$0x2700] =	vst v1  }
0x1a0: {  	[tilespmem:$0x2880] =	vst v0  }
0x1a1: {  	[tilespmem:$0x2710] =	vst v1  }
0x1a2: {  	[tilespmem:$0x2890] =	vst v0  }
0x1a3: {  	[tilespmem:$0x2720] =	vst v1  }
0x1a4: {  	[tilespmem:$0x28A0] =	vst v0  }
0x1a5: {  	[tilespmem:$0x2730] =	vst v1  }
0x1a6: {  	[tilespmem:$0x28B0] =	vst v0  }
0x1a7: {  	[tilespmem:$0x2740] =	vst v1  }
0x1a8: {  	[tilespmem:$0x28C0] =	vst v0  }
0x1a9: {  	[tilespmem:$0x2750] =	vst v1  }
0x1aa: {  	[tilespmem:$0x28D0] =	vst v0  }
0x1ab: {  	[tilespmem:$0x2760] =	vst v1  }
0x1ac: {  	[tilespmem:$0x28E0] =	vst v0  }
0x1ad: {  	[tilespmem:$0x2770] =	vst v1  }
0x1ae: {  	[tilespmem:$0x28F0] =	vst v0  }
0x1af: {  	[tilespmem:$0x2780] =	vst v1  }
0x1b0: {  	[tilespmem:$0x2900] =	vst v0  }
0x1b1: {  	[tilespmem:$0x2790] =	vst v1  }
0x1b2: {  	[tilespmem:$0x2910] =	vst v0  }
0x1b3: {  	[tilespmem:$0x27A0] =	vst v1  }
0x1b4: {  	[tilespmem:$0x2920] =	vst v0  }
0x1b5: {  	[tilespmem:$0x27B0] =	vst v1  }
0x1b6: {  	[tilespmem:$0x2930] =	vst v0  }
0x1b7: {  	[tilespmem:$0x27C0] =	vst v1  }
0x1b8: {  	[tilespmem:$0x2940] =	vst v0  }
0x1b9: {  	[tilespmem:$0x27D0] =	vst v1  }
0x1ba: {  	[tilespmem:$0x2950] =	vst v0  }
0x1bb: {  	[tilespmem:$0x27E0] =	vst v1  }
0x1bc: {  	[tilespmem:$0x2960] =	vst v0  }
0x1bd: {  	[tilespmem:$0x27F0] =	vst v1  }
0x1be: {  	[tilespmem:$0x2970] =	vst v0  }
0x1bf: {  	[tilespmem:$0x2800] =	vst v1  }
0x1c0: {  	[tilespmem:$0x2980] =	vst v0  }
0x1c1: {  	s14 =	simm.s32 $0x0;
	v3 =	vlaneseq.u32;
	[tilespmem:$0x2600] =	vst v0;
	v2 =	vld [tilespmem:$0x2580]  }
0x1c2: {  	s14 =	sand.u32 $0x1FF0, s14;
	[tilespmem:$0x2680] =	vst v3;
	v4 =	vld [tilespmem:$0x380]  }
0x1c3: {  	v5 =	vld [tilespmem:s14+$0x580];
	_ =	sdelay $0x3  }
0x1c4: {  	v6 =	vshra.s32 v3, $0x7  }
0x1c5: {  	vm14 =	vlt.s32 v6, v2;
	vm13 =	vge.f32 v5, v4  }
0x1c6: {  	vm0 =	vmand vm14, vm13  }
0x1c7: {  	v4 =	vsel vm0, $0x1, v0  }
0x1c8: {  	(xrf0) =	vadd.scan.msk.s32 $0xffff, v4;
	_ =	sdelay $0x1  }
0x1c9: {  	v4 =	vld [tilespmem:$0x2600];
	_ =	sdelay $0x3  }
0x1ca: {  	v6, _, _ =	vpop (xrf0)  }
0x1cb: {  	v6 =	vadd.s32 v6, v4  }
0x1cc: {  	v6 =	vadd.s32 $0xFFFFFFFF, v6  }
0x1cd: {  	vm15 =	vlt.s32 v6, $0x10F  }
0x1ce: {  	v6 =	vnsel vm15, $0x10F, v6;
	_ =	sdelay $0x3  }
0x1cf: {  	v7 =	vmpcnt.ones.xlane vm0  }
0x1d0: {  	[tilespmem:v6+s10+$0x0] =	vst.idx.msk vm0, v5  }
0x1d1: {  	s14 =	simm.s32 $0x10;
	v4 =	vadd.s32 v4, v7;
	[tilespmem:v6+s11+$0x0] =	vst.idx.msk vm0, v3;
	v3 =	vadd.s32 $0x10, v3  }
.LBB2_12:
0x1d2: {  	p0 =	sne.s32 s14, $0x1FF0;
	[tilespmem:$0x2600] =	vst v4;
	s15 =	smov.u32 s14;
	s14 =	sadd.s32 $0x10, s14  }
0x1d3: {  	s15 =	sand.u32 $0x1FF0, s15;
	v4 =	vld [tilespmem:$0x380];
	[tilespmem:$0x2680] =	vst v3  }
0x1d4: {  	v5 =	vld [tilespmem:s15+$0x580];
	_ =	sdelay $0x3  }
0x1d5: {  	v6 =	vshra.s32 v3, $0x7  }
0x1d6: {  	vm1 =	vlt.s32 v6, v2;
	vm0 =	vge.f32 v5, v4  }
0x1d7: {  	vm0 =	vmand vm1, vm0  }
0x1d8: {  	v4 =	vsel vm0, $0x1, v0  }
0x1d9: {  	(xrf0) =	vadd.scan.msk.s32 $0xffff, v4;
	_ =	sdelay $0x1  }
0x1da: {  	v4 =	vld [tilespmem:$0x2600];
	_ =	sdelay $0x3  }
0x1db: {  	v6, _, _ =	vpop (xrf0)  }
0x1dc: {  	v6 =	vadd.s32 v6, v4  }
0x1dd: {  	v6 =	vadd.s32 $0xFFFFFFFF, v6  }
0x1de: {  	vm1 =	vlt.s32 v6, $0x10F  }
0x1df: {  	v6 =	vnsel vm1, $0x10F, v6;
	_ =	sdelay $0x1  }
.Ltmp5:
0x1e0: {  	(pc) =	sbr.rel @p0 .LBB2_12-.Ltmp5, $4  }
0x1e1: {  	_ = 	snop  }
0x1e2: {  	v7 =	vmpcnt.ones.xlane vm0  }
0x1e3: {  	[tilespmem:v6+s10+$0x0] =	vst.idx.msk vm0, v5  }
0x1e4: {  	v4 =	vadd.s32 v4, v7;
	[tilespmem:v6+s11+$0x0] =	vst.idx.msk vm0, v3;
	v3 =	vadd.s32 $0x10, v3  }
0x1e5: {  	[tilespmem:$0x2600] =	vst v4  }
0x1e6: {  	v2 =	vld [tilespmem:$0x2600];
	_ =	sdelay $0x4  }
0x1e7: {  	vm0 =	vlt.s32 v2, $0x100  }
0x1e8: {  	[tilespmem:$0x2680] =	vst v3;
	v2 =	vnsel vm0, $0x100, v2  }
0x1e9: {  	s14 =	simm.s32 $0x0;
	s15 =	rddreg [dreg:$0xb];
	[tilespmem:$0x2580] =	vst v2  }
0x1ea: {  	[hbm4b:s15+s14] =	stream.linear.scatter [tilespmem:s10], [sflag:$0x2], $0x100, $0x38;
	[tilespmem:$0x2A00] =	vst v63  }
0x1eb: {  	_ =	swait.ge [sflag:s2], $0x100  }
0x1ec: {  	[sflag:s2] =	ssyncset.done $0x0  }
0x1ed: {  	s15 =	rddreg [dreg:$0xc];
	[sflag:s2] =	ssyncadd.s32 $0xFFFFFF00  }
0x1ee: {  	[hbm4b:s15+s14] =	stream.linear.scatter [tilespmem:s11], [sflag:$0x2], $0x100, $0x38;
	[tilespmem:$0x2A00] =	vst v63  }
0x1ef: {  	_ =	swait.ge [sflag:s2], $0x100  }
0x1f0: {  	[sflag:s2] =	ssyncset.done $0x0  }
0x1f1: {  	[sflag:s2] =	ssyncadd.s32 $0xFFFFFF00  }
0x1f2: {  	[hbm4b:s16+s14] =	stream.linear.scatter [tilespmem:s5], [sflag:$0x2], $0x40, $0x38;
	[tilespmem:$0x2A00] =	vst v63  }
0x1f3: {  	_ =	swait.ge [sflag:s2], $0x40  }
0x1f4: {  	[sflag:s2] =	ssyncset.done $0x0  }
0x1f5: {  	[sflag:s2] =	ssyncadd.s32 $0xFFFFFFC0  }
0x1f6: {  	[hbm4b:s28+s14] =	stream.linear.scatter [tilespmem:s12], [sflag:$0x2], $0x10, $0x38;
	[tilespmem:$0x2A00] =	vst v63  }
0x1f7: {  	_ =	swait.ge [sflag:s2], $0x10  }
0x1f8: {  	[sflag:s2] =	ssyncset.done $0x0  }
0x1f9: {  	s15 =	rddreg [dreg:$0xd];
	[sflag:s2] =	ssyncadd.s32 $0xFFFFFFF0  }
0x1fa: {  	[tilespmem:s14], [sflag:$0x2] =	stream.linear.gather [hbm4b:s15+s14], $0x380, $0x38;
	[tilespmem:$0x2A00] =	vst v63  }
0x1fb: {  	_ =	swait.ge [sflag:s2], $0x380  }
0x1fc: {  	[sflag:s2] =	ssyncset.done $0x0  }
0x1fd: {  	[sflag:s2] =	ssyncadd.s32 $0xFFFFFC80  }
0x1fe: {  	[tilespmem:s3], [sflag:$0x2] =	stream.linear.gather [hbm4b:s29+s14], $0x10, $0x38;
	[tilespmem:$0x2A00] =	vst v63  }
0x1ff: {  	_ =	swait.ge [sflag:s2], $0x10  }
0x200: {  	[sflag:s2] =	ssyncset.done $0x0  }
0x201: {  	[sflag:s2] =	ssyncadd.s32 $0xFFFFFFF0  }
0x202: {  	[tilespmem:s4], [sflag:$0x2] =	stream.linear.gather [hbm4b:s30+s14], $0x10, $0x38;
	[tilespmem:$0x2A00] =	vst v63  }
0x203: {  	_ =	swait.ge [sflag:s2], $0x10  }
0x204: {  	[sflag:s2] =	ssyncset.done $0x0  }
0x205: {  	[sflag:s2] =	ssyncadd.s32 $0xFFFFFFF0  }
0x206: {  	[tilespmem:$0x480] =	vst v0  }
0x207: {  	[tilespmem:$0x490] =	vst v0  }
0x208: {  	[tilespmem:$0x4A0] =	vst v0  }
0x209: {  	[tilespmem:$0x4B0] =	vst v0  }
0x20a: {  	[tilespmem:$0x4C0] =	vst v0  }
0x20b: {  	[tilespmem:$0x4D0] =	vst v0  }
0x20c: {  	v2 =	vlaneseq.u32;
	[tilespmem:$0x2600] =	vst v0  }
0x20d: {  	s15 =	simm.s32 $0x0;
	[tilespmem:$0x2680] =	vst v2;
	v3 =	vld [tilespmem:$0x380]  }
0x20e: {  	s14 =	simm.s32 $0x40;
	v4 =	vld [tilespmem:s15+$0x0]  }
.LBB2_14:
0x20f: {  	p0 =	sne.s32 s14, $0xDC0;
	_ =	sdelay $0x3  }
0x210: {  	vm0 =	vge.f32 v4, v3  }
0x211: {  	v3 =	vsel vm0, $0x1, v0  }
0x212: {  	(xrf0) =	vadd.scan.msk.s32 $0xffff, v3;
	_ =	sdelay $0x1  }
0x213: {  	v3 =	vld [tilespmem:$0x2600];
	_ =	sdelay $0x3  }
0x214: {  	v4, _, _ =	vpop (xrf0)  }
0x215: {  	v4 =	vadd.s32 v4, v3  }
0x216: {  	v4 =	vadd.s32 $0xFFFFFFFF, v4  }
0x217: {  	vm1 =	vlt.s32 v4, $0x5F  }
0x218: {  	v4 =	vnsel vm1, $0x5F, v4;
	_ =	sdelay $0x2  }
0x219: {  	v5 =	vmpcnt.ones.xlane vm0  }
.Ltmp6:
0x21a: {  	(pc) =	sbr.rel @p0 .LBB2_14-.Ltmp6, $4  }
0x21b: {  	v3 =	vadd.s32 v3, v5;
	[tilespmem:v4+s5+$0x0] =	vst.idx.msk vm0, v2  }
0x21c: {  	v2 =	vadd.s32 $0x10, v2;
	[tilespmem:$0x2600] =	vst v3  }
0x21d: {  	s15 =	sshra.s32 s14, $0x2;
	v3 =	vld [tilespmem:$0x380];
	[tilespmem:$0x2680] =	vst v2  }
0x21e: {  	s14 =	sadd.s32 $0x40, s14;
	v4 =	vld [tilespmem:s15+$0x0]  }
0x21f: {  	_ =	sdelay $0x3  }
0x220: {  	vm0 =	vge.f32 v4, v3  }
0x221: {  	v3 =	vsel vm0, $0x1, v0  }
0x222: {  	(xrf0) =	vadd.scan.msk.s32 $0xffff, v3;
	_ =	sdelay $0x1  }
0x223: {  	v3 =	vld [tilespmem:$0x2600];
	_ =	sdelay $0x3  }
0x224: {  	v4, _, _ =	vpop (xrf0)  }
0x225: {  	v4 =	vadd.s32 v4, v3  }
0x226: {  	v4 =	vadd.s32 $0xFFFFFFFF, v4  }
0x227: {  	vm1 =	vlt.s32 v4, $0x5F  }
0x228: {  	v4 =	vnsel vm1, $0x5F, v4;
	_ =	sdelay $0x2  }
0x229: {  	v5 =	vmpcnt.ones.xlane vm0;
	_ =	sdelay $0x1  }
0x22a: {  	v3 =	vadd.s32 v3, v5;
	[tilespmem:v4+s5+$0x0] =	vst.idx.msk vm0, v2  }
0x22b: {  	[tilespmem:$0x2600] =	vst v3  }
0x22c: {  	v3 =	vld [tilespmem:$0x2600]  }
0x22d: {  	v4 =	vld [tilespmem:$0x400]  }
0x22e: {  	v5 =	vld [tilespmem:$0x480]  }
0x22f: {  	v6 =	vld [tilespmem:$0x490]  }
0x230: {  	v7 =	vld [tilespmem:$0x4A0]  }
0x231: {  	v2 =	vadd.s32 $0x10, v2;
	v8 =	vld [tilespmem:$0x4B0];
	vm12 =	vlt.s32 v3, $0x40  }
0x232: {  	[tilespmem:$0x2680] =	vst v2;
	v2 =	vnsel vm12, $0x40, v3  }
0x233: {  	[tilespmem:$0x2580] =	vst v2;
	v2 =	vadd.s32 v4, v5  }
0x234: {  	[tilespmem:$0x500] =	vst v2;
	v2 =	vadd.s32 v4, v6  }
0x235: {  	[tilespmem:$0x510] =	vst v2;
	v2 =	vadd.s32 v4, v7  }
0x236: {  	[tilespmem:$0x520] =	vst v2;
	v2 =	vadd.s32 v4, v8  }
0x237: {  	[tilespmem:$0x530] =	vst v2  }
0x238: {  	[tilespmem:s8], [sflag:$0x1] =	stream.indirect.gather [hbm4b:s24+s6], $0x80, s7, s6, $0xb8;
	[tilespmem:$0x2A00] =	vst v63  }
0x239: {  	_ =	swait.ge [sflag:s9], $0x2000  }
0x23a: {  	[sflag:s9] =	ssyncset.done $0x0  }
0x23b: {  	[sflag:s9] =	ssyncadd.s32 $0xFFFFE000  }
0x23c: {  	[tilespmem:$0x2700] =	vst v1  }
0x23d: {  	[tilespmem:$0x2880] =	vst v0  }
0x23e: {  	[tilespmem:$0x2710] =	vst v1  }
0x23f: {  	[tilespmem:$0x2890] =	vst v0  }
0x240: {  	[tilespmem:$0x2720] =	vst v1  }
0x241: {  	[tilespmem:$0x28A0] =	vst v0  }
0x242: {  	[tilespmem:$0x2730] =	vst v1  }
0x243: {  	[tilespmem:$0x28B0] =	vst v0  }
0x244: {  	[tilespmem:$0x2740] =	vst v1  }
0x245: {  	[tilespmem:$0x28C0] =	vst v0  }
0x246: {  	[tilespmem:$0x2750] =	vst v1  }
0x247: {  	[tilespmem:$0x28D0] =	vst v0  }
0x248: {  	[tilespmem:$0x2760] =	vst v1  }
0x249: {  	[tilespmem:$0x28E0] =	vst v0  }
0x24a: {  	[tilespmem:$0x2770] =	vst v1  }
0x24b: {  	[tilespmem:$0x28F0] =	vst v0  }
0x24c: {  	[tilespmem:$0x2780] =	vst v1  }
0x24d: {  	[tilespmem:$0x2900] =	vst v0  }
0x24e: {  	[tilespmem:$0x2790] =	vst v1  }
0x24f: {  	[tilespmem:$0x2910] =	vst v0  }
0x250: {  	[tilespmem:$0x27A0] =	vst v1  }
0x251: {  	[tilespmem:$0x2920] =	vst v0  }
0x252: {  	[tilespmem:$0x27B0] =	vst v1  }
0x253: {  	[tilespmem:$0x2930] =	vst v0  }
0x254: {  	[tilespmem:$0x27C0] =	vst v1  }
0x255: {  	[tilespmem:$0x2940] =	vst v0  }
0x256: {  	[tilespmem:$0x27D0] =	vst v1  }
0x257: {  	[tilespmem:$0x2950] =	vst v0  }
0x258: {  	[tilespmem:$0x27E0] =	vst v1  }
0x259: {  	[tilespmem:$0x2960] =	vst v0  }
0x25a: {  	[tilespmem:$0x27F0] =	vst v1  }
0x25b: {  	[tilespmem:$0x2970] =	vst v0  }
0x25c: {  	[tilespmem:$0x2800] =	vst v1  }
0x25d: {  	[tilespmem:$0x2980] =	vst v0  }
0x25e: {  	s14 =	simm.s32 $0x0;
	v3 =	vlaneseq.u32;
	[tilespmem:$0x2600] =	vst v0;
	v2 =	vld [tilespmem:$0x2580]  }
0x25f: {  	s14 =	sand.u32 $0x1FF0, s14;
	[tilespmem:$0x2680] =	vst v3;
	v4 =	vld [tilespmem:$0x380]  }
0x260: {  	v5 =	vld [tilespmem:s14+$0x580];
	_ =	sdelay $0x3  }
0x261: {  	v6 =	vshra.s32 v3, $0x7  }
0x262: {  	vm14 =	vlt.s32 v6, v2;
	vm13 =	vge.f32 v5, v4  }
0x263: {  	vm0 =	vmand vm14, vm13  }
0x264: {  	v4 =	vsel vm0, $0x1, v0  }
0x265: {  	(xrf0) =	vadd.scan.msk.s32 $0xffff, v4;
	_ =	sdelay $0x1  }
0x266: {  	v4 =	vld [tilespmem:$0x2600];
	_ =	sdelay $0x3  }
0x267: {  	v6, _, _ =	vpop (xrf0)  }
0x268: {  	v6 =	vadd.s32 v6, v4  }
0x269: {  	v6 =	vadd.s32 $0xFFFFFFFF, v6  }
0x26a: {  	vm15 =	vlt.s32 v6, $0x10F  }
0x26b: {  	v6 =	vnsel vm15, $0x10F, v6;
	_ =	sdelay $0x3  }
0x26c: {  	v7 =	vmpcnt.ones.xlane vm0  }
0x26d: {  	[tilespmem:v6+s10+$0x0] =	vst.idx.msk vm0, v5  }
0x26e: {  	s14 =	simm.s32 $0x10;
	v4 =	vadd.s32 v4, v7;
	[tilespmem:v6+s11+$0x0] =	vst.idx.msk vm0, v3;
	v3 =	vadd.s32 $0x10, v3  }
.LBB2_16:
0x26f: {  	p0 =	sne.s32 s14, $0x1FF0;
	[tilespmem:$0x2600] =	vst v4;
	s15 =	smov.u32 s14;
	s14 =	sadd.s32 $0x10, s14  }
0x270: {  	s15 =	sand.u32 $0x1FF0, s15;
	v4 =	vld [tilespmem:$0x380];
	[tilespmem:$0x2680] =	vst v3  }
0x271: {  	v5 =	vld [tilespmem:s15+$0x580];
	_ =	sdelay $0x3  }
0x272: {  	v6 =	vshra.s32 v3, $0x7  }
0x273: {  	vm1 =	vlt.s32 v6, v2;
	vm0 =	vge.f32 v5, v4  }
0x274: {  	vm0 =	vmand vm1, vm0  }
0x275: {  	v4 =	vsel vm0, $0x1, v0  }
0x276: {  	(xrf0) =	vadd.scan.msk.s32 $0xffff, v4;
	_ =	sdelay $0x1  }
0x277: {  	v4 =	vld [tilespmem:$0x2600];
	_ =	sdelay $0x3  }
0x278: {  	v6, _, _ =	vpop (xrf0)  }
0x279: {  	v6 =	vadd.s32 v6, v4  }
0x27a: {  	v6 =	vadd.s32 $0xFFFFFFFF, v6  }
0x27b: {  	vm1 =	vlt.s32 v6, $0x10F  }
0x27c: {  	v6 =	vnsel vm1, $0x10F, v6;
	_ =	sdelay $0x1  }
.Ltmp7:
0x27d: {  	(pc) =	sbr.rel @p0 .LBB2_16-.Ltmp7, $4  }
0x27e: {  	_ = 	snop  }
0x27f: {  	v7 =	vmpcnt.ones.xlane vm0  }
0x280: {  	[tilespmem:v6+s10+$0x0] =	vst.idx.msk vm0, v5  }
0x281: {  	v4 =	vadd.s32 v4, v7;
	[tilespmem:v6+s11+$0x0] =	vst.idx.msk vm0, v3;
	v3 =	vadd.s32 $0x10, v3  }
0x282: {  	[tilespmem:$0x2600] =	vst v4  }
0x283: {  	v2 =	vld [tilespmem:$0x2600];
	_ =	sdelay $0x4  }
0x284: {  	vm0 =	vlt.s32 v2, $0x100  }
0x285: {  	[tilespmem:$0x2680] =	vst v3;
	v2 =	vnsel vm0, $0x100, v2  }
0x286: {  	s14 =	rddreg [dreg:$0xe];
	[tilespmem:$0x2580] =	vst v2  }
0x287: {  	[hbm4b:s14+s1] =	stream.linear.scatter [tilespmem:s10], [sflag:$0x2], $0x100, $0x38;
	[tilespmem:$0x2A00] =	vst v63  }
0x288: {  	_ =	swait.ge [sflag:s2], $0x100  }
0x289: {  	[sflag:s2] =	ssyncset.done $0x0  }
0x28a: {  	s15 =	rddreg [dreg:$0xf];
	[sflag:s2] =	ssyncadd.s32 $0xFFFFFF00  }
0x28b: {  	[hbm4b:s15+s1] =	stream.linear.scatter [tilespmem:s11], [sflag:$0x2], $0x100, $0x38;
	[tilespmem:$0x2A00] =	vst v63  }
0x28c: {  	_ =	swait.ge [sflag:s2], $0x100  }
0x28d: {  	[sflag:s2] =	ssyncset.done $0x0  }
0x28e: {  	[sflag:s2] =	ssyncadd.s32 $0xFFFFFF00  }
0x28f: {  	[hbm4b:s17+s1] =	stream.linear.scatter [tilespmem:s5], [sflag:$0x2], $0x40, $0x38;
	[tilespmem:$0x2A00] =	vst v63  }
0x290: {  	s13 =	sadd.s32 $0x1, s13;
	_ =	swait.ge [sflag:s2], $0x40  }
0x291: {  	p0 =	sne.s32 s13, s0;
	[sflag:s2] =	ssyncset.done $0x0  }
.Ltmp8:
0x292: {  	[sflag:s2] =	ssyncadd.s32 $0xFFFFFFC0;
	(pc) =	sbr.rel @p0 .LBB2_1-.Ltmp8, $4  }
0x293: {  	[hbm4b:s31+s1] =	stream.linear.scatter [tilespmem:s12], [sflag:$0x2], $0x10, $0x38;
	[tilespmem:$0x2A00] =	vst v63  }
0x294: {  	_ =	swait.ge [sflag:s2], $0x10  }
0x295: {  	[sflag:s2] =	ssyncset.done $0x0  }
0x296: {  	[sflag:s2] =	ssyncadd.s32 $0xFFFFFFF0  }
0x297: {  	_ =	sfence.sel $0x180000  }
0x298: {  	[bflag:$0x0] =	sbarrier.arrive $0xFFFF  }
0x299: {  	_ =	strace $0x9000004A  }
0x29a: {  	s0 =	stileid.u32;
	[bflag:$0x2] =	sbarrier.arrive $0xFFFF  }
0x29b: {  	p0 =	sne.s32 s0, $0x0;
	s0 =	rddreg [dreg:$0x2]  }
0x29c: {  	s0 =	sadd.s32 @!p0 $0x100000, s0  }
0x29d: {  	[sflag:s0] =	ssyncadd.tile.s32 @!p0 $0x1;
	_ =	shalt  }
.Lfunc_end2:
_tile_overlayer_lowered:
.L_overlay_start_2:
0x29e: {  	(tag) =	ssettag $0x2  }
0x29f: {  	s0 =	rddreg [dreg:$0x0];
	s2 =	stileid.u32  }
0x2a0: {  	s1 =	rddreg [dreg:$0x1];
	p0 =	sne.s32 s2, $0x0  }
0x2a1: {  	s3 =	rddreg [dreg:$0x2];
	[bflag:$0x3] =	sbarrier.arrive $0xFFFF;
	s2 =	simm.s32 @!p0 $0x1C02  }
0x2a2: {  	[timem:s3], [sflag:s2] =	dma.local @!p0 [hbm:s0], s1  }
0x2a3: {  	s0 =	simm.s32 @!p0 $0x2  }
0x2a4: {  	_ =	swait.ge @!p0 [sflag:s0], s1  }
0x2a5: {  	s1 =	ssub.s32 @!p0 $0x0, s1;
	[sflag:s0] =	ssyncset.done @!p0 $0x0  }
0x2a6: {  	[sflag:s0] =	ssyncadd.s32 @!p0 s1  }
0x2a7: {  	[bflag:$0x3] =	sbarrier.arrive $0xFFFF  }
0x2a8: {  	_ =	shalt  }

// kernel: sparse-core-data-format-call.cloned.1.call-start
scs
called_computation_lowered:
.L_overlay_start_0:
0x0: {  	s1 =	sld [smem:$0x3FD9]  }
0x1: {  	s2 =	sld [smem:$0x3FFE];
	_ =	sdelay $0x1  }
0x2: {  	s3 =	srdreg.scid  }
0x3: {  	s0 =	sand.u32 $0x1, s3  }
0x4: {  	s17 =	sshll.u32 s0, $0xA;
	s1 =	sadd.s32 s2, s1  }
0x5: {  	s1 =	sadd.s32 s1, s17  }
0x6: {  	[smem:$0x3FC6] =	sst s1  }
0x7: {  	_ = 	snop  }
0x8: {  	(tm) =	ssettm $0x1  }
0x9: {  	s18 =	sld [smem:$0x3FFB];
	_ =	sdelay $0x3  }
0xa: {  	_ =	strace s18  }
0xb: {  	s1 =	sld [smem:$0x3FFC];
	_ =	sdelay $0x3  }
0xc: {  	_ =	strace s1  }
0xd: {  	s1 =	sld [smem:$0x3FFD];
	_ =	sdelay $0x3  }
0xe: {  	_ =	strace s1  }
0xf: {  	_ =	strace $0x8FFFFFFF  }
0x10: {  	s19 =	sld [smem:$0x3FDB];
	_ =	sdelay $0x1  }
0x11: {  	s20 =	simm.s32 $_scs_section_size  }
0x12: {  	s4 =	simm.s32 $_size__tile_overlayer_lowered;
	s5 =	simm.s32 $_tile_overlayer_lowered  }
0x13: {  	s23 =	simm.s32 $0x1BFF;
	s22 =	sshll.u32 s5, $0x1;
	s1 =	sadd.s32 s20, s19  }
0x14: {  	s6 =	simm.s32 $0x0;
	s21 =	sshll.u32 s4, $0x1;
	s4 =	sadd.s32 s22, s1  }
0x15: {  	[timem:s6], [sflag:s23] =	dma.local [hbm:s4], s21  }
0x16: {  	_ =	swait.ge [sflag:s23], s21  }
0x17: {  	s2 =	ssub.s32 $0x0, s21;
	[sflag:s23] =	ssyncset.done $0x0  }
0x18: {  	[sflag:s23] =	ssyncadd.s32 s2;
	_ =	sdelay $0x1  }
0x19: {  	s24 =	simm.s32 $0x1B8B  }
0x1a: {  	_ =	swait.ge [sflag:s24], $0x1  }
0x1b: {  	[sflag:s24] =	ssyncset.done $0x0  }
0x1c: {  	s26 =	simm.s32 $0x1B8E;
	s25 =	sld [smem:$0x3FFE];
	[sflag:s24] =	ssyncadd.s32 $0xFFFFFFFF  }
0x1d: {  	s27 =	simm.s32 $execute0_lowered;
	[smem:$0x3FD2] =	sst s26  }
0x1e: {  	s4 =	sshll.u32 s27, $0x1;
	_ =	strace $0x80000046;
	[dreg:$0x1] =	wrdreg $0xFFFFFFFF  }
0x1f: {  	s28 =	simm.s32 $_size_execute0_lowered;
	s1 =	sadd.s32 s1, s4;
	[dreg:$0x0] =	wrdreg $0x0  }
0x20: {  	s4 =	sshll.u32 s28, $0x1;
	[dreg:$0x2] =	wrdreg s1  }
0x21: {  	[dreg:$0x3] =	wrdreg s4  }
0x22: {  	[dreg:$0x4] =	wrdreg $0xC0  }
0x23: {  	_ =	task [dreg:s6], $0x5FFFF  }
0x24: {  	[dreg:$0x1] =	wrdreg $0xFFFFFFFF  }
0x25: {  	[dreg:$0x0] =	wrdreg $0x60  }
0x26: {  	[dreg:$0x2] =	wrdreg s25  }
0x27: {  	[dreg:$0x3] =	wrdreg $0x9  }
0x28: {  	_ =	task.clear_ibuf [dreg:s6], $0x4FFFF;
	_ =	strace $0x90000046  }
0x29: {  	s29 =	simm.s32 $0x9;
	_ =	strace $0x80000048  }
0x2a: {  	_ =	swait.ge [sflag:s29], $0x1  }
0x2b: {  	[sflag:s29] =	ssyncadd.s32 $0xFFFFFFFF  }
0x2c: {  	_ =	strace $0x90000048  }
0x2d: {  	_ =	sfence  }
0x2e: {  	s30 =	sld [smem:$0x0];
	_ =	sdelay $0x2  }
0x2f: {  	s31 =	sshll.u32 s3, $0xD;
	s3 =	sshrl.u32 s3, $0x2  }
0x30: {  	s2 =	sand.u32 $0x4000, s31;
	s1 =	sadd.s32 s3, s30  }
0x31: {  	s0 =	sor.u32 s2, s0;
	s1 =	sshll.u32 s1, $0x11  }
0x32: {  	s0 =	sor.u32 s1, s0  }
0x33: {  	s0 =	sadd.s32 $0x8F2B, s0  }
0x34: {  	[sflag:s0] =	ssyncadd.remote.s32 $0x1  }
0x35: {  	_ =	sfence.sel $0xFFFF  }
0x36: {  	[dreg:$0x0] =	wrdreg $0xFFFFFFFF;
	(pc) =	sbr.abs _section_cstart, $3  }
0x37: {  	[dreg:$0x1] =	wrdreg $0xFFFFFFFF  }
0x38: {  	_ =	task.clear_ibuf [dreg:s6], $0x2FFFF;
	_ =	strace $0x9FFFFFFF  }
0x39: {  	(tm) =	ssettm $0x7FFFFFFF  }
tec
execute0_lowered:
.L_overlay_start_1:
0x0: {  	(tag) =	ssettag $0x1  }
0x1: {  	s0 =	srdreg.scid  }
0x2: {  	s1 =	sshll.u32 s0, $0x4  }
0x3: {  	s4 =	rddreg [dreg:$0x0];
	s0 =	stileid.u32;
	s1 =	sand.u32 $0x10, s1  }
0x4: {  	s7 =	simm.s32 $0x1;
	s8 =	simm.s32 $0x2;
	s1 =	sor.u32 s0, s1  }
0x5: {  	s11 =	simm.s32 $0x0;
	s10 =	simm.s32 $0x0;
	s2 =	sshll.u32 s1, $0x7  }
0x6: {  	s3 =	sadd.s32 $0xC00, s4;
	s4 =	sadd.s32 $0x187C00, s4;
	s6 =	ssub.s32 $0x18700, s2  }
.Ltmp0:
0x7: {  	s1 =	rddreg [dreg:$0x1];
	s5 =	sand.u32 $0xF80, s6;
	(pc) =	sbr.rel .LBB1_1-.Ltmp0, $4  }
0x8: {  	_ =	strace $0x80000047;
	s9 =	smov.u32 s2;
	p0 =	sne.s32 s5, $0x0  }
0x9: {  	s6 =	sshrl.u32 s6, $0xC;
	s5 =	simm.s32 $0x1;
	s7 =	simm.s32 @!p0 $0x0  }
0xa: {  	[sflag:s5] =	ssyncpa.u1 $0x0;
	p0 =	por $0x0, $0x0;
	s6 =	sadd.s32 s7, s6  }
0xb: {  	[sflag:s8] =	ssyncpa.u1 $0x0;
	s8 =	simm.s32 $0xC3800;
	s7 =	sadd.s32 $0x1, s6  }
.LBB1_4:
0xc: {  	v5 =	vld [tilespmem:s15+$0xFFFFFFD0];
	[tilespmem:s14+$0x2040 ss:$0x81] =	vst.msk $0xffff, v3;
	s17 =	sshll.u32 s11, $0x3  }
0xd: {  	v58 =	vld [tilespmem:s15+$0xFFFFFFE0];
	[tilespmem:s14+$0x2850 ss:$0x81] =	vst.msk $0xffff, v4;
	s25 =	sand.u32 $0x7F, s11;
	s17 =	sand.u32 $0xFFFFFC00, s17  }
0xe: {  	s16 =	sshra.s32 s16, $0x2;
	v59 =	vld [tilespmem:s15+$0xFFFFFFF0];
	[tilespmem:s14+$0x3060 ss:$0x81] =	vst.msk $0xffff, v2;
	s11 =	sor.u32 s25, s17  }
0xf: {  	v60 =	vld [tilespmem:s15+$0x0];
	[tilespmem:s14+$0x0 ss:$0x81] =	vst.msk $0xffff, v0;
	s13 =	sadd.s32 s16, s13;
	s26 =	smulhi.u32 $0xA79C7B17, s11  }
0x10: {  	v61 =	vld [tilespmem:s15+$0x10];
	[tilespmem:s13+$0x3870 ss:$0x81] =	vst.msk $0xffff, v1  }
0x11: {  	v62 =	vld [tilespmem:s15+$0x20];
	s27 =	smulhi.u32 $0xA79C7B17, s17;
	[tilespmem:s13+$0x810 ss:$0x81] =	vst.msk $0xffff, v5;
	s14 =	sshrl.u32 s26, $0x10  }
0x12: {  	v63 =	vld [tilespmem:s15+$0xFFFFFFC0];
	[tilespmem:s13+$0x1020 ss:$0x81] =	vst.msk $0xffff, v58;
	s14 =	smul.u32 $0x18700, s14  }
0x13: {  	s28 =	sshrl.u32 s27, $0x10;
	[tilespmem:s13+$0x1830 ss:$0x81] =	vst.msk $0xffff, v59  }
0x14: {  	[tilespmem:s13+$0x2040 ss:$0x81] =	vst.msk $0xffff, v60;
	s29 =	sand.u32 $0x7F, s28;
	s11 =	ssub.s32 s11, s14  }
0x15: {  	[tilespmem:s13+$0x2850 ss:$0x81] =	vst.msk $0xffff, v61;
	s14 =	smul.u32 $0x30E0, s29;
	s30 =	sshrl.u32 s11, $0x3;
	s11 =	sand.u32 $0x7, s11  }
0x16: {  	[tilespmem:s13+$0x3060 ss:$0x81] =	vst.msk $0xffff, v62;
	s15 =	sadd.s32 s4, s30;
	s11 =	sshll.u32 s11, $0x12  }
0x17: {  	[tilespmem:s13+$0x0 ss:$0x81] =	vst.msk $0xffff, v63;
	s31 =	sadd.s32 s14, s15;
	s11 =	sor.u32 $0x400, s11  }
0x18: {  	[hbm4b:s31+s11] =	stream.strided.scatter [tilespmem:s12], [sflag:$0x2], $0x4000, s8, s11, $0x20;
	[tilespmem:$0x10100] =	vst v63  }
.LBB1_5:
0x19: {  	s13 =	sadd.s32 $0x1000, s9  }
0x1a: {  	p2 =	sgt.s32 s13, $0x186FF  }
0x1b: {  	s13 =	smov.u32 @p2 s2;
	p2 =	sne.s32 s10, s7  }
.Ltmp1:
0x1c: {  	p1 =	slt.u32 s10, $0x2;
	(pc) =	sbr.rel @!p2 .LBB1_6-.Ltmp1, $4  }
0x1d: {  	s12 =	simm.s32 @!p1 $0x2  }
0x1e: {  	s14 =	sadd.s32 $0x1, s10;
	_ =	swait.ge @!p1 [sflag:s12], $0x4000  }
0x1f: {  	s11 =	smov.u32 s9;
	p0 =	por !p0, !p0;
	[sflag:s12] =	ssyncset.done @!p1 $0x0  }
0x20: {  	s10 =	smov.u32 s14;
	s9 =	smov.u32 s13;
	[sflag:s12] =	ssyncadd.s32 @!p1 $0xFFFFC000  }
.LBB1_1:
0x21: {  	p1 =	sge.u32 s10, s6  }
0x22: {  	s12 =	sand.u32 @!p1 $0x1FFFFFF, s9  }
0x23: {  	s13 =	smulhi.u32 @!p1 $0x29E71ED, s12;
	_ =	sdelay $0x1  }
0x24: {  	s13 =	sshrl.u32 @!p1 s13, $0xA  }
0x25: {  	s13 =	smul.u32 @!p1 $0x18700, s13;
	_ =	sdelay $0x1  }
0x26: {  	s14 =	sxor.u32 @!p1 $0xFFFFFFFF, s10;
	s12 =	ssub.s32 @!p1 s12, s13  }
0x27: {  	s31 =	sadd.s32 $0xFFFFFFFF, s10;
	s13 =	sshll.u32 @!p1 s14, $0xE;
	s12 =	sshll.u32 @!p1 s12, $0x4  }
0x28: {  	s14 =	simm.s32 @!p1 $0x0;
	s13 =	sand.u32 @!p1 $0x4000, s13;
	s12 =	sadd.s32 @!p1 s3, s12  }
0x29: {  	[tilespmem:s13], [sflag:$0x1] =	stream.linear.gather @!p1 [hbm4b:s12+s14], $0x4000, $0x38;
	[tilespmem:$0x10100] =	vst v63  }
0x2a: {  	p1 =	sge.u32 s31, s6  }
.Ltmp2:
0x2b: {  	_ = 	snop;
	(pc) =	sbr.rel @p1 .LBB1_5-.Ltmp2, $1  }
0x2c: {  	_ =	sdelay $0x3  }
0x2d: {  	s12 =	simm.s32 $0x1  }
0x2e: {  	_ =	swait.ge [sflag:s5], $0x4000;
	s12 =	simm.s32 @!p0 $0x0  }
0x2f: {  	[sflag:s5] =	ssyncset.done $0x0;
	s13 =	sshll.u32 s12, $0xE  }
0x30: {  	[sflag:s5] =	ssyncadd.s32 $0xFFFFC000;
	s15 =	sor.u32 $0x40, s13  }
0x31: {  	s12 =	smul.u32 $0x10200, s12;
	v0 =	vld [tilespmem:s15+$0x30]  }
0x32: {  	v1 =	vld [tilespmem:s15+$0xFFFFFFD0]  }
0x33: {  	s12 =	sshrl.u32 s12, $0x2;
	v5 =	vld [tilespmem:s15+$0xFFFFFFE0]  }
0x34: {  	v6 =	vld [tilespmem:s15+$0xFFFFFFF0];
	s13 =	sor.u32 $0x8000, s12  }
0x35: {  	s31 =	sand.u32 $0x1, s10;
	v3 =	vld [tilespmem:s15+$0x0];
	s14 =	sadd.s32 $0x0, s13  }
0x36: {  	v4 =	vld [tilespmem:s15+$0x10];
	s12 =	smul.u32 $0x10200, s31;
	[tilespmem:s14+$0x3870 ss:$0x81] =	vst.msk $0xffff, v0  }
0x37: {  	v2 =	vld [tilespmem:s15+$0x20];
	[tilespmem:s14+$0x810 ss:$0x81] =	vst.msk $0xffff, v1  }
0x38: {  	s12 =	sshrl.u32 s12, $0x2;
	v0 =	vld [tilespmem:s15+$0xFFFFFFC0];
	[tilespmem:s14+$0x1020 ss:$0x81] =	vst.msk $0xffff, v5;
	s15 =	sadd.s32 $0x80, s15  }
0x39: {  	s16 =	simm.s32 $0x4;
	s17 =	simm.s32 $0x8;
	s12 =	sor.u32 $0x8000, s12;
	[tilespmem:s14+$0x1830 ss:$0x81] =	vst.msk $0xffff, v6;
	v1 =	vld [tilespmem:s15+$0x30]  }
.LBB1_3:
0x3a: {  	p1 =	sne.s32 s17, $0x1FC;
	v5 =	vld [tilespmem:s15+$0xFFFFFFD0];
	[tilespmem:s14+$0x2040 ss:$0x81] =	vst.msk $0xffff, v3  }
0x3b: {  	v6 =	vld [tilespmem:s15+$0xFFFFFFE0];
	[tilespmem:s14+$0x2850 ss:$0x81] =	vst.msk $0xffff, v4  }
0x3c: {  	s18 =	sshra.s32 s16, $0x2;
	s16 =	smov.u32 s17;
	v7 =	vld [tilespmem:s15+$0xFFFFFFF0];
	[tilespmem:s14+$0x3060 ss:$0x81] =	vst.msk $0xffff, v2  }
.Ltmp3:
0x3d: {  	v3 =	vld [tilespmem:s15+$0x0];
	[tilespmem:s14+$0x0 ss:$0x81] =	vst.msk $0xffff, v0;
	s14 =	sadd.s32 s18, s13;
	(pc) =	sbr.rel @p1 .LBB1_3-.Ltmp3, $4  }
0x3e: {  	v4 =	vld [tilespmem:s15+$0x10];
	[tilespmem:s14+$0x3870 ss:$0x81] =	vst.msk $0xffff, v1  }
0x3f: {  	[tilespmem:s14+$0x810 ss:$0x81] =	vst.msk $0xffff, v5;
	v2 =	vld [tilespmem:s15+$0x20]  }
0x40: {  	v0 =	vld [tilespmem:s15+$0xFFFFFFC0];
	[tilespmem:s14+$0x1020 ss:$0x81] =	vst.msk $0xffff, v6;
	s15 =	sadd.s32 $0x80, s15  }
0x41: {  	s17 =	sadd.s32 $0x4, s17;
	v1 =	vld [tilespmem:s15+$0x30];
	[tilespmem:s14+$0x1830 ss:$0x81] =	vst.msk $0xffff, v7  }
.Ltmp4:
0x42: {  	_ = 	snop;
	(pc) =	sbr.rel .LBB1_4-.Ltmp4, $1  }
0x43: {  	_ =	sdelay $0x3  }
.LBB1_6:
0x44: {  	_ =	sfence.sel $0x180000  }
0x45: {  	s2 =	simm.s32 $0x1;
	[bflag:$0x0] =	sbarrier.arrive $0xFFFF  }
0x46: {  	s31 =	simm.s32 $0x2;
	[sflag:s2] =	ssyncpa.u1 $0x1  }
0x47: {  	[sflag:s31] =	ssyncpa.u1 $0x1  }
0x48: {  	p0 =	sne.s32 s0, $0x0;
	_ =	strace $0x90000047  }
0x49: {  	s0 =	sadd.s32 @!p0 $0x100000, s1;
	[bflag:$0x2] =	sbarrier.arrive $0xFFFF  }
0x4a: {  	[sflag:s0] =	ssyncadd.tile.s32 @!p0 $0x1;
	_ =	shalt  }
.Lfunc_end1:
_tile_overlayer_lowered:
.L_overlay_start_2:
0x4b: {  	(tag) =	ssettag $0x2  }
0x4c: {  	s0 =	rddreg [dreg:$0x0];
	s2 =	stileid.u32  }
0x4d: {  	s1 =	rddreg [dreg:$0x1];
	p0 =	sne.s32 s2, $0x0  }
0x4e: {  	s3 =	rddreg [dreg:$0x2];
	[bflag:$0x3] =	sbarrier.arrive $0xFFFF;
	s2 =	simm.s32 @!p0 $0x1C01  }
0x4f: {  	[timem:s3], [sflag:s2] =	dma.local @!p0 [hbm:s0], s1  }
0x50: {  	s0 =	simm.s32 @!p0 $0x1  }
0x51: {  	_ =	swait.ge @!p0 [sflag:s0], s1  }
0x52: {  	s1 =	ssub.s32 @!p0 $0x0, s1;
	[sflag:s0] =	ssyncset.done @!p0 $0x0  }
0x53: {  	[sflag:s0] =	ssyncadd.s32 @!p0 s1  }
0x54: {  	[bflag:$0x3] =	sbarrier.arrive $0xFFFF  }
0x55: {  	_ =	shalt  }

</sc_bundles>
